<compile_context>
chip_gen: v7x
topology: tpu7x:2x2x1
jax: 0.10.2.dev20260603
libtpu: 0.0.44.dev20260713+nightly
codegen_flags: <defaults>
</compile_context>

<pallas_src>
import functools

import jax
import jax.numpy as jnp
from jax import lax
from jax.experimental import pallas as pl
from jax.experimental.pallas import tpu as pltpu
from jax.experimental.pallas import tpu_sc as plsc

F = 4
CHUNK = 128
NC, NS = 2, 16
NW = NC * NS
L = 16
G = 64

_HI = lax.Precision.HIGHEST


def _tanh(x):
    xc = jnp.clip(x, -7.90531110763549805, 7.90531110763549805)
    x2 = xc * xc
    p = jnp.float32(-2.76076847742355e-16)
    p = x2 * p + jnp.float32(2.00018790482477e-13)
    p = x2 * p + jnp.float32(-8.60467152213735e-11)
    p = x2 * p + jnp.float32(5.12229709037114e-08)
    p = x2 * p + jnp.float32(1.48572235717979e-05)
    p = x2 * p + jnp.float32(6.37261928875436e-04)
    p = x2 * p + jnp.float32(4.89352455891786e-03)
    p = xc * p
    q = x2 * jnp.float32(1.19825839466702e-06) + jnp.float32(1.18534705686654e-04)
    q = x2 * q + jnp.float32(2.26843463243900e-03)
    q = x2 * q + jnp.float32(4.89352518554385e-03)
    r = p / q
    return jnp.where(jnp.abs(x) < 0.0004, x, r)


def _pad2(a, shape):
    out = jnp.zeros(shape, jnp.float32)
    return out.at[tuple(slice(0, s) for s in a.shape)].set(a)


def kernel(x, W1, b1, W2, b2, W3, b3, Wc, bc, edge_index, batch):
    N, D = x.shape
    E = edge_index.shape[1]
    f32 = jnp.float32

    EPS = CHUNK * NW
    RPW = (-(-E // EPS) + 7) // 8 * 8
    EP = RPW * EPS
    NP = ((N + 1 + 127) // 128) * 128
    NP4 = NP * F
    NPR = NP4 // 128

    src = edge_index[0]
    dst = edge_index[1]
    pad_e = EP - E
    srcp = jnp.concatenate([src, jnp.zeros((pad_e,), jnp.int32)]).reshape(
        EP // CHUNK, CHUNK)
    dstp = jnp.concatenate([dst, jnp.full((pad_e,), N, jnp.int32)]).reshape(
        EP // CHUNK, CHUNK)
    x_pk = _pad2(x, (NP, D)).reshape(NPR, 32 * D)
    eye32 = jnp.eye(32, dtype=f32)
    W1bd = jnp.kron(eye32, _pad2(W1, (D, F)))
    W2bd = jnp.kron(eye32, _pad2(W2, (F, F)))
    W3bd = jnp.kron(eye32, _pad2(W3, (F, F)))
    b1t = jnp.tile(_pad2(b1.reshape(1, -1), (1, F)), (1, 32))
    b2t = jnp.tile(_pad2(b2.reshape(1, -1), (1, F)), (1, 32))
    b3t = jnp.tile(_pad2(b3.reshape(1, -1), (1, F)), (1, 32))
    Wcp = _pad2(Wc, (F, 8))
    bcp = _pad2(bc.reshape(1, -1), (1, 8))

    mesh = plsc.VectorSubcoreMesh(core_axis_name="c", subcore_axis_name="s")
    sc_params = pltpu.CompilerParams(use_tc_tiling_on_sc=False,
                                     needs_layout_passes=False)

    @functools.partial(
        pl.kernel,
        out_type=jax.ShapeDtypeStruct((NW, NP4), f32),
        mesh=mesh,
        compiler_params=sc_params,
        scratch_types=[
            pltpu.VMEM((RPW, CHUNK), jnp.int32),
            pltpu.VMEM((NP4,), f32),
        ],
    )
    def deg_sc(dst_hbm, out_hbm, didx, acc):
        c = lax.axis_index("c")
        s = lax.axis_index("s")
        w = c * NS + s
        ones = jnp.ones((L,), f32)

        @pl.loop(0, NP4 // L)
        def _(i):
            acc[pl.ds(i * L, L)] = jnp.zeros((L,), f32)

        pltpu.sync_copy(dst_hbm.at[pl.ds(w * RPW, RPW)], didx)

        @pl.loop(0, RPW)
        def _(i):
            for k in range(CHUNK // L):
                d16 = didx[i, pl.ds(k * L, L)]
                base = d16 * F
                for j in range(F):
                    plsc.addupdate_scatter(acc, [base + j], ones)

        pltpu.sync_copy(acc, out_hbm.at[w])

    @functools.partial(
        pl.kernel,
        out_type=jax.ShapeDtypeStruct((NW, NP4), f32),
        mesh=mesh,
        compiler_params=sc_params,
        scratch_types=[
            pltpu.VMEM((RPW, CHUNK), jnp.int32),
            pltpu.VMEM((RPW, CHUNK), jnp.int32),
            pltpu.VMEM((NP4,), f32),
            pltpu.VMEM((NP4,), f32),
        ],
    )
    def mp_sc(src_hbm, dst_hbm, tab_hbm, out_hbm, sidx, didx, tab, acc):
        c = lax.axis_index("c")
        s = lax.axis_index("s")
        w = c * NS + s

        @pl.loop(0, NP4 // L)
        def _(i):
            acc[pl.ds(i * L, L)] = jnp.zeros((L,), f32)

        pltpu.sync_copy(src_hbm.at[pl.ds(w * RPW, RPW)], sidx)
        pltpu.sync_copy(dst_hbm.at[pl.ds(w * RPW, RPW)], didx)
        pltpu.sync_copy(tab_hbm, tab)

        @pl.loop(0, RPW)
        def _(i):
            for k in range(CHUNK // L):
                s16 = sidx[i, pl.ds(k * L, L)] * F
                d16 = didx[i, pl.ds(k * L, L)] * F
                for j in range(F):
                    v = plsc.load_gather(tab, [s16 + j])
                    plsc.addupdate_scatter(acc, [d16 + j], v)

        pltpu.sync_copy(acc, out_hbm.at[w])

    def prep_body(x_ref, w_ref, dg_ref, m_ref, dv_ref):
        dg = jnp.sum(dg_ref[...], axis=0) + 1.0
        dv0 = lax.rsqrt(dg)
        dv = dv0 * (1.5 - 0.5 * dg * dv0 * dv0)
        m = jnp.dot(x_ref[...], w_ref[...], preferred_element_type=f32)
        m_ref[...] = dv * m
        dv_ref[...] = dv

    prep_tc = pl.pallas_call(
        prep_body,
        in_specs=[
            pl.BlockSpec((NPR, 32 * D), lambda: (0, 0)),
            pl.BlockSpec((32 * D, 128), lambda: (0, 0)),
            pl.BlockSpec((NW, NPR, 128), lambda: (0, 0, 0)),
        ],
        out_specs=[pl.BlockSpec((NPR, 128), lambda: (0, 0))] * 2,
        out_shape=[jax.ShapeDtypeStruct((NPR, 128), f32)] * 2,
    )

    def layer_body(ag_ref, mp_ref, dv_ref, b_ref, w_ref, out_ref):
        dv = dv_ref[...]
        agg = dv * (jnp.sum(ag_ref[...], axis=0) + mp_ref[...])
        h = _tanh(agg + b_ref[...])
        out_ref[...] = dv * jnp.dot(h, w_ref[...], preferred_element_type=f32)

    layer_tc = pl.pallas_call(
        layer_body,
        in_specs=[
            pl.BlockSpec((NW, NPR, 128), lambda: (0, 0, 0)),
            pl.BlockSpec((NPR, 128), lambda: (0, 0)),
            pl.BlockSpec((NPR, 128), lambda: (0, 0)),
            pl.BlockSpec((1, 128), lambda: (0, 0)),
            pl.BlockSpec((128, 128), lambda: (0, 0)),
        ],
        out_specs=pl.BlockSpec((NPR, 128), lambda: (0, 0)),
        out_shape=jax.ShapeDtypeStruct((NPR, 128), f32),
    )

    def hfin_body(ag_ref, mp_ref, dv_ref, b_ref, out_ref):
        agg = dv_ref[...] * (jnp.sum(ag_ref[...], axis=0)
                             + mp_ref[...])
        out_ref[...] = _tanh(agg + b_ref[...])

    hfin_tc = pl.pallas_call(
        hfin_body,
        in_specs=[
            pl.BlockSpec((NW, NPR, 128), lambda: (0, 0, 0)),
            pl.BlockSpec((NPR, 128), lambda: (0, 0)),
            pl.BlockSpec((NPR, 128), lambda: (0, 0)),
            pl.BlockSpec((1, 128), lambda: (0, 0)),
        ],
        out_specs=pl.BlockSpec((NPR, 128), lambda: (0, 0)),
        out_shape=jax.ShapeDtypeStruct((NPR, 128), f32),
    )

    BP = 2000
    NB = N // BP

    def pool_body(h_ref, b_ref, wc_ref, bc_ref, sums_ref, cnts_ref, out_ref):
        i = pl.program_id(0)
        bb = b_ref[0]
        gid = lax.broadcasted_iota(jnp.int32, (G, 1), 0)
        oh = (bb == gid).astype(f32)
        s_blk = jnp.dot(oh, h_ref[...], preferred_element_type=f32,
                        precision=_HI)
        c_blk = jnp.dot(oh, jnp.ones((BP, F), f32),
                        preferred_element_type=f32, precision=_HI)

        @pl.when(i == 0)
        def _():
            sums_ref[...] = jnp.zeros((G, F), f32)
            cnts_ref[...] = jnp.zeros((G, F), f32)

        sums_ref[...] += s_blk
        cnts_ref[...] += c_blk

        @pl.when(i == NB - 1)
        def _():
            pooled = sums_ref[...] / jnp.maximum(cnts_ref[...], 1.0)
            out_ref[...] = jnp.dot(pooled, wc_ref[...],
                                   preferred_element_type=f32) + bc_ref[...]

    pool_tc = pl.pallas_call(
        pool_body,
        grid=(NB,),
        in_specs=[
            pl.BlockSpec((BP, F), lambda i: (i, 0)),
            pl.BlockSpec((1, 1, BP), lambda i: (i, 0, 0)),
            pl.BlockSpec((F, 8), lambda i: (0, 0)),
            pl.BlockSpec((1, 8), lambda i: (0, 0)),
        ],
        out_specs=[
            pl.BlockSpec((G, F), lambda i: (0, 0)),
            pl.BlockSpec((G, F), lambda i: (0, 0)),
            pl.BlockSpec((G, 8), lambda i: (0, 0)),
        ],
        out_shape=[
            jax.ShapeDtypeStruct((G, F), f32),
            jax.ShapeDtypeStruct((G, F), f32),
            jax.ShapeDtypeStruct((G, 8), f32),
        ],
    )

    degp = deg_sc(dstp)
    m1p, dv = prep_tc(x_pk, W1bd, degp.reshape(NW, NPR, 128))
    agg1 = mp_sc(srcp, dstp, m1p.reshape(NP4))
    m2p = layer_tc(agg1.reshape(NW, NPR, 128), m1p, dv, b1t, W2bd)
    agg2 = mp_sc(srcp, dstp, m2p.reshape(NP4))
    m3p = layer_tc(agg2.reshape(NW, NPR, 128), m2p, dv, b2t, W3bd)
    agg3 = mp_sc(srcp, dstp, m3p.reshape(NP4))
    h3pk = hfin_tc(agg3.reshape(NW, NPR, 128), m3p, dv, b3t)

    h3 = h3pk.reshape(NP, F)[:N]
    batch3d = batch.reshape(NB, 1, BP)
    _, _, outp = pool_tc(h3, batch3d, Wcp, bcp)

    return (outp[:, :1], h3[:, :2])

# --- scband reference (transcript-rebuilt; emitter-appended) ---
"""Pipeline reference for scband-gcn-29454885716255 (READ-ONLY COPY).

The authoritative reference and input builder live on the scoring server;
editing this copy changes nothing except your own understanding.
"""

import jax, jax.numpy as jnp
import numpy as np

N = 10000
E = 320000
D = 128
G = 64


def setup_inputs(seed: int = 0) -> dict:
    key = jax.random.key(seed)
    ks = jax.random.split(key, 12)
    x = jax.random.normal(ks[0], (N, D), dtype=jnp.float32)
    edge_index = jax.random.randint(ks[1], (2, E), 0, N, dtype=jnp.int32)
    batch = jnp.sort(jax.random.randint(ks[2], (N,), 0, G, dtype=jnp.int32))
    W1 = jax.random.normal(ks[3], (D, 4), dtype=jnp.float32) * (1.0 / np.sqrt(D))
    b1 = jnp.zeros((4,), dtype=jnp.float32)
    W2 = jax.random.normal(ks[4], (4, 4), dtype=jnp.float32) * 0.5
    b2 = jnp.zeros((4,), dtype=jnp.float32)
    W3 = jax.random.normal(ks[5], (4, 2), dtype=jnp.float32) * 0.5
    b3 = jnp.zeros((2,), dtype=jnp.float32)
    Wc = jax.random.normal(ks[6], (2, 1), dtype=jnp.float32) * 0.5
    bc = jnp.zeros((1,), dtype=jnp.float32)
    return {"x": x, "W1": W1, "b1": b1, "W2": W2, "b2": b2, "W3": W3, "b3": b3, "Wc": Wc, "bc": bc, "edge_index": edge_index, "batch": batch}


def gcn_conv(x, edge_index, W, b):
    # PyG-style GCNConv: add self-loops, symmetric normalization, linear transform, scatter-add
    n = x.shape[0]
    loop = jnp.arange(n, dtype=edge_index.dtype)
    src = jnp.concatenate([edge_index[0], loop])
    dst = jnp.concatenate([edge_index[1], loop])
    deg = jnp.zeros((n,), dtype=x.dtype).at[dst].add(1.0)
    dinv = jnp.where(deg > 0, 1.0 / jnp.sqrt(deg), 0.0)
    norm = dinv[src] * dinv[dst]
    h = x @ W
    msg = h[src] * norm[:, None]
    out = jnp.zeros((n, h.shape[1]), dtype=x.dtype).at[dst].add(msg)
    return out + b


def global_mean_pool(h, batch, num_graphs):
    sums = jax.ops.segment_sum(h, batch, num_segments=num_graphs)
    cnts = jax.ops.segment_sum(jnp.ones((h.shape[0], 1), dtype=h.dtype), batch, num_segments=num_graphs)
    return sums / jnp.maximum(cnts, 1.0)


def reference(x, W1, b1, W2, b2, W3, b3, Wc, bc, edge_index, batch):
    h = jnp.tanh(gcn_conv(x, edge_index, W1, b1))
    h = jnp.tanh(gcn_conv(h, edge_index, W2, b2))
    h = jnp.tanh(gcn_conv(h, edge_index, W3, b3))
    pooled = global_mean_pool(h, batch, G)
    out = pooled @ Wc + bc
    return (out, h)

if __name__ == "__main__":
    import jax
    _d = setup_inputs()
    print(jax.jit(kernel)(*tuple(_d.values())))

</pallas_src>

<mosaic_0001>
#map = affine_map<(d0, d1) -> (0, 0)>
module attributes {stable_mosaic.version = 14 : i64} {
  func.func @deg_sc(%arg0: i32, %arg1: i32, %arg2: memref<2560x128xi32, #tpu.memory_space<hbm>>, %arg3: memref<32x40448xf32, #tpu.memory_space<hbm>>, %arg4: memref<80x128xi32, #tpu.memory_space<vmem>>, %arg5: memref<40448xf32, #tpu.memory_space<vmem>>) attributes {dimension_semantics = [#tpu.dimension_semantics<core_parallel>, #tpu.dimension_semantics<subcore_parallel>], iteration_bounds = array<i64: 2, 16>, scalar_prefetch = 0 : i64, scratch_operands = 2 : i64, tpu.core_type = #tpu.core_type<sc_vector_subcore>, window_params = [{transform_indices = #map}, {transform_indices = #map}]} {
    %mul3A = arith.constant 16 : i32
    %mul3A_0 = arith.muli %arg0, %mul3A : i32
    %add3A = arith.addi %mul3A_0, %arg1 : i32
    %broadcast_in_dim3A = arith.constant 1.000000e+00 : f32
    %broadcast_in_dim3A_1 = vector.broadcast %broadcast_in_dim3A : f32 to vector<16xf32>
    %scan3A = arith.constant 0 : i32
    %scan3A_2 = arith.constant 2528 : i32
    %scan3A_3 = arith.addi %scan3A, %scan3A_2 : i32
    %scan3A_4 = arith.constant 1 : i32
    scf.for %scan3A_13 = %scan3A to %scan3A_3 step %scan3A_4  : i32 {
      %mul3A_14 = arith.constant 1 : i32
      %mul3A_15 = arith.muli %scan3A_13, %mul3A_14 : i32
      %add3A_16 = arith.constant 0 : i32
      %add3A_17 = arith.addi %add3A_16, %mul3A_15 : i32
      %broadcast_in_dim3A_18 = arith.constant 0.000000e+00 : f32
      %broadcast_in_dim3A_19 = vector.broadcast %broadcast_in_dim3A_18 : f32 to vector<16xf32>
      %mul3A_20 = arith.constant 16 : i32
      %mul3A_21 = arith.muli %add3A_17, %mul3A_20 : i32
      %swap3A = arith.index_cast %mul3A_21 : i32 to index
      %swap3A_22 = tpu.vector_load %arg5[%swap3A] {strides = array<i32>} : memref<40448xf32, #tpu.memory_space<vmem>>, vector<16xf32>,
      tpu.vector_store %arg5[%swap3A], %broadcast_in_dim3A_19 {strides = array<i32>} : memref<40448xf32, #tpu.memory_space<vmem>>, vector<16xf32>,
    }
    %scan3A_5 = arith.constant 2528 : i32
    %mul3A_6 = arith.constant 80 : i32
    %mul3A_7 = arith.muli %add3A, %mul3A_6 : i32
    "tpu.region"() ({
      %run_scoped3A = tpu.sem_alloc : memref<!tpu.dma_semaphore, #tpu.memory_space<semaphore_mem>>
      %dma_start3A = arith.constant 0 : i32
      %dma_start3A_13 = tpu.memref_slice %arg2[%mul3A_7, %dma_start3A] : memref<2560x128xi32, #tpu.memory_space<hbm>> -> memref<80x128xi32, #tpu.memory_space<hbm>>
      %dma_start3A_14 = arith.constant 0 : i32
      %dma_start3A_15 = tpu.memref_slice %arg2[%mul3A_7, %dma_start3A_14] : memref<2560x128xi32, #tpu.memory_space<hbm>> -> memref<80x128xi32, #tpu.memory_space<hbm>>
      tpu.enqueue_dma source(%dma_start3A_15 : memref<80x128xi32, #tpu.memory_space<hbm>>) target(%arg4 : memref<80x128xi32, #tpu.memory_space<vmem>>) target_semaphore(%run_scoped3A : memref<!tpu.dma_semaphore, #tpu.memory_space<semaphore_mem>>)
      %dma_wait3A = arith.constant 0 : i32
      %dma_wait3A_16 = tpu.memref_slice %arg2[%mul3A_7, %dma_wait3A] : memref<2560x128xi32, #tpu.memory_space<hbm>> -> memref<80x128xi32, #tpu.memory_space<hbm>>
      %dma_wait3A_17 = arith.constant 0 : i32
      %dma_wait3A_18 = tpu.memref_slice %arg2[%mul3A_7, %dma_wait3A_17] : memref<2560x128xi32, #tpu.memory_space<hbm>> -> memref<80x128xi32, #tpu.memory_space<hbm>>
      tpu.wait_dma2 semaphore(%run_scoped3A : memref<!tpu.dma_semaphore, #tpu.memory_space<semaphore_mem>>) src(%dma_wait3A_18 : memref<80x128xi32, #tpu.memory_space<hbm>>) dst(%arg4 : memref<80x128xi32, #tpu.memory_space<vmem>>)
      tpu.yield
    }) : () -> ()
    %scan3A_8 = arith.constant 0 : i32
    %scan3A_9 = arith.constant 80 : i32
    %scan3A_10 = arith.addi %scan3A_8, %scan3A_9 : i32
    %scan3A_11 = arith.constant 1 : i32
    scf.for %scan3A_13 = %scan3A_8 to %scan3A_10 step %scan3A_11  : i32 {
      %mul3A_14 = arith.constant 1 : i32
      %mul3A_15 = arith.muli %scan3A_13, %mul3A_14 : i32
      %add3A_16 = arith.constant 0 : i32
      %add3A_17 = arith.addi %add3A_16, %mul3A_15 : i32
      %get3A = arith.index_cast %add3A_17 : i32 to index
      %get3A_18 = arith.constant 0 : index
      %get3A_19 = tpu.vector_load %arg4[%get3A, %get3A_18] {strides = array<i32>} : memref<80x128xi32, #tpu.memory_space<vmem>>, vector<16xi32>,
      %mul3A_20 = arith.constant 4 : i32
      %mul3A_21 = vector.broadcast %mul3A_20 : i32 to vector<16xi32>
      %mul3A_22 = arith.muli %get3A_19, %mul3A_21 : vector<16xi32>
      %add3A_23 = arith.constant 0 : i32
      %add3A_24 = vector.broadcast %add3A_23 : i32 to vector<16xi32>
      %add3A_25 = arith.addi %mul3A_22, %add3A_24 : vector<16xi32>
      tpu.vector_store_idx %arg5[%add3A_25], %broadcast_in_dim3A_1 {add = true} : memref<40448xf32, #tpu.memory_space<vmem>>[vector<16xi32>], vector<16xf32>,
      %add3A_26 = arith.constant 1 : i32
      %add3A_27 = vector.broadcast %add3A_26 : i32 to vector<16xi32>
      %add3A_28 = arith.addi %mul3A_22, %add3A_27 : vector<16xi32>
      tpu.vector_store_idx %arg5[%add3A_28], %broadcast_in_dim3A_1 {add = true} : memref<40448xf32, #tpu.memory_space<vmem>>[vector<16xi32>], vector<16xf32>,
      %add3A_29 = arith.constant 2 : i32
      %add3A_30 = vector.broadcast %add3A_29 : i32 to vector<16xi32>
      %add3A_31 = arith.addi %mul3A_22, %add3A_30 : vector<16xi32>
      tpu.vector_store_idx %arg5[%add3A_31], %broadcast_in_dim3A_1 {add = true} : memref<40448xf32, #tpu.memory_space<vmem>>[vector<16xi32>], vector<16xf32>,
      %add3A_32 = arith.constant 3 : i32
      %add3A_33 = vector.broadcast %add3A_32 : i32 to vector<16xi32>
      %add3A_34 = arith.addi %mul3A_22, %add3A_33 : vector<16xi32>
      tpu.vector_store_idx %arg5[%add3A_34], %broadcast_in_dim3A_1 {add = true} : memref<40448xf32, #tpu.memory_space<vmem>>[vector<16xi32>], vector<16xf32>,
      %get3A_35 = arith.index_cast %add3A_17 : i32 to index
      %get3A_36 = arith.constant 16 : index
      %get3A_37 = tpu.vector_load %arg4[%get3A_35, %get3A_36] {strides = array<i32>} : memref<80x128xi32, #tpu.memory_space<vmem>>, vector<16xi32>,
      %mul3A_38 = arith.constant 4 : i32
      %mul3A_39 = vector.broadcast %mul3A_38 : i32 to vector<16xi32>
      %mul3A_40 = arith.muli %get3A_37, %mul3A_39 : vector<16xi32>
      %add3A_41 = arith.constant 0 : i32
      %add3A_42 = vector.broadcast %add3A_41 : i32 to vector<16xi32>
      %add3A_43 = arith.addi %mul3A_40, %add3A_42 : vector<16xi32>
      tpu.vector_store_idx %arg5[%add3A_43], %broadcast_in_dim3A_1 {add = true} : memref<40448xf32, #tpu.memory_space<vmem>>[vector<16xi32>], vector<16xf32>,
      %add3A_44 = arith.constant 1 : i32
      %add3A_45 = vector.broadcast %add3A_44 : i32 to vector<16xi32>
      %add3A_46 = arith.addi %mul3A_40, %add3A_45 : vector<16xi32>
      tpu.vector_store_idx %arg5[%add3A_46], %broadcast_in_dim3A_1 {add = true} : memref<40448xf32, #tpu.memory_space<vmem>>[vector<16xi32>], vector<16xf32>,
      %add3A_47 = arith.constant 2 : i32
      %add3A_48 = vector.broadcast %add3A_47 : i32 to vector<16xi32>
      %add3A_49 = arith.addi %mul3A_40, %add3A_48 : vector<16xi32>
      tpu.vector_store_idx %arg5[%add3A_49], %broadcast_in_dim3A_1 {add = true} : memref<40448xf32, #tpu.memory_space<vmem>>[vector<16xi32>], vector<16xf32>,
      %add3A_50 = arith.constant 3 : i32
      %add3A_51 = vector.broadcast %add3A_50 : i32 to vector<16xi32>
      %add3A_52 = arith.addi %mul3A_40, %add3A_51 : vector<16xi32>
      tpu.vector_store_idx %arg5[%add3A_52], %broadcast_in_dim3A_1 {add = true} : memref<40448xf32, #tpu.memory_space<vmem>>[vector<16xi32>], vector<16xf32>,
      %get3A_53 = arith.index_cast %add3A_17 : i32 to index
      %get3A_54 = arith.constant 32 : index
      %get3A_55 = tpu.vector_load %arg4[%get3A_53, %get3A_54] {strides = array<i32>} : memref<80x128xi32, #tpu.memory_space<vmem>>, vector<16xi32>,
      %mul3A_56 = arith.constant 4 : i32
      %mul3A_57 = vector.broadcast %mul3A_56 : i32 to vector<16xi32>
      %mul3A_58 = arith.muli %get3A_55, %mul3A_57 : vector<16xi32>
      %add3A_59 = arith.constant 0 : i32
      %add3A_60 = vector.broadcast %add3A_59 : i32 to vector<16xi32>
      %add3A_61 = arith.addi %mul3A_58, %add3A_60 : vector<16xi32>
      tpu.vector_store_idx %arg5[%add3A_61], %broadcast_in_dim3A_1 {add = true} : memref<40448xf32, #tpu.memory_space<vmem>>[vector<16xi32>], vector<16xf32>,
      %add3A_62 = arith.constant 1 : i32
      %add3A_63 = vector.broadcast %add3A_62 : i32 to vector<16xi32>
      %add3A_64 = arith.addi %mul3A_58, %add3A_63 : vector<16xi32>
      tpu.vector_store_idx %arg5[%add3A_64], %broadcast_in_dim3A_1 {add = true} : memref<40448xf32, #tpu.memory_space<vmem>>[vector<16xi32>], vector<16xf32>,
      %add3A_65 = arith.constant 2 : i32
      %add3A_66 = vector.broadcast %add3A_65 : i32 to vector<16xi32>
      %add3A_67 = arith.addi %mul3A_58, %add3A_66 : vector<16xi32>
      tpu.vector_store_idx %arg5[%add3A_67], %broadcast_in_dim3A_1 {add = true} : memref<40448xf32, #tpu.memory_space<vmem>>[vector<16xi32>], vector<16xf32>,
      %add3A_68 = arith.constant 3 : i32
      %add3A_69 = vector.broadcast %add3A_68 : i32 to vector<16xi32>
      %add3A_70 = arith.addi %mul3A_58, %add3A_69 : vector<16xi32>
      tpu.vector_store_idx %arg5[%add3A_70], %broadcast_in_dim3A_1 {add = true} : memref<40448xf32, #tpu.memory_space<vmem>>[vector<16xi32>], vector<16xf32>,
      %get3A_71 = arith.index_cast %add3A_17 : i32 to index
      %get3A_72 = arith.constant 48 : index
      %get3A_73 = tpu.vector_load %arg4[%get3A_71, %get3A_72] {strides = array<i32>} : memref<80x128xi32, #tpu.memory_space<vmem>>, vector<16xi32>,
      %mul3A_74 = arith.constant 4 : i32
      %mul3A_75 = vector.broadcast %mul3A_74 : i32 to vector<16xi32>
      %mul3A_76 = arith.muli %get3A_73, %mul3A_75 : vector<16xi32>
      %add3A_77 = arith.constant 0 : i32
      %add3A_78 = vector.broadcast %add3A_77 : i32 to vector<16xi32>
      %add3A_79 = arith.addi %mul3A_76, %add3A_78 : vector<16xi32>
      tpu.vector_store_idx %arg5[%add3A_79], %broadcast_in_dim3A_1 {add = true} : memref<40448xf32, #tpu.memory_space<vmem>>[vector<16xi32>], vector<16xf32>,
      %add3A_80 = arith.constant 1 : i32
      %add3A_81 = vector.broadcast %add3A_80 : i32 to vector<16xi32>
      %add3A_82 = arith.addi %mul3A_76, %add3A_81 : vector<16xi32>
      tpu.vector_store_idx %arg5[%add3A_82], %broadcast_in_dim3A_1 {add = true} : memref<40448xf32, #tpu.memory_space<vmem>>[vector<16xi32>], vector<16xf32>,
      %add3A_83 = arith.constant 2 : i32
      %add3A_84 = vector.broadcast %add3A_83 : i32 to vector<16xi32>
      %add3A_85 = arith.addi %mul3A_76, %add3A_84 : vector<16xi32>
      tpu.vector_store_idx %arg5[%add3A_85], %broadcast_in_dim3A_1 {add = true} : memref<40448xf32, #tpu.memory_space<vmem>>[vector<16xi32>], vector<16xf32>,
      %add3A_86 = arith.constant 3 : i32
      %add3A_87 = vector.broadcast %add3A_86 : i32 to vector<16xi32>
      %add3A_88 = arith.addi %mul3A_76, %add3A_87 : vector<16xi32>
      tpu.vector_store_idx %arg5[%add3A_88], %broadcast_in_dim3A_1 {add = true} : memref<40448xf32, #tpu.memory_space<vmem>>[vector<16xi32>], vector<16xf32>,
      %get3A_89 = arith.index_cast %add3A_17 : i32 to index
      %get3A_90 = arith.constant 64 : index
      %get3A_91 = tpu.vector_load %arg4[%get3A_89, %get3A_90] {strides = array<i32>} : memref<80x128xi32, #tpu.memory_space<vmem>>, vector<16xi32>,
      %mul3A_92 = arith.constant 4 : i32
      %mul3A_93 = vector.broadcast %mul3A_92 : i32 to vector<16xi32>
      %mul3A_94 = arith.muli %get3A_91, %mul3A_93 : vector<16xi32>
      %add3A_95 = arith.constant 0 : i32
      %add3A_96 = vector.broadcast %add3A_95 : i32 to vector<16xi32>
      %add3A_97 = arith.addi %mul3A_94, %add3A_96 : vector<16xi32>
      tpu.vector_store_idx %arg5[%add3A_97], %broadcast_in_dim3A_1 {add = true} : memref<40448xf32, #tpu.memory_space<vmem>>[vector<16xi32>], vector<16xf32>,
      %add3A_98 = arith.constant 1 : i32
      %add3A_99 = vector.broadcast %add3A_98 : i32 to vector<16xi32>
      %add3A_100 = arith.addi %mul3A_94, %add3A_99 : vector<16xi32>
      tpu.vector_store_idx %arg5[%add3A_100], %broadcast_in_dim3A_1 {add = true} : memref<40448xf32, #tpu.memory_space<vmem>>[vector<16xi32>], vector<16xf32>,
      %add3A_101 = arith.constant 2 : i32
      %add3A_102 = vector.broadcast %add3A_101 : i32 to vector<16xi32>
      %add3A_103 = arith.addi %mul3A_94, %add3A_102 : vector<16xi32>
      tpu.vector_store_idx %arg5[%add3A_103], %broadcast_in_dim3A_1 {add = true} : memref<40448xf32, #tpu.memory_space<vmem>>[vector<16xi32>], vector<16xf32>,
      %add3A_104 = arith.constant 3 : i32
      %add3A_105 = vector.broadcast %add3A_104 : i32 to vector<16xi32>
      %add3A_106 = arith.addi %mul3A_94, %add3A_105 : vector<16xi32>
      tpu.vector_store_idx %arg5[%add3A_106], %broadcast_in_dim3A_1 {add = true} : memref<40448xf32, #tpu.memory_space<vmem>>[vector<16xi32>], vector<16xf32>,
      %get3A_107 = arith.index_cast %add3A_17 : i32 to index
      %get3A_108 = arith.constant 80 : index
      %get3A_109 = tpu.vector_load %arg4[%get3A_107, %get3A_108] {strides = array<i32>} : memref<80x128xi32, #tpu.memory_space<vmem>>, vector<16xi32>,
      %mul3A_110 = arith.constant 4 : i32
      %mul3A_111 = vector.broadcast %mul3A_110 : i32 to vector<16xi32>
      %mul3A_112 = arith.muli %get3A_109, %mul3A_111 : vector<16xi32>
      %add3A_113 = arith.constant 0 : i32
      %add3A_114 = vector.broadcast %add3A_113 : i32 to vector<16xi32>
      %add3A_115 = arith.addi %mul3A_112, %add3A_114 : vector<16xi32>
      tpu.vector_store_idx %arg5[%add3A_115], %broadcast_in_dim3A_1 {add = true} : memref<40448xf32, #tpu.memory_space<vmem>>[vector<16xi32>], vector<16xf32>,
      %add3A_116 = arith.constant 1 : i32
      %add3A_117 = vector.broadcast %add3A_116 : i32 to vector<16xi32>
      %add3A_118 = arith.addi %mul3A_112, %add3A_117 : vector<16xi32>
      tpu.vector_store_idx %arg5[%add3A_118], %broadcast_in_dim3A_1 {add = true} : memref<40448xf32, #tpu.memory_space<vmem>>[vector<16xi32>], vector<16xf32>,
      %add3A_119 = arith.constant 2 : i32
      %add3A_120 = vector.broadcast %add3A_119 : i32 to vector<16xi32>
      %add3A_121 = arith.addi %mul3A_112, %add3A_120 : vector<16xi32>
      tpu.vector_store_idx %arg5[%add3A_121], %broadcast_in_dim3A_1 {add = true} : memref<40448xf32, #tpu.memory_space<vmem>>[vector<16xi32>], vector<16xf32>,
      %add3A_122 = arith.constant 3 : i32
      %add3A_123 = vector.broadcast %add3A_122 : i32 to vector<16xi32>
      %add3A_124 = arith.addi %mul3A_112, %add3A_123 : vector<16xi32>
      tpu.vector_store_idx %arg5[%add3A_124], %broadcast_in_dim3A_1 {add = true} : memref<40448xf32, #tpu.memory_space<vmem>>[vector<16xi32>], vector<16xf32>,
      %get3A_125 = arith.index_cast %add3A_17 : i32 to index
      %get3A_126 = arith.constant 96 : index
      %get3A_127 = tpu.vector_load %arg4[%get3A_125, %get3A_126] {strides = array<i32>} : memref<80x128xi32, #tpu.memory_space<vmem>>, vector<16xi32>,
      %mul3A_128 = arith.constant 4 : i32
      %mul3A_129 = vector.broadcast %mul3A_128 : i32 to vector<16xi32>
      %mul3A_130 = arith.muli %get3A_127, %mul3A_129 : vector<16xi32>
      %add3A_131 = arith.constant 0 : i32
      %add3A_132 = vector.broadcast %add3A_131 : i32 to vector<16xi32>
      %add3A_133 = arith.addi %mul3A_130, %add3A_132 : vector<16xi32>
      tpu.vector_store_idx %arg5[%add3A_133], %broadcast_in_dim3A_1 {add = true} : memref<40448xf32, #tpu.memory_space<vmem>>[vector<16xi32>], vector<16xf32>,
      %add3A_134 = arith.constant 1 : i32
      %add3A_135 = vector.broadcast %add3A_134 : i32 to vector<16xi32>
      %add3A_136 = arith.addi %mul3A_130, %add3A_135 : vector<16xi32>
      tpu.vector_store_idx %arg5[%add3A_136], %broadcast_in_dim3A_1 {add = true} : memref<40448xf32, #tpu.memory_space<vmem>>[vector<16xi32>], vector<16xf32>,
      %add3A_137 = arith.constant 2 : i32
      %add3A_138 = vector.broadcast %add3A_137 : i32 to vector<16xi32>
      %add3A_139 = arith.addi %mul3A_130, %add3A_138 : vector<16xi32>
      tpu.vector_store_idx %arg5[%add3A_139], %broadcast_in_dim3A_1 {add = true} : memref<40448xf32, #tpu.memory_space<vmem>>[vector<16xi32>], vector<16xf32>,
      %add3A_140 = arith.constant 3 : i32
      %add3A_141 = vector.broadcast %add3A_140 : i32 to vector<16xi32>
      %add3A_142 = arith.addi %mul3A_130, %add3A_141 : vector<16xi32>
      tpu.vector_store_idx %arg5[%add3A_142], %broadcast_in_dim3A_1 {add = true} : memref<40448xf32, #tpu.memory_space<vmem>>[vector<16xi32>], vector<16xf32>,
      %get3A_143 = arith.index_cast %add3A_17 : i32 to index
      %get3A_144 = arith.constant 112 : index
      %get3A_145 = tpu.vector_load %arg4[%get3A_143, %get3A_144] {strides = array<i32>} : memref<80x128xi32, #tpu.memory_space<vmem>>, vector<16xi32>,
      %mul3A_146 = arith.constant 4 : i32
      %mul3A_147 = vector.broadcast %mul3A_146 : i32 to vector<16xi32>
      %mul3A_148 = arith.muli %get3A_145, %mul3A_147 : vector<16xi32>
      %add3A_149 = arith.constant 0 : i32
      %add3A_150 = vector.broadcast %add3A_149 : i32 to vector<16xi32>
      %add3A_151 = arith.addi %mul3A_148, %add3A_150 : vector<16xi32>
      tpu.vector_store_idx %arg5[%add3A_151], %broadcast_in_dim3A_1 {add = true} : memref<40448xf32, #tpu.memory_space<vmem>>[vector<16xi32>], vector<16xf32>,
      %add3A_152 = arith.constant 1 : i32
      %add3A_153 = vector.broadcast %add3A_152 : i32 to vector<16xi32>
      %add3A_154 = arith.addi %mul3A_148, %add3A_153 : vector<16xi32>
      tpu.vector_store_idx %arg5[%add3A_154], %broadcast_in_dim3A_1 {add = true} : memref<40448xf32, #tpu.memory_space<vmem>>[vector<16xi32>], vector<16xf32>,
      %add3A_155 = arith.constant 2 : i32
      %add3A_156 = vector.broadcast %add3A_155 : i32 to vector<16xi32>
      %add3A_157 = arith.addi %mul3A_148, %add3A_156 : vector<16xi32>
      tpu.vector_store_idx %arg5[%add3A_157], %broadcast_in_dim3A_1 {add = true} : memref<40448xf32, #tpu.memory_space<vmem>>[vector<16xi32>], vector<16xf32>,
      %add3A_158 = arith.constant 3 : i32
      %add3A_159 = vector.broadcast %add3A_158 : i32 to vector<16xi32>
      %add3A_160 = arith.addi %mul3A_148, %add3A_159 : vector<16xi32>
      tpu.vector_store_idx %arg5[%add3A_160], %broadcast_in_dim3A_1 {add = true} : memref<40448xf32, #tpu.memory_space<vmem>>[vector<16xi32>], vector<16xf32>,
    }
    %scan3A_12 = arith.constant 80 : i32
    "tpu.region"() ({
      %run_scoped3A = tpu.sem_alloc : memref<!tpu.dma_semaphore, #tpu.memory_space<semaphore_mem>>
      %dma_start3A = arith.constant 0 : i32
      %dma_start3A_13 = tpu.memref_slice %arg3[%add3A, %dma_start3A] : memref<32x40448xf32, #tpu.memory_space<hbm>> -> memref<1x40448xf32, #tpu.memory_space<hbm>>
      %dma_start3A_14 = tpu.memref_squeeze %dma_start3A_13 : memref<1x40448xf32, #tpu.memory_space<hbm>> -> memref<40448xf32, #tpu.memory_space<hbm>>
      %dma_start3A_15 = arith.constant 0 : i32
      %dma_start3A_16 = tpu.memref_slice %arg3[%add3A, %dma_start3A_15] : memref<32x40448xf32, #tpu.memory_space<hbm>> -> memref<1x40448xf32, #tpu.memory_space<hbm>>
      %dma_start3A_17 = tpu.memref_squeeze %dma_start3A_16 : memref<1x40448xf32, #tpu.memory_space<hbm>> -> memref<40448xf32, #tpu.memory_space<hbm>>
      tpu.enqueue_dma source(%arg5 : memref<40448xf32, #tpu.memory_space<vmem>>) target(%dma_start3A_17 : memref<40448xf32, #tpu.memory_space<hbm>>) target_semaphore(%run_scoped3A : memref<!tpu.dma_semaphore, #tpu.memory_space<semaphore_mem>>)
      %dma_wait3A = arith.constant 0 : i32
      %dma_wait3A_18 = tpu.memref_slice %arg3[%add3A, %dma_wait3A] : memref<32x40448xf32, #tpu.memory_space<hbm>> -> memref<1x40448xf32, #tpu.memory_space<hbm>>
      %dma_wait3A_19 = tpu.memref_squeeze %dma_wait3A_18 : memref<1x40448xf32, #tpu.memory_space<hbm>> -> memref<40448xf32, #tpu.memory_space<hbm>>
      %dma_wait3A_20 = arith.constant 0 : i32
      %dma_wait3A_21 = tpu.memref_slice %arg3[%add3A, %dma_wait3A_20] : memref<32x40448xf32, #tpu.memory_space<hbm>> -> memref<1x40448xf32, #tpu.memory_space<hbm>>
      %dma_wait3A_22 = tpu.memref_squeeze %dma_wait3A_21 : memref<1x40448xf32, #tpu.memory_space<hbm>> -> memref<40448xf32, #tpu.memory_space<hbm>>
      tpu.wait_dma2 semaphore(%run_scoped3A : memref<!tpu.dma_semaphore, #tpu.memory_space<semaphore_mem>>) src(%arg5 : memref<40448xf32, #tpu.memory_space<vmem>>) dst(%dma_wait3A_22 : memref<40448xf32, #tpu.memory_space<hbm>>)
      tpu.yield
    }) : () -> ()
    return
  }
}

#map = affine_map<(d0, d1) -> (0, 0)>
#map1 = affine_map<(d0, d1) -> (0)>
module attributes {stable_mosaic.version = 14 : i64} {
  func.func @mp_sc(%arg0: i32, %arg1: i32, %arg2: memref<2560x128xi32, #tpu.memory_space<hbm>>, %arg3: memref<2560x128xi32, #tpu.memory_space<hbm>>, %arg4: memref<40448xf32, #tpu.memory_space<hbm>>, %arg5: memref<32x40448xf32, #tpu.memory_space<hbm>>, %arg6: memref<80x128xi32, #tpu.memory_space<vmem>>, %arg7: memref<80x128xi32, #tpu.memory_space<vmem>>, %arg8: memref<40448xf32, #tpu.memory_space<vmem>>, %arg9: memref<40448xf32, #tpu.memory_space<vmem>>) attributes {dimension_semantics = [#tpu.dimension_semantics<core_parallel>, #tpu.dimension_semantics<subcore_parallel>], iteration_bounds = array<i64: 2, 16>, scalar_prefetch = 0 : i64, scratch_operands = 4 : i64, tpu.core_type = #tpu.core_type<sc_vector_subcore>, window_params = [{transform_indices = #map}, {transform_indices = #map}, {transform_indices = #map1}, {transform_indices = #map}]} {
    %mul3A = arith.constant 16 : i32
    %mul3A_0 = arith.muli %arg0, %mul3A : i32
    %add3A = arith.addi %mul3A_0, %arg1 : i32
    %scan3A = arith.constant 0 : i32
    %scan3A_1 = arith.constant 2528 : i32
    %scan3A_2 = arith.addi %scan3A, %scan3A_1 : i32
    %scan3A_3 = arith.constant 1 : i32
    scf.for %scan3A_14 = %scan3A to %scan3A_2 step %scan3A_3  : i32 {
      %mul3A_15 = arith.constant 1 : i32
      %mul3A_16 = arith.muli %scan3A_14, %mul3A_15 : i32
      %add3A_17 = arith.constant 0 : i32
      %add3A_18 = arith.addi %add3A_17, %mul3A_16 : i32
      %broadcast_in_dim3A = arith.constant 0.000000e+00 : f32
      %broadcast_in_dim3A_19 = vector.broadcast %broadcast_in_dim3A : f32 to vector<16xf32>
      %mul3A_20 = arith.constant 16 : i32
      %mul3A_21 = arith.muli %add3A_18, %mul3A_20 : i32
      %swap3A = arith.index_cast %mul3A_21 : i32 to index
      %swap3A_22 = tpu.vector_load %arg9[%swap3A] {strides = array<i32>} : memref<40448xf32, #tpu.memory_space<vmem>>, vector<16xf32>,
      tpu.vector_store %arg9[%swap3A], %broadcast_in_dim3A_19 {strides = array<i32>} : memref<40448xf32, #tpu.memory_space<vmem>>, vector<16xf32>,
    }
    %scan3A_4 = arith.constant 2528 : i32
    %mul3A_5 = arith.constant 80 : i32
    %mul3A_6 = arith.muli %add3A, %mul3A_5 : i32
    "tpu.region"() ({
      %run_scoped3A = tpu.sem_alloc : memref<!tpu.dma_semaphore, #tpu.memory_space<semaphore_mem>>
      %dma_start3A = arith.constant 0 : i32
      %dma_start3A_14 = tpu.memref_slice %arg2[%mul3A_6, %dma_start3A] : memref<2560x128xi32, #tpu.memory_space<hbm>> -> memref<80x128xi32, #tpu.memory_space<hbm>>
      %dma_start3A_15 = arith.constant 0 : i32
      %dma_start3A_16 = tpu.memref_slice %arg2[%mul3A_6, %dma_start3A_15] : memref<2560x128xi32, #tpu.memory_space<hbm>> -> memref<80x128xi32, #tpu.memory_space<hbm>>
      tpu.enqueue_dma source(%dma_start3A_16 : memref<80x128xi32, #tpu.memory_space<hbm>>) target(%arg6 : memref<80x128xi32, #tpu.memory_space<vmem>>) target_semaphore(%run_scoped3A : memref<!tpu.dma_semaphore, #tpu.memory_space<semaphore_mem>>)
      %dma_wait3A = arith.constant 0 : i32
      %dma_wait3A_17 = tpu.memref_slice %arg2[%mul3A_6, %dma_wait3A] : memref<2560x128xi32, #tpu.memory_space<hbm>> -> memref<80x128xi32, #tpu.memory_space<hbm>>
      %dma_wait3A_18 = arith.constant 0 : i32
      %dma_wait3A_19 = tpu.memref_slice %arg2[%mul3A_6, %dma_wait3A_18] : memref<2560x128xi32, #tpu.memory_space<hbm>> -> memref<80x128xi32, #tpu.memory_space<hbm>>
      tpu.wait_dma2 semaphore(%run_scoped3A : memref<!tpu.dma_semaphore, #tpu.memory_space<semaphore_mem>>) src(%dma_wait3A_19 : memref<80x128xi32, #tpu.memory_space<hbm>>) dst(%arg6 : memref<80x128xi32, #tpu.memory_space<vmem>>)
      tpu.yield
    }) : () -> ()
    %mul3A_7 = arith.constant 80 : i32
    %mul3A_8 = arith.muli %add3A, %mul3A_7 : i32
    "tpu.region"() ({
      %run_scoped3A = tpu.sem_alloc : memref<!tpu.dma_semaphore, #tpu.memory_space<semaphore_mem>>
      %dma_start3A = arith.constant 0 : i32
      %dma_start3A_14 = tpu.memref_slice %arg3[%mul3A_8, %dma_start3A] : memref<2560x128xi32, #tpu.memory_space<hbm>> -> memref<80x128xi32, #tpu.memory_space<hbm>>
      %dma_start3A_15 = arith.constant 0 : i32
      %dma_start3A_16 = tpu.memref_slice %arg3[%mul3A_8, %dma_start3A_15] : memref<2560x128xi32, #tpu.memory_space<hbm>> -> memref<80x128xi32, #tpu.memory_space<hbm>>
      tpu.enqueue_dma source(%dma_start3A_16 : memref<80x128xi32, #tpu.memory_space<hbm>>) target(%arg7 : memref<80x128xi32, #tpu.memory_space<vmem>>) target_semaphore(%run_scoped3A : memref<!tpu.dma_semaphore, #tpu.memory_space<semaphore_mem>>)
      %dma_wait3A = arith.constant 0 : i32
      %dma_wait3A_17 = tpu.memref_slice %arg3[%mul3A_8, %dma_wait3A] : memref<2560x128xi32, #tpu.memory_space<hbm>> -> memref<80x128xi32, #tpu.memory_space<hbm>>
      %dma_wait3A_18 = arith.constant 0 : i32
      %dma_wait3A_19 = tpu.memref_slice %arg3[%mul3A_8, %dma_wait3A_18] : memref<2560x128xi32, #tpu.memory_space<hbm>> -> memref<80x128xi32, #tpu.memory_space<hbm>>
      tpu.wait_dma2 semaphore(%run_scoped3A : memref<!tpu.dma_semaphore, #tpu.memory_space<semaphore_mem>>) src(%dma_wait3A_19 : memref<80x128xi32, #tpu.memory_space<hbm>>) dst(%arg7 : memref<80x128xi32, #tpu.memory_space<vmem>>)
      tpu.yield
    }) : () -> ()
    "tpu.region"() ({
      %run_scoped3A = tpu.sem_alloc : memref<!tpu.dma_semaphore, #tpu.memory_space<semaphore_mem>>
      tpu.enqueue_dma source(%arg4 : memref<40448xf32, #tpu.memory_space<hbm>>) target(%arg8 : memref<40448xf32, #tpu.memory_space<vmem>>) target_semaphore(%run_scoped3A : memref<!tpu.dma_semaphore, #tpu.memory_space<semaphore_mem>>)
      tpu.wait_dma2 semaphore(%run_scoped3A : memref<!tpu.dma_semaphore, #tpu.memory_space<semaphore_mem>>) src(%arg4 : memref<40448xf32, #tpu.memory_space<hbm>>) dst(%arg8 : memref<40448xf32, #tpu.memory_space<vmem>>)
      tpu.yield
    }) : () -> ()
    %scan3A_9 = arith.constant 0 : i32
    %scan3A_10 = arith.constant 80 : i32
    %scan3A_11 = arith.addi %scan3A_9, %scan3A_10 : i32
    %scan3A_12 = arith.constant 1 : i32
    scf.for %scan3A_14 = %scan3A_9 to %scan3A_11 step %scan3A_12  : i32 {
      %mul3A_15 = arith.constant 1 : i32
      %mul3A_16 = arith.muli %scan3A_14, %mul3A_15 : i32
      %add3A_17 = arith.constant 0 : i32
      %add3A_18 = arith.addi %add3A_17, %mul3A_16 : i32
      %get3A = arith.index_cast %add3A_18 : i32 to index
      %get3A_19 = arith.constant 0 : index
      %get3A_20 = tpu.vector_load %arg6[%get3A, %get3A_19] {strides = array<i32>} : memref<80x128xi32, #tpu.memory_space<vmem>>, vector<16xi32>,
      %mul3A_21 = arith.constant 4 : i32
      %mul3A_22 = vector.broadcast %mul3A_21 : i32 to vector<16xi32>
      %mul3A_23 = arith.muli %get3A_20, %mul3A_22 : vector<16xi32>
      %get3A_24 = arith.index_cast %add3A_18 : i32 to index
      %get3A_25 = arith.constant 0 : index
      %get3A_26 = tpu.vector_load %arg7[%get3A_24, %get3A_25] {strides = array<i32>} : memref<80x128xi32, #tpu.memory_space<vmem>>, vector<16xi32>,
      %mul3A_27 = arith.constant 4 : i32
      %mul3A_28 = vector.broadcast %mul3A_27 : i32 to vector<16xi32>
      %mul3A_29 = arith.muli %get3A_26, %mul3A_28 : vector<16xi32>
      %add3A_30 = arith.constant 0 : i32
      %add3A_31 = vector.broadcast %add3A_30 : i32 to vector<16xi32>
      %add3A_32 = arith.addi %mul3A_23, %add3A_31 : vector<16xi32>
      %gather3A = tpu.vector_load_idx %arg8[%add3A_32] : memref<40448xf32, #tpu.memory_space<vmem>>[vector<16xi32>], vector<16xf32>,
      %add3A_33 = arith.constant 0 : i32
      %add3A_34 = vector.broadcast %add3A_33 : i32 to vector<16xi32>
      %add3A_35 = arith.addi %mul3A_29, %add3A_34 : vector<16xi32>
      tpu.vector_store_idx %arg9[%add3A_35], %gather3A {add = true} : memref<40448xf32, #tpu.memory_space<vmem>>[vector<16xi32>], vector<16xf32>,
      %add3A_36 = arith.constant 1 : i32
      %add3A_37 = vector.broadcast %add3A_36 : i32 to vector<16xi32>
      %add3A_38 = arith.addi %mul3A_23, %add3A_37 : vector<16xi32>
      %gather3A_39 = tpu.vector_load_idx %arg8[%add3A_38] : memref<40448xf32, #tpu.memory_space<vmem>>[vector<16xi32>], vector<16xf32>,
      %add3A_40 = arith.constant 1 : i32
      %add3A_41 = vector.broadcast %add3A_40 : i32 to vector<16xi32>
      %add3A_42 = arith.addi %mul3A_29, %add3A_41 : vector<16xi32>
      tpu.vector_store_idx %arg9[%add3A_42], %gather3A_39 {add = true} : memref<40448xf32, #tpu.memory_space<vmem>>[vector<16xi32>], vector<16xf32>,
      %add3A_43 = arith.constant 2 : i32
      %add3A_44 = vector.broadcast %add3A_43 : i32 to vector<16xi32>
      %add3A_45 = arith.addi %mul3A_23, %add3A_44 : vector<16xi32>
      %gather3A_46 = tpu.vector_load_idx %arg8[%add3A_45] : memref<40448xf32, #tpu.memory_space<vmem>>[vector<16xi32>], vector<16xf32>,
      %add3A_47 = arith.constant 2 : i32
      %add3A_48 = vector.broadcast %add3A_47 : i32 to vector<16xi32>
      %add3A_49 = arith.addi %mul3A_29, %add3A_48 : vector<16xi32>
      tpu.vector_store_idx %arg9[%add3A_49], %gather3A_46 {add = true} : memref<40448xf32, #tpu.memory_space<vmem>>[vector<16xi32>], vector<16xf32>,
      %add3A_50 = arith.constant 3 : i32
      %add3A_51 = vector.broadcast %add3A_50 : i32 to vector<16xi32>
      %add3A_52 = arith.addi %mul3A_23, %add3A_51 : vector<16xi32>
      %gather3A_53 = tpu.vector_load_idx %arg8[%add3A_52] : memref<40448xf32, #tpu.memory_space<vmem>>[vector<16xi32>], vector<16xf32>,
      %add3A_54 = arith.constant 3 : i32
      %add3A_55 = vector.broadcast %add3A_54 : i32 to vector<16xi32>
      %add3A_56 = arith.addi %mul3A_29, %add3A_55 : vector<16xi32>
      tpu.vector_store_idx %arg9[%add3A_56], %gather3A_53 {add = true} : memref<40448xf32, #tpu.memory_space<vmem>>[vector<16xi32>], vector<16xf32>,
      %get3A_57 = arith.index_cast %add3A_18 : i32 to index
      %get3A_58 = arith.constant 16 : index
      %get3A_59 = tpu.vector_load %arg6[%get3A_57, %get3A_58] {strides = array<i32>} : memref<80x128xi32, #tpu.memory_space<vmem>>, vector<16xi32>,
      %mul3A_60 = arith.constant 4 : i32
      %mul3A_61 = vector.broadcast %mul3A_60 : i32 to vector<16xi32>
      %mul3A_62 = arith.muli %get3A_59, %mul3A_61 : vector<16xi32>
      %get3A_63 = arith.index_cast %add3A_18 : i32 to index
      %get3A_64 = arith.constant 16 : index
      %get3A_65 = tpu.vector_load %arg7[%get3A_63, %get3A_64] {strides = array<i32>} : memref<80x128xi32, #tpu.memory_space<vmem>>, vector<16xi32>,
      %mul3A_66 = arith.constant 4 : i32
      %mul3A_67 = vector.broadcast %mul3A_66 : i32 to vector<16xi32>
      %mul3A_68 = arith.muli %get3A_65, %mul3A_67 : vector<16xi32>
      %add3A_69 = arith.constant 0 : i32
      %add3A_70 = vector.broadcast %add3A_69 : i32 to vector<16xi32>
      %add3A_71 = arith.addi %mul3A_62, %add3A_70 : vector<16xi32>
      %gather3A_72 = tpu.vector_load_idx %arg8[%add3A_71] : memref<40448xf32, #tpu.memory_space<vmem>>[vector<16xi32>], vector<16xf32>,
      %add3A_73 = arith.constant 0 : i32
      %add3A_74 = vector.broadcast %add3A_73 : i32 to vector<16xi32>
      %add3A_75 = arith.addi %mul3A_68, %add3A_74 : vector<16xi32>
      tpu.vector_store_idx %arg9[%add3A_75], %gather3A_72 {add = true} : memref<40448xf32, #tpu.memory_space<vmem>>[vector<16xi32>], vector<16xf32>,
      %add3A_76 = arith.constant 1 : i32
      %add3A_77 = vector.broadcast %add3A_76 : i32 to vector<16xi32>
      %add3A_78 = arith.addi %mul3A_62, %add3A_77 : vector<16xi32>
      %gather3A_79 = tpu.vector_load_idx %arg8[%add3A_78] : memref<40448xf32, #tpu.memory_space<vmem>>[vector<16xi32>], vector<16xf32>,
      %add3A_80 = arith.constant 1 : i32
      %add3A_81 = vector.broadcast %add3A_80 : i32 to vector<16xi32>
      %add3A_82 = arith.addi %mul3A_68, %add3A_81 : vector<16xi32>
      tpu.vector_store_idx %arg9[%add3A_82], %gather3A_79 {add = true} : memref<40448xf32, #tpu.memory_space<vmem>>[vector<16xi32>], vector<16xf32>,
      %add3A_83 = arith.constant 2 : i32
      %add3A_84 = vector.broadcast %add3A_83 : i32 to vector<16xi32>
      %add3A_85 = arith.addi %mul3A_62, %add3A_84 : vector<16xi32>
      %gather3A_86 = tpu.vector_load_idx %arg8[%add3A_85] : memref<40448xf32, #tpu.memory_space<vmem>>[vector<16xi32>], vector<16xf32>,
      %add3A_87 = arith.constant 2 : i32
      %add3A_88 = vector.broadcast %add3A_87 : i32 to vector<16xi32>
      %add3A_89 = arith.addi %mul3A_68, %add3A_88 : vector<16xi32>
      tpu.vector_store_idx %arg9[%add3A_89], %gather3A_86 {add = true} : memref<40448xf32, #tpu.memory_space<vmem>>[vector<16xi32>], vector<16xf32>,
      %add3A_90 = arith.constant 3 : i32
      %add3A_91 = vector.broadcast %add3A_90 : i32 to vector<16xi32>
      %add3A_92 = arith.addi %mul3A_62, %add3A_91 : vector<16xi32>
      %gather3A_93 = tpu.vector_load_idx %arg8[%add3A_92] : memref<40448xf32, #tpu.memory_space<vmem>>[vector<16xi32>], vector<16xf32>,
      %add3A_94 = arith.constant 3 : i32
      %add3A_95 = vector.broadcast %add3A_94 : i32 to vector<16xi32>
      %add3A_96 = arith.addi %mul3A_68, %add3A_95 : vector<16xi32>
      tpu.vector_store_idx %arg9[%add3A_96], %gather3A_93 {add = true} : memref<40448xf32, #tpu.memory_space<vmem>>[vector<16xi32>], vector<16xf32>,
      %get3A_97 = arith.index_cast %add3A_18 : i32 to index
      %get3A_98 = arith.constant 32 : index
      %get3A_99 = tpu.vector_load %arg6[%get3A_97, %get3A_98] {strides = array<i32>} : memref<80x128xi32, #tpu.memory_space<vmem>>, vector<16xi32>,
      %mul3A_100 = arith.constant 4 : i32
      %mul3A_101 = vector.broadcast %mul3A_100 : i32 to vector<16xi32>
      %mul3A_102 = arith.muli %get3A_99, %mul3A_101 : vector<16xi32>
      %get3A_103 = arith.index_cast %add3A_18 : i32 to index
      %get3A_104 = arith.constant 32 : index
      %get3A_105 = tpu.vector_load %arg7[%get3A_103, %get3A_104] {strides = array<i32>} : memref<80x128xi32, #tpu.memory_space<vmem>>, vector<16xi32>,
      %mul3A_106 = arith.constant 4 : i32
      %mul3A_107 = vector.broadcast %mul3A_106 : i32 to vector<16xi32>
      %mul3A_108 = arith.muli %get3A_105, %mul3A_107 : vector<16xi32>
      %add3A_109 = arith.constant 0 : i32
      %add3A_110 = vector.broadcast %add3A_109 : i32 to vector<16xi32>
      %add3A_111 = arith.addi %mul3A_102, %add3A_110 : vector<16xi32>
      %gather3A_112 = tpu.vector_load_idx %arg8[%add3A_111] : memref<40448xf32, #tpu.memory_space<vmem>>[vector<16xi32>], vector<16xf32>,
      %add3A_113 = arith.constant 0 : i32
      %add3A_114 = vector.broadcast %add3A_113 : i32 to vector<16xi32>
      %add3A_115 = arith.addi %mul3A_108, %add3A_114 : vector<16xi32>
      tpu.vector_store_idx %arg9[%add3A_115], %gather3A_112 {add = true} : memref<40448xf32, #tpu.memory_space<vmem>>[vector<16xi32>], vector<16xf32>,
      %add3A_116 = arith.constant 1 : i32
      %add3A_117 = vector.broadcast %add3A_116 : i32 to vector<16xi32>
      %add3A_118 = arith.addi %mul3A_102, %add3A_117 : vector<16xi32>
      %gather3A_119 = tpu.vector_load_idx %arg8[%add3A_118] : memref<40448xf32, #tpu.memory_space<vmem>>[vector<16xi32>], vector<16xf32>,
      %add3A_120 = arith.constant 1 : i32
      %add3A_121 = vector.broadcast %add3A_120 : i32 to vector<16xi32>
      %add3A_122 = arith.addi %mul3A_108, %add3A_121 : vector<16xi32>
      tpu.vector_store_idx %arg9[%add3A_122], %gather3A_119 {add = true} : memref<40448xf32, #tpu.memory_space<vmem>>[vector<16xi32>], vector<16xf32>,
      %add3A_123 = arith.constant 2 : i32
      %add3A_124 = vector.broadcast %add3A_123 : i32 to vector<16xi32>
      %add3A_125 = arith.addi %mul3A_102, %add3A_124 : vector<16xi32>
      %gather3A_126 = tpu.vector_load_idx %arg8[%add3A_125] : memref<40448xf32, #tpu.memory_space<vmem>>[vector<16xi32>], vector<16xf32>,
      %add3A_127 = arith.constant 2 : i32
      %add3A_128 = vector.broadcast %add3A_127 : i32 to vector<16xi32>
      %add3A_129 = arith.addi %mul3A_108, %add3A_128 : vector<16xi32>
      tpu.vector_store_idx %arg9[%add3A_129], %gather3A_126 {add = true} : memref<40448xf32, #tpu.memory_space<vmem>>[vector<16xi32>], vector<16xf32>,
      %add3A_130 = arith.constant 3 : i32
      %add3A_131 = vector.broadcast %add3A_130 : i32 to vector<16xi32>
      %add3A_132 = arith.addi %mul3A_102, %add3A_131 : vector<16xi32>
      %gather3A_133 = tpu.vector_load_idx %arg8[%add3A_132] : memref<40448xf32, #tpu.memory_space<vmem>>[vector<16xi32>], vector<16xf32>,
      %add3A_134 = arith.constant 3 : i32
      %add3A_135 = vector.broadcast %add3A_134 : i32 to vector<16xi32>
      %add3A_136 = arith.addi %mul3A_108, %add3A_135 : vector<16xi32>
      tpu.vector_store_idx %arg9[%add3A_136], %gather3A_133 {add = true} : memref<40448xf32, #tpu.memory_space<vmem>>[vector<16xi32>], vector<16xf32>,
      %get3A_137 = arith.index_cast %add3A_18 : i32 to index
      %get3A_138 = arith.constant 48 : index
      %get3A_139 = tpu.vector_load %arg6[%get3A_137, %get3A_138] {strides = array<i32>} : memref<80x128xi32, #tpu.memory_space<vmem>>, vector<16xi32>,
      %mul3A_140 = arith.constant 4 : i32
      %mul3A_141 = vector.broadcast %mul3A_140 : i32 to vector<16xi32>
      %mul3A_142 = arith.muli %get3A_139, %mul3A_141 : vector<16xi32>
      %get3A_143 = arith.index_cast %add3A_18 : i32 to index
      %get3A_144 = arith.constant 48 : index
      %get3A_145 = tpu.vector_load %arg7[%get3A_143, %get3A_144] {strides = array<i32>} : memref<80x128xi32, #tpu.memory_space<vmem>>, vector<16xi32>,
      %mul3A_146 = arith.constant 4 : i32
      %mul3A_147 = vector.broadcast %mul3A_146 : i32 to vector<16xi32>
      %mul3A_148 = arith.muli %get3A_145, %mul3A_147 : vector<16xi32>
      %add3A_149 = arith.constant 0 : i32
      %add3A_150 = vector.broadcast %add3A_149 : i32 to vector<16xi32>
      %add3A_151 = arith.addi %mul3A_142, %add3A_150 : vector<16xi32>
      %gather3A_152 = tpu.vector_load_idx %arg8[%add3A_151] : memref<40448xf32, #tpu.memory_space<vmem>>[vector<16xi32>], vector<16xf32>,
      %add3A_153 = arith.constant 0 : i32
      %add3A_154 = vector.broadcast %add3A_153 : i32 to vector<16xi32>
      %add3A_155 = arith.addi %mul3A_148, %add3A_154 : vector<16xi32>
      tpu.vector_store_idx %arg9[%add3A_155], %gather3A_152 {add = true} : memref<40448xf32, #tpu.memory_space<vmem>>[vector<16xi32>], vector<16xf32>,
      %add3A_156 = arith.constant 1 : i32
      %add3A_157 = vector.broadcast %add3A_156 : i32 to vector<16xi32>
      %add3A_158 = arith.addi %mul3A_142, %add3A_157 : vector<16xi32>
      %gather3A_159 = tpu.vector_load_idx %arg8[%add3A_158] : memref<40448xf32, #tpu.memory_space<vmem>>[vector<16xi32>], vector<16xf32>,
      %add3A_160 = arith.constant 1 : i32
      %add3A_161 = vector.broadcast %add3A_160 : i32 to vector<16xi32>
      %add3A_162 = arith.addi %mul3A_148, %add3A_161 : vector<16xi32>
      tpu.vector_store_idx %arg9[%add3A_162], %gather3A_159 {add = true} : memref<40448xf32, #tpu.memory_space<vmem>>[vector<16xi32>], vector<16xf32>,
      %add3A_163 = arith.constant 2 : i32
      %add3A_164 = vector.broadcast %add3A_163 : i32 to vector<16xi32>
      %add3A_165 = arith.addi %mul3A_142, %add3A_164 : vector<16xi32>
      %gather3A_166 = tpu.vector_load_idx %arg8[%add3A_165] : memref<40448xf32, #tpu.memory_space<vmem>>[vector<16xi32>], vector<16xf32>,
      %add3A_167 = arith.constant 2 : i32
      %add3A_168 = vector.broadcast %add3A_167 : i32 to vector<16xi32>
      %add3A_169 = arith.addi %mul3A_148, %add3A_168 : vector<16xi32>
      tpu.vector_store_idx %arg9[%add3A_169], %gather3A_166 {add = true} : memref<40448xf32, #tpu.memory_space<vmem>>[vector<16xi32>], vector<16xf32>,
      %add3A_170 = arith.constant 3 : i32
      %add3A_171 = vector.broadcast %add3A_170 : i32 to vector<16xi32>
      %add3A_172 = arith.addi %mul3A_142, %add3A_171 : vector<16xi32>
      %gather3A_173 = tpu.vector_load_idx %arg8[%add3A_172] : memref<40448xf32, #tpu.memory_space<vmem>>[vector<16xi32>], vector<16xf32>,
      %add3A_174 = arith.constant 3 : i32
      %add3A_175 = vector.broadcast %add3A_174 : i32 to vector<16xi32>
      %add3A_176 = arith.addi %mul3A_148, %add3A_175 : vector<16xi32>
      tpu.vector_store_idx %arg9[%add3A_176], %gather3A_173 {add = true} : memref<40448xf32, #tpu.memory_space<vmem>>[vector<16xi32>], vector<16xf32>,
      %get3A_177 = arith.index_cast %add3A_18 : i32 to index
      %get3A_178 = arith.constant 64 : index
      %get3A_179 = tpu.vector_load %arg6[%get3A_177, %get3A_178] {strides = array<i32>} : memref<80x128xi32, #tpu.memory_space<vmem>>, vector<16xi32>,
      %mul3A_180 = arith.constant 4 : i32
      %mul3A_181 = vector.broadcast %mul3A_180 : i32 to vector<16xi32>
      %mul3A_182 = arith.muli %get3A_179, %mul3A_181 : vector<16xi32>
      %get3A_183 = arith.index_cast %add3A_18 : i32 to index
      %get3A_184 = arith.constant 64 : index
      %get3A_185 = tpu.vector_load %arg7[%get3A_183, %get3A_184] {strides = array<i32>} : memref<80x128xi32, #tpu.memory_space<vmem>>, vector<16xi32>,
      %mul3A_186 = arith.constant 4 : i32
      %mul3A_187 = vector.broadcast %mul3A_186 : i32 to vector<16xi32>
      %mul3A_188 = arith.muli %get3A_185, %mul3A_187 : vector<16xi32>
      %add3A_189 = arith.constant 0 : i32
      %add3A_190 = vector.broadcast %add3A_189 : i32 to vector<16xi32>
      %add3A_191 = arith.addi %mul3A_182, %add3A_190 : vector<16xi32>
      %gather3A_192 = tpu.vector_load_idx %arg8[%add3A_191] : memref<40448xf32, #tpu.memory_space<vmem>>[vector<16xi32>], vector<16xf32>,
      %add3A_193 = arith.constant 0 : i32
      %add3A_194 = vector.broadcast %add3A_193 : i32 to vector<16xi32>
      %add3A_195 = arith.addi %mul3A_188, %add3A_194 : vector<16xi32>
      tpu.vector_store_idx %arg9[%add3A_195], %gather3A_192 {add = true} : memref<40448xf32, #tpu.memory_space<vmem>>[vector<16xi32>], vector<16xf32>,
      %add3A_196 = arith.constant 1 : i32
      %add3A_197 = vector.broadcast %add3A_196 : i32 to vector<16xi32>
      %add3A_198 = arith.addi %mul3A_182, %add3A_197 : vector<16xi32>
      %gather3A_199 = tpu.vector_load_idx %arg8[%add3A_198] : memref<40448xf32, #tpu.memory_space<vmem>>[vector<16xi32>], vector<16xf32>,
      %add3A_200 = arith.constant 1 : i32
      %add3A_201 = vector.broadcast %add3A_200 : i32 to vector<16xi32>
      %add3A_202 = arith.addi %mul3A_188, %add3A_201 : vector<16xi32>
      tpu.vector_store_idx %arg9[%add3A_202], %gather3A_199 {add = true} : memref<40448xf32, #tpu.memory_space<vmem>>[vector<16xi32>], vector<16xf32>,
      %add3A_203 = arith.constant 2 : i32
      %add3A_204 = vector.broadcast %add3A_203 : i32 to vector<16xi32>
      %add3A_205 = arith.addi %mul3A_182, %add3A_204 : vector<16xi32>
      %gather3A_206 = tpu.vector_load_idx %arg8[%add3A_205] : memref<40448xf32, #tpu.memory_space<vmem>>[vector<16xi32>], vector<16xf32>,
      %add3A_207 = arith.constant 2 : i32
      %add3A_208 = vector.broadcast %add3A_207 : i32 to vector<16xi32>
      %add3A_209 = arith.addi %mul3A_188, %add3A_208 : vector<16xi32>
      tpu.vector_store_idx %arg9[%add3A_209], %gather3A_206 {add = true} : memref<40448xf32, #tpu.memory_space<vmem>>[vector<16xi32>], vector<16xf32>,
      %add3A_210 = arith.constant 3 : i32
      %add3A_211 = vector.broadcast %add3A_210 : i32 to vector<16xi32>
      %add3A_212 = arith.addi %mul3A_182, %add3A_211 : vector<16xi32>
      %gather3A_213 = tpu.vector_load_idx %arg8[%add3A_212] : memref<40448xf32, #tpu.memory_space<vmem>>[vector<16xi32>], vector<16xf32>,
      %add3A_214 = arith.constant 3 : i32
      %add3A_215 = vector.broadcast %add3A_214 : i32 to vector<16xi32>
      %add3A_216 = arith.addi %mul3A_188, %add3A_215 : vector<16xi32>
      tpu.vector_store_idx %arg9[%add3A_216], %gather3A_213 {add = true} : memref<40448xf32, #tpu.memory_space<vmem>>[vector<16xi32>], vector<16xf32>,
      %get3A_217 = arith.index_cast %add3A_18 : i32 to index
      %get3A_218 = arith.constant 80 : index
      %get3A_219 = tpu.vector_load %arg6[%get3A_217, %get3A_218] {strides = array<i32>} : memref<80x128xi32, #tpu.memory_space<vmem>>, vector<16xi32>,
      %mul3A_220 = arith.constant 4 : i32
      %mul3A_221 = vector.broadcast %mul3A_220 : i32 to vector<16xi32>
      %mul3A_222 = arith.muli %get3A_219, %mul3A_221 : vector<16xi32>
      %get3A_223 = arith.index_cast %add3A_18 : i32 to index
      %get3A_224 = arith.constant 80 : index
      %get3A_225 = tpu.vector_load %arg7[%get3A_223, %get3A_224] {strides = array<i32>} : memref<80x128xi32, #tpu.memory_space<vmem>>, vector<16xi32>,
      %mul3A_226 = arith.constant 4 : i32
      %mul3A_227 = vector.broadcast %mul3A_226 : i32 to vector<16xi32>
      %mul3A_228 = arith.muli %get3A_225, %mul3A_227 : vector<16xi32>
      %add3A_229 = arith.constant 0 : i32
      %add3A_230 = vector.broadcast %add3A_229 : i32 to vector<16xi32>
      %add3A_231 = arith.addi %mul3A_222, %add3A_230 : vector<16xi32>
      %gather3A_232 = tpu.vector_load_idx %arg8[%add3A_231] : memref<40448xf32, #tpu.memory_space<vmem>>[vector<16xi32>], vector<16xf32>,
      %add3A_233 = arith.constant 0 : i32
      %add3A_234 = vector.broadcast %add3A_233 : i32 to vector<16xi32>
      %add3A_235 = arith.addi %mul3A_228, %add3A_234 : vector<16xi32>
      tpu.vector_store_idx %arg9[%add3A_235], %gather3A_232 {add = true} : memref<40448xf32, #tpu.memory_space<vmem>>[vector<16xi32>], vector<16xf32>,
      %add3A_236 = arith.constant 1 : i32
      %add3A_237 = vector.broadcast %add3A_236 : i32 to vector<16xi32>
      %add3A_238 = arith.addi %mul3A_222, %add3A_237 : vector<16xi32>
      %gather3A_239 = tpu.vector_load_idx %arg8[%add3A_238] : memref<40448xf32, #tpu.memory_space<vmem>>[vector<16xi32>], vector<16xf32>,
      %add3A_240 = arith.constant 1 : i32
      %add3A_241 = vector.broadcast %add3A_240 : i32 to vector<16xi32>
      %add3A_242 = arith.addi %mul3A_228, %add3A_241 : vector<16xi32>
      tpu.vector_store_idx %arg9[%add3A_242], %gather3A_239 {add = true} : memref<40448xf32, #tpu.memory_space<vmem>>[vector<16xi32>], vector<16xf32>,
      %add3A_243 = arith.constant 2 : i32
      %add3A_244 = vector.broadcast %add3A_243 : i32 to vector<16xi32>
      %add3A_245 = arith.addi %mul3A_222, %add3A_244 : vector<16xi32>
      %gather3A_246 = tpu.vector_load_idx %arg8[%add3A_245] : memref<40448xf32, #tpu.memory_space<vmem>>[vector<16xi32>], vector<16xf32>,
      %add3A_247 = arith.constant 2 : i32
      %add3A_248 = vector.broadcast %add3A_247 : i32 to vector<16xi32>
      %add3A_249 = arith.addi %mul3A_228, %add3A_248 : vector<16xi32>
      tpu.vector_store_idx %arg9[%add3A_249], %gather3A_246 {add = true} : memref<40448xf32, #tpu.memory_space<vmem>>[vector<16xi32>], vector<16xf32>,
      %add3A_250 = arith.constant 3 : i32
      %add3A_251 = vector.broadcast %add3A_250 : i32 to vector<16xi32>
      %add3A_252 = arith.addi %mul3A_222, %add3A_251 : vector<16xi32>
      %gather3A_253 = tpu.vector_load_idx %arg8[%add3A_252] : memref<40448xf32, #tpu.memory_space<vmem>>[vector<16xi32>], vector<16xf32>,
      %add3A_254 = arith.constant 3 : i32
      %add3A_255 = vector.broadcast %add3A_254 : i32 to vector<16xi32>
      %add3A_256 = arith.addi %mul3A_228, %add3A_255 : vector<16xi32>
      tpu.vector_store_idx %arg9[%add3A_256], %gather3A_253 {add = true} : memref<40448xf32, #tpu.memory_space<vmem>>[vector<16xi32>], vector<16xf32>,
      %get3A_257 = arith.index_cast %add3A_18 : i32 to index
      %get3A_258 = arith.constant 96 : index
      %get3A_259 = tpu.vector_load %arg6[%get3A_257, %get3A_258] {strides = array<i32>} : memref<80x128xi32, #tpu.memory_space<vmem>>, vector<16xi32>,
      %mul3A_260 = arith.constant 4 : i32
      %mul3A_261 = vector.broadcast %mul3A_260 : i32 to vector<16xi32>
      %mul3A_262 = arith.muli %get3A_259, %mul3A_261 : vector<16xi32>
      %get3A_263 = arith.index_cast %add3A_18 : i32 to index
      %get3A_264 = arith.constant 96 : index
      %get3A_265 = tpu.vector_load %arg7[%get3A_263, %get3A_264] {strides = array<i32>} : memref<80x128xi32, #tpu.memory_space<vmem>>, vector<16xi32>,
      %mul3A_266 = arith.constant 4 : i32
      %mul3A_267 = vector.broadcast %mul3A_266 : i32 to vector<16xi32>
      %mul3A_268 = arith.muli %get3A_265, %mul3A_267 : vector<16xi32>
      %add3A_269 = arith.constant 0 : i32
      %add3A_270 = vector.broadcast %add3A_269 : i32 to vector<16xi32>
      %add3A_271 = arith.addi %mul3A_262, %add3A_270 : vector<16xi32>
      %gather3A_272 = tpu.vector_load_idx %arg8[%add3A_271] : memref<40448xf32, #tpu.memory_space<vmem>>[vector<16xi32>], vector<16xf32>,
      %add3A_273 = arith.constant 0 : i32
      %add3A_274 = vector.broadcast %add3A_273 : i32 to vector<16xi32>
      %add3A_275 = arith.addi %mul3A_268, %add3A_274 : vector<16xi32>
      tpu.vector_store_idx %arg9[%add3A_275], %gather3A_272 {add = true} : memref<40448xf32, #tpu.memory_space<vmem>>[vector<16xi32>], vector<16xf32>,
      %add3A_276 = arith.constant 1 : i32
      %add3A_277 = vector.broadcast %add3A_276 : i32 to vector<16xi32>
      %add3A_278 = arith.addi %mul3A_262, %add3A_277 : vector<16xi32>
      %gather3A_279 = tpu.vector_load_idx %arg8[%add3A_278] : memref<40448xf32, #tpu.memory_space<vmem>>[vector<16xi32>], vector<16xf32>,
      %add3A_280 = arith.constant 1 : i32
      %add3A_281 = vector.broadcast %add3A_280 : i32 to vector<16xi32>
      %add3A_282 = arith.addi %mul3A_268, %add3A_281 : vector<16xi32>
      tpu.vector_store_idx %arg9[%add3A_282], %gather3A_279 {add = true} : memref<40448xf32, #tpu.memory_space<vmem>>[vector<16xi32>], vector<16xf32>,
      %add3A_283 = arith.constant 2 : i32
      %add3A_284 = vector.broadcast %add3A_283 : i32 to vector<16xi32>
      %add3A_285 = arith.addi %mul3A_262, %add3A_284 : vector<16xi32>
      %gather3A_286 = tpu.vector_load_idx %arg8[%add3A_285] : memref<40448xf32, #tpu.memory_space<vmem>>[vector<16xi32>], vector<16xf32>,
      %add3A_287 = arith.constant 2 : i32
      %add3A_288 = vector.broadcast %add3A_287 : i32 to vector<16xi32>
      %add3A_289 = arith.addi %mul3A_268, %add3A_288 : vector<16xi32>
      tpu.vector_store_idx %arg9[%add3A_289], %gather3A_286 {add = true} : memref<40448xf32, #tpu.memory_space<vmem>>[vector<16xi32>], vector<16xf32>,
      %add3A_290 = arith.constant 3 : i32
      %add3A_291 = vector.broadcast %add3A_290 : i32 to vector<16xi32>
      %add3A_292 = arith.addi %mul3A_262, %add3A_291 : vector<16xi32>
      %gather3A_293 = tpu.vector_load_idx %arg8[%add3A_292] : memref<40448xf32, #tpu.memory_space<vmem>>[vector<16xi32>], vector<16xf32>,
      %add3A_294 = arith.constant 3 : i32
      %add3A_295 = vector.broadcast %add3A_294 : i32 to vector<16xi32>
      %add3A_296 = arith.addi %mul3A_268, %add3A_295 : vector<16xi32>
      tpu.vector_store_idx %arg9[%add3A_296], %gather3A_293 {add = true} : memref<40448xf32, #tpu.memory_space<vmem>>[vector<16xi32>], vector<16xf32>,
      %get3A_297 = arith.index_cast %add3A_18 : i32 to index
      %get3A_298 = arith.constant 112 : index
      %get3A_299 = tpu.vector_load %arg6[%get3A_297, %get3A_298] {strides = array<i32>} : memref<80x128xi32, #tpu.memory_space<vmem>>, vector<16xi32>,
      %mul3A_300 = arith.constant 4 : i32
      %mul3A_301 = vector.broadcast %mul3A_300 : i32 to vector<16xi32>
      %mul3A_302 = arith.muli %get3A_299, %mul3A_301 : vector<16xi32>
      %get3A_303 = arith.index_cast %add3A_18 : i32 to index
      %get3A_304 = arith.constant 112 : index
      %get3A_305 = tpu.vector_load %arg7[%get3A_303, %get3A_304] {strides = array<i32>} : memref<80x128xi32, #tpu.memory_space<vmem>>, vector<16xi32>,
      %mul3A_306 = arith.constant 4 : i32
      %mul3A_307 = vector.broadcast %mul3A_306 : i32 to vector<16xi32>
      %mul3A_308 = arith.muli %get3A_305, %mul3A_307 : vector<16xi32>
      %add3A_309 = arith.constant 0 : i32
      %add3A_310 = vector.broadcast %add3A_309 : i32 to vector<16xi32>
      %add3A_311 = arith.addi %mul3A_302, %add3A_310 : vector<16xi32>
      %gather3A_312 = tpu.vector_load_idx %arg8[%add3A_311] : memref<40448xf32, #tpu.memory_space<vmem>>[vector<16xi32>], vector<16xf32>,
      %add3A_313 = arith.constant 0 : i32
      %add3A_314 = vector.broadcast %add3A_313 : i32 to vector<16xi32>
      %add3A_315 = arith.addi %mul3A_308, %add3A_314 : vector<16xi32>
      tpu.vector_store_idx %arg9[%add3A_315], %gather3A_312 {add = true} : memref<40448xf32, #tpu.memory_space<vmem>>[vector<16xi32>], vector<16xf32>,
      %add3A_316 = arith.constant 1 : i32
      %add3A_317 = vector.broadcast %add3A_316 : i32 to vector<16xi32>
      %add3A_318 = arith.addi %mul3A_302, %add3A_317 : vector<16xi32>
      %gather3A_319 = tpu.vector_load_idx %arg8[%add3A_318] : memref<40448xf32, #tpu.memory_space<vmem>>[vector<16xi32>], vector<16xf32>,
      %add3A_320 = arith.constant 1 : i32
      %add3A_321 = vector.broadcast %add3A_320 : i32 to vector<16xi32>
      %add3A_322 = arith.addi %mul3A_308, %add3A_321 : vector<16xi32>
      tpu.vector_store_idx %arg9[%add3A_322], %gather3A_319 {add = true} : memref<40448xf32, #tpu.memory_space<vmem>>[vector<16xi32>], vector<16xf32>,
      %add3A_323 = arith.constant 2 : i32
      %add3A_324 = vector.broadcast %add3A_323 : i32 to vector<16xi32>
      %add3A_325 = arith.addi %mul3A_302, %add3A_324 : vector<16xi32>
      %gather3A_326 = tpu.vector_load_idx %arg8[%add3A_325] : memref<40448xf32, #tpu.memory_space<vmem>>[vector<16xi32>], vector<16xf32>,
      %add3A_327 = arith.constant 2 : i32
      %add3A_328 = vector.broadcast %add3A_327 : i32 to vector<16xi32>
      %add3A_329 = arith.addi %mul3A_308, %add3A_328 : vector<16xi32>
      tpu.vector_store_idx %arg9[%add3A_329], %gather3A_326 {add = true} : memref<40448xf32, #tpu.memory_space<vmem>>[vector<16xi32>], vector<16xf32>,
      %add3A_330 = arith.constant 3 : i32
      %add3A_331 = vector.broadcast %add3A_330 : i32 to vector<16xi32>
      %add3A_332 = arith.addi %mul3A_302, %add3A_331 : vector<16xi32>
      %gather3A_333 = tpu.vector_load_idx %arg8[%add3A_332] : memref<40448xf32, #tpu.memory_space<vmem>>[vector<16xi32>], vector<16xf32>,
      %add3A_334 = arith.constant 3 : i32
      %add3A_335 = vector.broadcast %add3A_334 : i32 to vector<16xi32>
      %add3A_336 = arith.addi %mul3A_308, %add3A_335 : vector<16xi32>
      tpu.vector_store_idx %arg9[%add3A_336], %gather3A_333 {add = true} : memref<40448xf32, #tpu.memory_space<vmem>>[vector<16xi32>], vector<16xf32>,
    }
    %scan3A_13 = arith.constant 80 : i32
    "tpu.region"() ({
      %run_scoped3A = tpu.sem_alloc : memref<!tpu.dma_semaphore, #tpu.memory_space<semaphore_mem>>
      %dma_start3A = arith.constant 0 : i32
      %dma_start3A_14 = tpu.memref_slice %arg5[%add3A, %dma_start3A] : memref<32x40448xf32, #tpu.memory_space<hbm>> -> memref<1x40448xf32, #tpu.memory_space<hbm>>
      %dma_start3A_15 = tpu.memref_squeeze %dma_start3A_14 : memref<1x40448xf32, #tpu.memory_space<hbm>> -> memref<40448xf32, #tpu.memory_space<hbm>>
      %dma_start3A_16 = arith.constant 0 : i32
      %dma_start3A_17 = tpu.memref_slice %arg5[%add3A, %dma_start3A_16] : memref<32x40448xf32, #tpu.memory_space<hbm>> -> memref<1x40448xf32, #tpu.memory_space<hbm>>
      %dma_start3A_18 = tpu.memref_squeeze %dma_start3A_17 : memref<1x40448xf32, #tpu.memory_space<hbm>> -> memref<40448xf32, #tpu.memory_space<hbm>>
      tpu.enqueue_dma source(%arg9 : memref<40448xf32, #tpu.memory_space<vmem>>) target(%dma_start3A_18 : memref<40448xf32, #tpu.memory_space<hbm>>) target_semaphore(%run_scoped3A : memref<!tpu.dma_semaphore, #tpu.memory_space<semaphore_mem>>)
      %dma_wait3A = arith.constant 0 : i32
      %dma_wait3A_19 = tpu.memref_slice %arg5[%add3A, %dma_wait3A] : memref<32x40448xf32, #tpu.memory_space<hbm>> -> memref<1x40448xf32, #tpu.memory_space<hbm>>
      %dma_wait3A_20 = tpu.memref_squeeze %dma_wait3A_19 : memref<1x40448xf32, #tpu.memory_space<hbm>> -> memref<40448xf32, #tpu.memory_space<hbm>>
      %dma_wait3A_21 = arith.constant 0 : i32
      %dma_wait3A_22 = tpu.memref_slice %arg5[%add3A, %dma_wait3A_21] : memref<32x40448xf32, #tpu.memory_space<hbm>> -> memref<1x40448xf32, #tpu.memory_space<hbm>>
      %dma_wait3A_23 = tpu.memref_squeeze %dma_wait3A_22 : memref<1x40448xf32, #tpu.memory_space<hbm>> -> memref<40448xf32, #tpu.memory_space<hbm>>
      tpu.wait_dma2 semaphore(%run_scoped3A : memref<!tpu.dma_semaphore, #tpu.memory_space<semaphore_mem>>) src(%arg9 : memref<40448xf32, #tpu.memory_space<vmem>>) dst(%dma_wait3A_23 : memref<40448xf32, #tpu.memory_space<hbm>>)
      tpu.yield
    }) : () -> ()
    return
  }
}

#map = affine_map<(d0, d1) -> (0, 0)>
#map1 = affine_map<(d0, d1) -> (0)>
module attributes {stable_mosaic.version = 14 : i64} {
  func.func @mp_sc(%arg0: i32, %arg1: i32, %arg2: memref<2560x128xi32, #tpu.memory_space<hbm>>, %arg3: memref<2560x128xi32, #tpu.memory_space<hbm>>, %arg4: memref<40448xf32, #tpu.memory_space<hbm>>, %arg5: memref<32x40448xf32, #tpu.memory_space<hbm>>, %arg6: memref<80x128xi32, #tpu.memory_space<vmem>>, %arg7: memref<80x128xi32, #tpu.memory_space<vmem>>, %arg8: memref<40448xf32, #tpu.memory_space<vmem>>, %arg9: memref<40448xf32, #tpu.memory_space<vmem>>) attributes {dimension_semantics = [#tpu.dimension_semantics<core_parallel>, #tpu.dimension_semantics<subcore_parallel>], iteration_bounds = array<i64: 2, 16>, scalar_prefetch = 0 : i64, scratch_operands = 4 : i64, tpu.core_type = #tpu.core_type<sc_vector_subcore>, window_params = [{transform_indices = #map}, {transform_indices = #map}, {transform_indices = #map1}, {transform_indices = #map}]} {
    %mul3A = arith.constant 16 : i32
    %mul3A_0 = arith.muli %arg0, %mul3A : i32
    %add3A = arith.addi %mul3A_0, %arg1 : i32
    %scan3A = arith.constant 0 : i32
    %scan3A_1 = arith.constant 2528 : i32
    %scan3A_2 = arith.addi %scan3A, %scan3A_1 : i32
    %scan3A_3 = arith.constant 1 : i32
    scf.for %scan3A_14 = %scan3A to %scan3A_2 step %scan3A_3  : i32 {
      %mul3A_15 = arith.constant 1 : i32
      %mul3A_16 = arith.muli %scan3A_14, %mul3A_15 : i32
      %add3A_17 = arith.constant 0 : i32
      %add3A_18 = arith.addi %add3A_17, %mul3A_16 : i32
      %broadcast_in_dim3A = arith.constant 0.000000e+00 : f32
      %broadcast_in_dim3A_19 = vector.broadcast %broadcast_in_dim3A : f32 to vector<16xf32>
      %mul3A_20 = arith.constant 16 : i32
      %mul3A_21 = arith.muli %add3A_18, %mul3A_20 : i32
      %swap3A = arith.index_cast %mul3A_21 : i32 to index
      %swap3A_22 = tpu.vector_load %arg9[%swap3A] {strides = array<i32>} : memref<40448xf32, #tpu.memory_space<vmem>>, vector<16xf32>,
      tpu.vector_store %arg9[%swap3A], %broadcast_in_dim3A_19 {strides = array<i32>} : memref<40448xf32, #tpu.memory_space<vmem>>, vector<16xf32>,
    }
    %scan3A_4 = arith.constant 2528 : i32
    %mul3A_5 = arith.constant 80 : i32
    %mul3A_6 = arith.muli %add3A, %mul3A_5 : i32
    "tpu.region"() ({
      %run_scoped3A = tpu.sem_alloc : memref<!tpu.dma_semaphore, #tpu.memory_space<semaphore_mem>>
      %dma_start3A = arith.constant 0 : i32
      %dma_start3A_14 = tpu.memref_slice %arg2[%mul3A_6, %dma_start3A] : memref<2560x128xi32, #tpu.memory_space<hbm>> -> memref<80x128xi32, #tpu.memory_space<hbm>>
      %dma_start3A_15 = arith.constant 0 : i32
      %dma_start3A_16 = tpu.memref_slice %arg2[%mul3A_6, %dma_start3A_15] : memref<2560x128xi32, #tpu.memory_space<hbm>> -> memref<80x128xi32, #tpu.memory_space<hbm>>
      tpu.enqueue_dma source(%dma_start3A_16 : memref<80x128xi32, #tpu.memory_space<hbm>>) target(%arg6 : memref<80x128xi32, #tpu.memory_space<vmem>>) target_semaphore(%run_scoped3A : memref<!tpu.dma_semaphore, #tpu.memory_space<semaphore_mem>>)
      %dma_wait3A = arith.constant 0 : i32
      %dma_wait3A_17 = tpu.memref_slice %arg2[%mul3A_6, %dma_wait3A] : memref<2560x128xi32, #tpu.memory_space<hbm>> -> memref<80x128xi32, #tpu.memory_space<hbm>>
      %dma_wait3A_18 = arith.constant 0 : i32
      %dma_wait3A_19 = tpu.memref_slice %arg2[%mul3A_6, %dma_wait3A_18] : memref<2560x128xi32, #tpu.memory_space<hbm>> -> memref<80x128xi32, #tpu.memory_space<hbm>>
      tpu.wait_dma2 semaphore(%run_scoped3A : memref<!tpu.dma_semaphore, #tpu.memory_space<semaphore_mem>>) src(%dma_wait3A_19 : memref<80x128xi32, #tpu.memory_space<hbm>>) dst(%arg6 : memref<80x128xi32, #tpu.memory_space<vmem>>)
      tpu.yield
    }) : () -> ()
    %mul3A_7 = arith.constant 80 : i32
    %mul3A_8 = arith.muli %add3A, %mul3A_7 : i32
    "tpu.region"() ({
      %run_scoped3A = tpu.sem_alloc : memref<!tpu.dma_semaphore, #tpu.memory_space<semaphore_mem>>
      %dma_start3A = arith.constant 0 : i32
      %dma_start3A_14 = tpu.memref_slice %arg3[%mul3A_8, %dma_start3A] : memref<2560x128xi32, #tpu.memory_space<hbm>> -> memref<80x128xi32, #tpu.memory_space<hbm>>
      %dma_start3A_15 = arith.constant 0 : i32
      %dma_start3A_16 = tpu.memref_slice %arg3[%mul3A_8, %dma_start3A_15] : memref<2560x128xi32, #tpu.memory_space<hbm>> -> memref<80x128xi32, #tpu.memory_space<hbm>>
      tpu.enqueue_dma source(%dma_start3A_16 : memref<80x128xi32, #tpu.memory_space<hbm>>) target(%arg7 : memref<80x128xi32, #tpu.memory_space<vmem>>) target_semaphore(%run_scoped3A : memref<!tpu.dma_semaphore, #tpu.memory_space<semaphore_mem>>)
      %dma_wait3A = arith.constant 0 : i32
      %dma_wait3A_17 = tpu.memref_slice %arg3[%mul3A_8, %dma_wait3A] : memref<2560x128xi32, #tpu.memory_space<hbm>> -> memref<80x128xi32, #tpu.memory_space<hbm>>
      %dma_wait3A_18 = arith.constant 0 : i32
      %dma_wait3A_19 = tpu.memref_slice %arg3[%mul3A_8, %dma_wait3A_18] : memref<2560x128xi32, #tpu.memory_space<hbm>> -> memref<80x128xi32, #tpu.memory_space<hbm>>
      tpu.wait_dma2 semaphore(%run_scoped3A : memref<!tpu.dma_semaphore, #tpu.memory_space<semaphore_mem>>) src(%dma_wait3A_19 : memref<80x128xi32, #tpu.memory_space<hbm>>) dst(%arg7 : memref<80x128xi32, #tpu.memory_space<vmem>>)
      tpu.yield
    }) : () -> ()
    "tpu.region"() ({
      %run_scoped3A = tpu.sem_alloc : memref<!tpu.dma_semaphore, #tpu.memory_space<semaphore_mem>>
      tpu.enqueue_dma source(%arg4 : memref<40448xf32, #tpu.memory_space<hbm>>) target(%arg8 : memref<40448xf32, #tpu.memory_space<vmem>>) target_semaphore(%run_scoped3A : memref<!tpu.dma_semaphore, #tpu.memory_space<semaphore_mem>>)
      tpu.wait_dma2 semaphore(%run_scoped3A : memref<!tpu.dma_semaphore, #tpu.memory_space<semaphore_mem>>) src(%arg4 : memref<40448xf32, #tpu.memory_space<hbm>>) dst(%arg8 : memref<40448xf32, #tpu.memory_space<vmem>>)
      tpu.yield
    }) : () -> ()
    %scan3A_9 = arith.constant 0 : i32
    %scan3A_10 = arith.constant 80 : i32
    %scan3A_11 = arith.addi %scan3A_9, %scan3A_10 : i32
    %scan3A_12 = arith.constant 1 : i32
    scf.for %scan3A_14 = %scan3A_9 to %scan3A_11 step %scan3A_12  : i32 {
      %mul3A_15 = arith.constant 1 : i32
      %mul3A_16 = arith.muli %scan3A_14, %mul3A_15 : i32
      %add3A_17 = arith.constant 0 : i32
      %add3A_18 = arith.addi %add3A_17, %mul3A_16 : i32
      %get3A = arith.index_cast %add3A_18 : i32 to index
      %get3A_19 = arith.constant 0 : index
      %get3A_20 = tpu.vector_load %arg6[%get3A, %get3A_19] {strides = array<i32>} : memref<80x128xi32, #tpu.memory_space<vmem>>, vector<16xi32>,
      %mul3A_21 = arith.constant 4 : i32
      %mul3A_22 = vector.broadcast %mul3A_21 : i32 to vector<16xi32>
      %mul3A_23 = arith.muli %get3A_20, %mul3A_22 : vector<16xi32>
      %get3A_24 = arith.index_cast %add3A_18 : i32 to index
      %get3A_25 = arith.constant 0 : index
      %get3A_26 = tpu.vector_load %arg7[%get3A_24, %get3A_25] {strides = array<i32>} : memref<80x128xi32, #tpu.memory_space<vmem>>, vector<16xi32>,
      %mul3A_27 = arith.constant 4 : i32
      %mul3A_28 = vector.broadcast %mul3A_27 : i32 to vector<16xi32>
      %mul3A_29 = arith.muli %get3A_26, %mul3A_28 : vector<16xi32>
      %add3A_30 = arith.constant 0 : i32
      %add3A_31 = vector.broadcast %add3A_30 : i32 to vector<16xi32>
      %add3A_32 = arith.addi %mul3A_23, %add3A_31 : vector<16xi32>
      %gather3A = tpu.vector_load_idx %arg8[%add3A_32] : memref<40448xf32, #tpu.memory_space<vmem>>[vector<16xi32>], vector<16xf32>,
      %add3A_33 = arith.constant 0 : i32
      %add3A_34 = vector.broadcast %add3A_33 : i32 to vector<16xi32>
      %add3A_35 = arith.addi %mul3A_29, %add3A_34 : vector<16xi32>
      tpu.vector_store_idx %arg9[%add3A_35], %gather3A {add = true} : memref<40448xf32, #tpu.memory_space<vmem>>[vector<16xi32>], vector<16xf32>,
      %add3A_36 = arith.constant 1 : i32
      %add3A_37 = vector.broadcast %add3A_36 : i32 to vector<16xi32>
      %add3A_38 = arith.addi %mul3A_23, %add3A_37 : vector<16xi32>
      %gather3A_39 = tpu.vector_load_idx %arg8[%add3A_38] : memref<40448xf32, #tpu.memory_space<vmem>>[vector<16xi32>], vector<16xf32>,
      %add3A_40 = arith.constant 1 : i32
      %add3A_41 = vector.broadcast %add3A_40 : i32 to vector<16xi32>
      %add3A_42 = arith.addi %mul3A_29, %add3A_41 : vector<16xi32>
      tpu.vector_store_idx %arg9[%add3A_42], %gather3A_39 {add = true} : memref<40448xf32, #tpu.memory_space<vmem>>[vector<16xi32>], vector<16xf32>,
      %add3A_43 = arith.constant 2 : i32
      %add3A_44 = vector.broadcast %add3A_43 : i32 to vector<16xi32>
      %add3A_45 = arith.addi %mul3A_23, %add3A_44 : vector<16xi32>
      %gather3A_46 = tpu.vector_load_idx %arg8[%add3A_45] : memref<40448xf32, #tpu.memory_space<vmem>>[vector<16xi32>], vector<16xf32>,
      %add3A_47 = arith.constant 2 : i32
      %add3A_48 = vector.broadcast %add3A_47 : i32 to vector<16xi32>
      %add3A_49 = arith.addi %mul3A_29, %add3A_48 : vector<16xi32>
      tpu.vector_store_idx %arg9[%add3A_49], %gather3A_46 {add = true} : memref<40448xf32, #tpu.memory_space<vmem>>[vector<16xi32>], vector<16xf32>,
      %add3A_50 = arith.constant 3 : i32
      %add3A_51 = vector.broadcast %add3A_50 : i32 to vector<16xi32>
      %add3A_52 = arith.addi %mul3A_23, %add3A_51 : vector<16xi32>
      %gather3A_53 = tpu.vector_load_idx %arg8[%add3A_52] : memref<40448xf32, #tpu.memory_space<vmem>>[vector<16xi32>], vector<16xf32>,
      %add3A_54 = arith.constant 3 : i32
      %add3A_55 = vector.broadcast %add3A_54 : i32 to vector<16xi32>
      %add3A_56 = arith.addi %mul3A_29, %add3A_55 : vector<16xi32>
      tpu.vector_store_idx %arg9[%add3A_56], %gather3A_53 {add = true} : memref<40448xf32, #tpu.memory_space<vmem>>[vector<16xi32>], vector<16xf32>,
      %get3A_57 = arith.index_cast %add3A_18 : i32 to index
      %get3A_58 = arith.constant 16 : index
      %get3A_59 = tpu.vector_load %arg6[%get3A_57, %get3A_58] {strides = array<i32>} : memref<80x128xi32, #tpu.memory_space<vmem>>, vector<16xi32>,
      %mul3A_60 = arith.constant 4 : i32
      %mul3A_61 = vector.broadcast %mul3A_60 : i32 to vector<16xi32>
      %mul3A_62 = arith.muli %get3A_59, %mul3A_61 : vector<16xi32>
      %get3A_63 = arith.index_cast %add3A_18 : i32 to index
      %get3A_64 = arith.constant 16 : index
      %get3A_65 = tpu.vector_load %arg7[%get3A_63, %get3A_64] {strides = array<i32>} : memref<80x128xi32, #tpu.memory_space<vmem>>, vector<16xi32>,
      %mul3A_66 = arith.constant 4 : i32
      %mul3A_67 = vector.broadcast %mul3A_66 : i32 to vector<16xi32>
      %mul3A_68 = arith.muli %get3A_65, %mul3A_67 : vector<16xi32>
      %add3A_69 = arith.constant 0 : i32
      %add3A_70 = vector.broadcast %add3A_69 : i32 to vector<16xi32>
      %add3A_71 = arith.addi %mul3A_62, %add3A_70 : vector<16xi32>
      %gather3A_72 = tpu.vector_load_idx %arg8[%add3A_71] : memref<40448xf32, #tpu.memory_space<vmem>>[vector<16xi32>], vector<16xf32>,
      %add3A_73 = arith.constant 0 : i32
      %add3A_74 = vector.broadcast %add3A_73 : i32 to vector<16xi32>
      %add3A_75 = arith.addi %mul3A_68, %add3A_74 : vector<16xi32>
      tpu.vector_store_idx %arg9[%add3A_75], %gather3A_72 {add = true} : memref<40448xf32, #tpu.memory_space<vmem>>[vector<16xi32>], vector<16xf32>,
      %add3A_76 = arith.constant 1 : i32
      %add3A_77 = vector.broadcast %add3A_76 : i32 to vector<16xi32>
      %add3A_78 = arith.addi %mul3A_62, %add3A_77 : vector<16xi32>
      %gather3A_79 = tpu.vector_load_idx %arg8[%add3A_78] : memref<40448xf32, #tpu.memory_space<vmem>>[vector<16xi32>], vector<16xf32>,
      %add3A_80 = arith.constant 1 : i32
      %add3A_81 = vector.broadcast %add3A_80 : i32 to vector<16xi32>
      %add3A_82 = arith.addi %mul3A_68, %add3A_81 : vector<16xi32>
      tpu.vector_store_idx %arg9[%add3A_82], %gather3A_79 {add = true} : memref<40448xf32, #tpu.memory_space<vmem>>[vector<16xi32>], vector<16xf32>,
      %add3A_83 = arith.constant 2 : i32
      %add3A_84 = vector.broadcast %add3A_83 : i32 to vector<16xi32>
      %add3A_85 = arith.addi %mul3A_62, %add3A_84 : vector<16xi32>
      %gather3A_86 = tpu.vector_load_idx %arg8[%add3A_85] : memref<40448xf32, #tpu.memory_space<vmem>>[vector<16xi32>], vector<16xf32>,
      %add3A_87 = arith.constant 2 : i32
      %add3A_88 = vector.broadcast %add3A_87 : i32 to vector<16xi32>
      %add3A_89 = arith.addi %mul3A_68, %add3A_88 : vector<16xi32>
      tpu.vector_store_idx %arg9[%add3A_89], %gather3A_86 {add = true} : memref<40448xf32, #tpu.memory_space<vmem>>[vector<16xi32>], vector<16xf32>,
      %add3A_90 = arith.constant 3 : i32
      %add3A_91 = vector.broadcast %add3A_90 : i32 to vector<16xi32>
      %add3A_92 = arith.addi %mul3A_62, %add3A_91 : vector<16xi32>
      %gather3A_93 = tpu.vector_load_idx %arg8[%add3A_92] : memref<40448xf32, #tpu.memory_space<vmem>>[vector<16xi32>], vector<16xf32>,
      %add3A_94 = arith.constant 3 : i32
      %add3A_95 = vector.broadcast %add3A_94 : i32 to vector<16xi32>
      %add3A_96 = arith.addi %mul3A_68, %add3A_95 : vector<16xi32>
      tpu.vector_store_idx %arg9[%add3A_96], %gather3A_93 {add = true} : memref<40448xf32, #tpu.memory_space<vmem>>[vector<16xi32>], vector<16xf32>,
      %get3A_97 = arith.index_cast %add3A_18 : i32 to index
      %get3A_98 = arith.constant 32 : index
      %get3A_99 = tpu.vector_load %arg6[%get3A_97, %get3A_98] {strides = array<i32>} : memref<80x128xi32, #tpu.memory_space<vmem>>, vector<16xi32>,
      %mul3A_100 = arith.constant 4 : i32
      %mul3A_101 = vector.broadcast %mul3A_100 : i32 to vector<16xi32>
      %mul3A_102 = arith.muli %get3A_99, %mul3A_101 : vector<16xi32>
      %get3A_103 = arith.index_cast %add3A_18 : i32 to index
      %get3A_104 = arith.constant 32 : index
      %get3A_105 = tpu.vector_load %arg7[%get3A_103, %get3A_104] {strides = array<i32>} : memref<80x128xi32, #tpu.memory_space<vmem>>, vector<16xi32>,
      %mul3A_106 = arith.constant 4 : i32
      %mul3A_107 = vector.broadcast %mul3A_106 : i32 to vector<16xi32>
      %mul3A_108 = arith.muli %get3A_105, %mul3A_107 : vector<16xi32>
      %add3A_109 = arith.constant 0 : i32
      %add3A_110 = vector.broadcast %add3A_109 : i32 to vector<16xi32>
      %add3A_111 = arith.addi %mul3A_102, %add3A_110 : vector<16xi32>
      %gather3A_112 = tpu.vector_load_idx %arg8[%add3A_111] : memref<40448xf32, #tpu.memory_space<vmem>>[vector<16xi32>], vector<16xf32>,
      %add3A_113 = arith.constant 0 : i32
      %add3A_114 = vector.broadcast %add3A_113 : i32 to vector<16xi32>
      %add3A_115 = arith.addi %mul3A_108, %add3A_114 : vector<16xi32>
      tpu.vector_store_idx %arg9[%add3A_115], %gather3A_112 {add = true} : memref<40448xf32, #tpu.memory_space<vmem>>[vector<16xi32>], vector<16xf32>,
      %add3A_116 = arith.constant 1 : i32
      %add3A_117 = vector.broadcast %add3A_116 : i32 to vector<16xi32>
      %add3A_118 = arith.addi %mul3A_102, %add3A_117 : vector<16xi32>
      %gather3A_119 = tpu.vector_load_idx %arg8[%add3A_118] : memref<40448xf32, #tpu.memory_space<vmem>>[vector<16xi32>], vector<16xf32>,
      %add3A_120 = arith.constant 1 : i32
      %add3A_121 = vector.broadcast %add3A_120 : i32 to vector<16xi32>
      %add3A_122 = arith.addi %mul3A_108, %add3A_121 : vector<16xi32>
      tpu.vector_store_idx %arg9[%add3A_122], %gather3A_119 {add = true} : memref<40448xf32, #tpu.memory_space<vmem>>[vector<16xi32>], vector<16xf32>,
      %add3A_123 = arith.constant 2 : i32
      %add3A_124 = vector.broadcast %add3A_123 : i32 to vector<16xi32>
      %add3A_125 = arith.addi %mul3A_102, %add3A_124 : vector<16xi32>
      %gather3A_126 = tpu.vector_load_idx %arg8[%add3A_125] : memref<40448xf32, #tpu.memory_space<vmem>>[vector<16xi32>], vector<16xf32>,
      %add3A_127 = arith.constant 2 : i32
      %add3A_128 = vector.broadcast %add3A_127 : i32 to vector<16xi32>
      %add3A_129 = arith.addi %mul3A_108, %add3A_128 : vector<16xi32>
      tpu.vector_store_idx %arg9[%add3A_129], %gather3A_126 {add = true} : memref<40448xf32, #tpu.memory_space<vmem>>[vector<16xi32>], vector<16xf32>,
      %add3A_130 = arith.constant 3 : i32
      %add3A_131 = vector.broadcast %add3A_130 : i32 to vector<16xi32>
      %add3A_132 = arith.addi %mul3A_102, %add3A_131 : vector<16xi32>
      %gather3A_133 = tpu.vector_load_idx %arg8[%add3A_132] : memref<40448xf32, #tpu.memory_space<vmem>>[vector<16xi32>], vector<16xf32>,
      %add3A_134 = arith.constant 3 : i32
      %add3A_135 = vector.broadcast %add3A_134 : i32 to vector<16xi32>
      %add3A_136 = arith.addi %mul3A_108, %add3A_135 : vector<16xi32>
      tpu.vector_store_idx %arg9[%add3A_136], %gather3A_133 {add = true} : memref<40448xf32, #tpu.memory_space<vmem>>[vector<16xi32>], vector<16xf32>,
      %get3A_137 = arith.index_cast %add3A_18 : i32 to index
      %get3A_138 = arith.constant 48 : index
      %get3A_139 = tpu.vector_load %arg6[%get3A_137, %get3A_138] {strides = array<i32>} : memref<80x128xi32, #tpu.memory_space<vmem>>, vector<16xi32>,
      %mul3A_140 = arith.constant 4 : i32
      %mul3A_141 = vector.broadcast %mul3A_140 : i32 to vector<16xi32>
      %mul3A_142 = arith.muli %get3A_139, %mul3A_141 : vector<16xi32>
      %get3A_143 = arith.index_cast %add3A_18 : i32 to index
      %get3A_144 = arith.constant 48 : index
      %get3A_145 = tpu.vector_load %arg7[%get3A_143, %get3A_144] {strides = array<i32>} : memref<80x128xi32, #tpu.memory_space<vmem>>, vector<16xi32>,
      %mul3A_146 = arith.constant 4 : i32
      %mul3A_147 = vector.broadcast %mul3A_146 : i32 to vector<16xi32>
      %mul3A_148 = arith.muli %get3A_145, %mul3A_147 : vector<16xi32>
      %add3A_149 = arith.constant 0 : i32
      %add3A_150 = vector.broadcast %add3A_149 : i32 to vector<16xi32>
      %add3A_151 = arith.addi %mul3A_142, %add3A_150 : vector<16xi32>
      %gather3A_152 = tpu.vector_load_idx %arg8[%add3A_151] : memref<40448xf32, #tpu.memory_space<vmem>>[vector<16xi32>], vector<16xf32>,
      %add3A_153 = arith.constant 0 : i32
      %add3A_154 = vector.broadcast %add3A_153 : i32 to vector<16xi32>
      %add3A_155 = arith.addi %mul3A_148, %add3A_154 : vector<16xi32>
      tpu.vector_store_idx %arg9[%add3A_155], %gather3A_152 {add = true} : memref<40448xf32, #tpu.memory_space<vmem>>[vector<16xi32>], vector<16xf32>,
      %add3A_156 = arith.constant 1 : i32
      %add3A_157 = vector.broadcast %add3A_156 : i32 to vector<16xi32>
      %add3A_158 = arith.addi %mul3A_142, %add3A_157 : vector<16xi32>
      %gather3A_159 = tpu.vector_load_idx %arg8[%add3A_158] : memref<40448xf32, #tpu.memory_space<vmem>>[vector<16xi32>], vector<16xf32>,
      %add3A_160 = arith.constant 1 : i32
      %add3A_161 = vector.broadcast %add3A_160 : i32 to vector<16xi32>
      %add3A_162 = arith.addi %mul3A_148, %add3A_161 : vector<16xi32>
      tpu.vector_store_idx %arg9[%add3A_162], %gather3A_159 {add = true} : memref<40448xf32, #tpu.memory_space<vmem>>[vector<16xi32>], vector<16xf32>,
      %add3A_163 = arith.constant 2 : i32
      %add3A_164 = vector.broadcast %add3A_163 : i32 to vector<16xi32>
      %add3A_165 = arith.addi %mul3A_142, %add3A_164 : vector<16xi32>
      %gather3A_166 = tpu.vector_load_idx %arg8[%add3A_165] : memref<40448xf32, #tpu.memory_space<vmem>>[vector<16xi32>], vector<16xf32>,
      %add3A_167 = arith.constant 2 : i32
      %add3A_168 = vector.broadcast %add3A_167 : i32 to vector<16xi32>
      %add3A_169 = arith.addi %mul3A_148, %add3A_168 : vector<16xi32>
      tpu.vector_store_idx %arg9[%add3A_169], %gather3A_166 {add = true} : memref<40448xf32, #tpu.memory_space<vmem>>[vector<16xi32>], vector<16xf32>,
      %add3A_170 = arith.constant 3 : i32
      %add3A_171 = vector.broadcast %add3A_170 : i32 to vector<16xi32>
      %add3A_172 = arith.addi %mul3A_142, %add3A_171 : vector<16xi32>
      %gather3A_173 = tpu.vector_load_idx %arg8[%add3A_172] : memref<40448xf32, #tpu.memory_space<vmem>>[vector<16xi32>], vector<16xf32>,
      %add3A_174 = arith.constant 3 : i32
      %add3A_175 = vector.broadcast %add3A_174 : i32 to vector<16xi32>
      %add3A_176 = arith.addi %mul3A_148, %add3A_175 : vector<16xi32>
      tpu.vector_store_idx %arg9[%add3A_176], %gather3A_173 {add = true} : memref<40448xf32, #tpu.memory_space<vmem>>[vector<16xi32>], vector<16xf32>,
      %get3A_177 = arith.index_cast %add3A_18 : i32 to index
      %get3A_178 = arith.constant 64 : index
      %get3A_179 = tpu.vector_load %arg6[%get3A_177, %get3A_178] {strides = array<i32>} : memref<80x128xi32, #tpu.memory_space<vmem>>, vector<16xi32>,
      %mul3A_180 = arith.constant 4 : i32
      %mul3A_181 = vector.broadcast %mul3A_180 : i32 to vector<16xi32>
      %mul3A_182 = arith.muli %get3A_179, %mul3A_181 : vector<16xi32>
      %get3A_183 = arith.index_cast %add3A_18 : i32 to index
      %get3A_184 = arith.constant 64 : index
      %get3A_185 = tpu.vector_load %arg7[%get3A_183, %get3A_184] {strides = array<i32>} : memref<80x128xi32, #tpu.memory_space<vmem>>, vector<16xi32>,
      %mul3A_186 = arith.constant 4 : i32
      %mul3A_187 = vector.broadcast %mul3A_186 : i32 to vector<16xi32>
      %mul3A_188 = arith.muli %get3A_185, %mul3A_187 : vector<16xi32>
      %add3A_189 = arith.constant 0 : i32
      %add3A_190 = vector.broadcast %add3A_189 : i32 to vector<16xi32>
      %add3A_191 = arith.addi %mul3A_182, %add3A_190 : vector<16xi32>
      %gather3A_192 = tpu.vector_load_idx %arg8[%add3A_191] : memref<40448xf32, #tpu.memory_space<vmem>>[vector<16xi32>], vector<16xf32>,
      %add3A_193 = arith.constant 0 : i32
      %add3A_194 = vector.broadcast %add3A_193 : i32 to vector<16xi32>
      %add3A_195 = arith.addi %mul3A_188, %add3A_194 : vector<16xi32>
      tpu.vector_store_idx %arg9[%add3A_195], %gather3A_192 {add = true} : memref<40448xf32, #tpu.memory_space<vmem>>[vector<16xi32>], vector<16xf32>,
      %add3A_196 = arith.constant 1 : i32
      %add3A_197 = vector.broadcast %add3A_196 : i32 to vector<16xi32>
      %add3A_198 = arith.addi %mul3A_182, %add3A_197 : vector<16xi32>
      %gather3A_199 = tpu.vector_load_idx %arg8[%add3A_198] : memref<40448xf32, #tpu.memory_space<vmem>>[vector<16xi32>], vector<16xf32>,
      %add3A_200 = arith.constant 1 : i32
      %add3A_201 = vector.broadcast %add3A_200 : i32 to vector<16xi32>
      %add3A_202 = arith.addi %mul3A_188, %add3A_201 : vector<16xi32>
      tpu.vector_store_idx %arg9[%add3A_202], %gather3A_199 {add = true} : memref<40448xf32, #tpu.memory_space<vmem>>[vector<16xi32>], vector<16xf32>,
      %add3A_203 = arith.constant 2 : i32
      %add3A_204 = vector.broadcast %add3A_203 : i32 to vector<16xi32>
      %add3A_205 = arith.addi %mul3A_182, %add3A_204 : vector<16xi32>
      %gather3A_206 = tpu.vector_load_idx %arg8[%add3A_205] : memref<40448xf32, #tpu.memory_space<vmem>>[vector<16xi32>], vector<16xf32>,
      %add3A_207 = arith.constant 2 : i32
      %add3A_208 = vector.broadcast %add3A_207 : i32 to vector<16xi32>
      %add3A_209 = arith.addi %mul3A_188, %add3A_208 : vector<16xi32>
      tpu.vector_store_idx %arg9[%add3A_209], %gather3A_206 {add = true} : memref<40448xf32, #tpu.memory_space<vmem>>[vector<16xi32>], vector<16xf32>,
      %add3A_210 = arith.constant 3 : i32
      %add3A_211 = vector.broadcast %add3A_210 : i32 to vector<16xi32>
      %add3A_212 = arith.addi %mul3A_182, %add3A_211 : vector<16xi32>
      %gather3A_213 = tpu.vector_load_idx %arg8[%add3A_212] : memref<40448xf32, #tpu.memory_space<vmem>>[vector<16xi32>], vector<16xf32>,
      %add3A_214 = arith.constant 3 : i32
      %add3A_215 = vector.broadcast %add3A_214 : i32 to vector<16xi32>
      %add3A_216 = arith.addi %mul3A_188, %add3A_215 : vector<16xi32>
      tpu.vector_store_idx %arg9[%add3A_216], %gather3A_213 {add = true} : memref<40448xf32, #tpu.memory_space<vmem>>[vector<16xi32>], vector<16xf32>,
      %get3A_217 = arith.index_cast %add3A_18 : i32 to index
      %get3A_218 = arith.constant 80 : index
      %get3A_219 = tpu.vector_load %arg6[%get3A_217, %get3A_218] {strides = array<i32>} : memref<80x128xi32, #tpu.memory_space<vmem>>, vector<16xi32>,
      %mul3A_220 = arith.constant 4 : i32
      %mul3A_221 = vector.broadcast %mul3A_220 : i32 to vector<16xi32>
      %mul3A_222 = arith.muli %get3A_219, %mul3A_221 : vector<16xi32>
      %get3A_223 = arith.index_cast %add3A_18 : i32 to index
      %get3A_224 = arith.constant 80 : index
      %get3A_225 = tpu.vector_load %arg7[%get3A_223, %get3A_224] {strides = array<i32>} : memref<80x128xi32, #tpu.memory_space<vmem>>, vector<16xi32>,
      %mul3A_226 = arith.constant 4 : i32
      %mul3A_227 = vector.broadcast %mul3A_226 : i32 to vector<16xi32>
      %mul3A_228 = arith.muli %get3A_225, %mul3A_227 : vector<16xi32>
      %add3A_229 = arith.constant 0 : i32
      %add3A_230 = vector.broadcast %add3A_229 : i32 to vector<16xi32>
      %add3A_231 = arith.addi %mul3A_222, %add3A_230 : vector<16xi32>
      %gather3A_232 = tpu.vector_load_idx %arg8[%add3A_231] : memref<40448xf32, #tpu.memory_space<vmem>>[vector<16xi32>], vector<16xf32>,
      %add3A_233 = arith.constant 0 : i32
      %add3A_234 = vector.broadcast %add3A_233 : i32 to vector<16xi32>
      %add3A_235 = arith.addi %mul3A_228, %add3A_234 : vector<16xi32>
      tpu.vector_store_idx %arg9[%add3A_235], %gather3A_232 {add = true} : memref<40448xf32, #tpu.memory_space<vmem>>[vector<16xi32>], vector<16xf32>,
      %add3A_236 = arith.constant 1 : i32
      %add3A_237 = vector.broadcast %add3A_236 : i32 to vector<16xi32>
      %add3A_238 = arith.addi %mul3A_222, %add3A_237 : vector<16xi32>
      %gather3A_239 = tpu.vector_load_idx %arg8[%add3A_238] : memref<40448xf32, #tpu.memory_space<vmem>>[vector<16xi32>], vector<16xf32>,
      %add3A_240 = arith.constant 1 : i32
      %add3A_241 = vector.broadcast %add3A_240 : i32 to vector<16xi32>
      %add3A_242 = arith.addi %mul3A_228, %add3A_241 : vector<16xi32>
      tpu.vector_store_idx %arg9[%add3A_242], %gather3A_239 {add = true} : memref<40448xf32, #tpu.memory_space<vmem>>[vector<16xi32>], vector<16xf32>,
      %add3A_243 = arith.constant 2 : i32
      %add3A_244 = vector.broadcast %add3A_243 : i32 to vector<16xi32>
      %add3A_245 = arith.addi %mul3A_222, %add3A_244 : vector<16xi32>
      %gather3A_246 = tpu.vector_load_idx %arg8[%add3A_245] : memref<40448xf32, #tpu.memory_space<vmem>>[vector<16xi32>], vector<16xf32>,
      %add3A_247 = arith.constant 2 : i32
      %add3A_248 = vector.broadcast %add3A_247 : i32 to vector<16xi32>
      %add3A_249 = arith.addi %mul3A_228, %add3A_248 : vector<16xi32>
      tpu.vector_store_idx %arg9[%add3A_249], %gather3A_246 {add = true} : memref<40448xf32, #tpu.memory_space<vmem>>[vector<16xi32>], vector<16xf32>,
      %add3A_250 = arith.constant 3 : i32
      %add3A_251 = vector.broadcast %add3A_250 : i32 to vector<16xi32>
      %add3A_252 = arith.addi %mul3A_222, %add3A_251 : vector<16xi32>
      %gather3A_253 = tpu.vector_load_idx %arg8[%add3A_252] : memref<40448xf32, #tpu.memory_space<vmem>>[vector<16xi32>], vector<16xf32>,
      %add3A_254 = arith.constant 3 : i32
      %add3A_255 = vector.broadcast %add3A_254 : i32 to vector<16xi32>
      %add3A_256 = arith.addi %mul3A_228, %add3A_255 : vector<16xi32>
      tpu.vector_store_idx %arg9[%add3A_256], %gather3A_253 {add = true} : memref<40448xf32, #tpu.memory_space<vmem>>[vector<16xi32>], vector<16xf32>,
      %get3A_257 = arith.index_cast %add3A_18 : i32 to index
      %get3A_258 = arith.constant 96 : index
      %get3A_259 = tpu.vector_load %arg6[%get3A_257, %get3A_258] {strides = array<i32>} : memref<80x128xi32, #tpu.memory_space<vmem>>, vector<16xi32>,
      %mul3A_260 = arith.constant 4 : i32
      %mul3A_261 = vector.broadcast %mul3A_260 : i32 to vector<16xi32>
      %mul3A_262 = arith.muli %get3A_259, %mul3A_261 : vector<16xi32>
      %get3A_263 = arith.index_cast %add3A_18 : i32 to index
      %get3A_264 = arith.constant 96 : index
      %get3A_265 = tpu.vector_load %arg7[%get3A_263, %get3A_264] {strides = array<i32>} : memref<80x128xi32, #tpu.memory_space<vmem>>, vector<16xi32>,
      %mul3A_266 = arith.constant 4 : i32
      %mul3A_267 = vector.broadcast %mul3A_266 : i32 to vector<16xi32>
      %mul3A_268 = arith.muli %get3A_265, %mul3A_267 : vector<16xi32>
      %add3A_269 = arith.constant 0 : i32
      %add3A_270 = vector.broadcast %add3A_269 : i32 to vector<16xi32>
      %add3A_271 = arith.addi %mul3A_262, %add3A_270 : vector<16xi32>
      %gather3A_272 = tpu.vector_load_idx %arg8[%add3A_271] : memref<40448xf32, #tpu.memory_space<vmem>>[vector<16xi32>], vector<16xf32>,
      %add3A_273 = arith.constant 0 : i32
      %add3A_274 = vector.broadcast %add3A_273 : i32 to vector<16xi32>
      %add3A_275 = arith.addi %mul3A_268, %add3A_274 : vector<16xi32>
      tpu.vector_store_idx %arg9[%add3A_275], %gather3A_272 {add = true} : memref<40448xf32, #tpu.memory_space<vmem>>[vector<16xi32>], vector<16xf32>,
      %add3A_276 = arith.constant 1 : i32
      %add3A_277 = vector.broadcast %add3A_276 : i32 to vector<16xi32>
      %add3A_278 = arith.addi %mul3A_262, %add3A_277 : vector<16xi32>
      %gather3A_279 = tpu.vector_load_idx %arg8[%add3A_278] : memref<40448xf32, #tpu.memory_space<vmem>>[vector<16xi32>], vector<16xf32>,
      %add3A_280 = arith.constant 1 : i32
      %add3A_281 = vector.broadcast %add3A_280 : i32 to vector<16xi32>
      %add3A_282 = arith.addi %mul3A_268, %add3A_281 : vector<16xi32>
      tpu.vector_store_idx %arg9[%add3A_282], %gather3A_279 {add = true} : memref<40448xf32, #tpu.memory_space<vmem>>[vector<16xi32>], vector<16xf32>,
      %add3A_283 = arith.constant 2 : i32
      %add3A_284 = vector.broadcast %add3A_283 : i32 to vector<16xi32>
      %add3A_285 = arith.addi %mul3A_262, %add3A_284 : vector<16xi32>
      %gather3A_286 = tpu.vector_load_idx %arg8[%add3A_285] : memref<40448xf32, #tpu.memory_space<vmem>>[vector<16xi32>], vector<16xf32>,
      %add3A_287 = arith.constant 2 : i32
      %add3A_288 = vector.broadcast %add3A_287 : i32 to vector<16xi32>
      %add3A_289 = arith.addi %mul3A_268, %add3A_288 : vector<16xi32>
      tpu.vector_store_idx %arg9[%add3A_289], %gather3A_286 {add = true} : memref<40448xf32, #tpu.memory_space<vmem>>[vector<16xi32>], vector<16xf32>,
      %add3A_290 = arith.constant 3 : i32
      %add3A_291 = vector.broadcast %add3A_290 : i32 to vector<16xi32>
      %add3A_292 = arith.addi %mul3A_262, %add3A_291 : vector<16xi32>
      %gather3A_293 = tpu.vector_load_idx %arg8[%add3A_292] : memref<40448xf32, #tpu.memory_space<vmem>>[vector<16xi32>], vector<16xf32>,
      %add3A_294 = arith.constant 3 : i32
      %add3A_295 = vector.broadcast %add3A_294 : i32 to vector<16xi32>
      %add3A_296 = arith.addi %mul3A_268, %add3A_295 : vector<16xi32>
      tpu.vector_store_idx %arg9[%add3A_296], %gather3A_293 {add = true} : memref<40448xf32, #tpu.memory_space<vmem>>[vector<16xi32>], vector<16xf32>,
      %get3A_297 = arith.index_cast %add3A_18 : i32 to index
      %get3A_298 = arith.constant 112 : index
      %get3A_299 = tpu.vector_load %arg6[%get3A_297, %get3A_298] {strides = array<i32>} : memref<80x128xi32, #tpu.memory_space<vmem>>, vector<16xi32>,
      %mul3A_300 = arith.constant 4 : i32
      %mul3A_301 = vector.broadcast %mul3A_300 : i32 to vector<16xi32>
      %mul3A_302 = arith.muli %get3A_299, %mul3A_301 : vector<16xi32>
      %get3A_303 = arith.index_cast %add3A_18 : i32 to index
      %get3A_304 = arith.constant 112 : index
      %get3A_305 = tpu.vector_load %arg7[%get3A_303, %get3A_304] {strides = array<i32>} : memref<80x128xi32, #tpu.memory_space<vmem>>, vector<16xi32>,
      %mul3A_306 = arith.constant 4 : i32
      %mul3A_307 = vector.broadcast %mul3A_306 : i32 to vector<16xi32>
      %mul3A_308 = arith.muli %get3A_305, %mul3A_307 : vector<16xi32>
      %add3A_309 = arith.constant 0 : i32
      %add3A_310 = vector.broadcast %add3A_309 : i32 to vector<16xi32>
      %add3A_311 = arith.addi %mul3A_302, %add3A_310 : vector<16xi32>
      %gather3A_312 = tpu.vector_load_idx %arg8[%add3A_311] : memref<40448xf32, #tpu.memory_space<vmem>>[vector<16xi32>], vector<16xf32>,
      %add3A_313 = arith.constant 0 : i32
      %add3A_314 = vector.broadcast %add3A_313 : i32 to vector<16xi32>
      %add3A_315 = arith.addi %mul3A_308, %add3A_314 : vector<16xi32>
      tpu.vector_store_idx %arg9[%add3A_315], %gather3A_312 {add = true} : memref<40448xf32, #tpu.memory_space<vmem>>[vector<16xi32>], vector<16xf32>,
      %add3A_316 = arith.constant 1 : i32
      %add3A_317 = vector.broadcast %add3A_316 : i32 to vector<16xi32>
      %add3A_318 = arith.addi %mul3A_302, %add3A_317 : vector<16xi32>
      %gather3A_319 = tpu.vector_load_idx %arg8[%add3A_318] : memref<40448xf32, #tpu.memory_space<vmem>>[vector<16xi32>], vector<16xf32>,
      %add3A_320 = arith.constant 1 : i32
      %add3A_321 = vector.broadcast %add3A_320 : i32 to vector<16xi32>
      %add3A_322 = arith.addi %mul3A_308, %add3A_321 : vector<16xi32>
      tpu.vector_store_idx %arg9[%add3A_322], %gather3A_319 {add = true} : memref<40448xf32, #tpu.memory_space<vmem>>[vector<16xi32>], vector<16xf32>,
      %add3A_323 = arith.constant 2 : i32
      %add3A_324 = vector.broadcast %add3A_323 : i32 to vector<16xi32>
      %add3A_325 = arith.addi %mul3A_302, %add3A_324 : vector<16xi32>
      %gather3A_326 = tpu.vector_load_idx %arg8[%add3A_325] : memref<40448xf32, #tpu.memory_space<vmem>>[vector<16xi32>], vector<16xf32>,
      %add3A_327 = arith.constant 2 : i32
      %add3A_328 = vector.broadcast %add3A_327 : i32 to vector<16xi32>
      %add3A_329 = arith.addi %mul3A_308, %add3A_328 : vector<16xi32>
      tpu.vector_store_idx %arg9[%add3A_329], %gather3A_326 {add = true} : memref<40448xf32, #tpu.memory_space<vmem>>[vector<16xi32>], vector<16xf32>,
      %add3A_330 = arith.constant 3 : i32
      %add3A_331 = vector.broadcast %add3A_330 : i32 to vector<16xi32>
      %add3A_332 = arith.addi %mul3A_302, %add3A_331 : vector<16xi32>
      %gather3A_333 = tpu.vector_load_idx %arg8[%add3A_332] : memref<40448xf32, #tpu.memory_space<vmem>>[vector<16xi32>], vector<16xf32>,
      %add3A_334 = arith.constant 3 : i32
      %add3A_335 = vector.broadcast %add3A_334 : i32 to vector<16xi32>
      %add3A_336 = arith.addi %mul3A_308, %add3A_335 : vector<16xi32>
      tpu.vector_store_idx %arg9[%add3A_336], %gather3A_333 {add = true} : memref<40448xf32, #tpu.memory_space<vmem>>[vector<16xi32>], vector<16xf32>,
    }
    %scan3A_13 = arith.constant 80 : i32
    "tpu.region"() ({
      %run_scoped3A = tpu.sem_alloc : memref<!tpu.dma_semaphore, #tpu.memory_space<semaphore_mem>>
      %dma_start3A = arith.constant 0 : i32
      %dma_start3A_14 = tpu.memref_slice %arg5[%add3A, %dma_start3A] : memref<32x40448xf32, #tpu.memory_space<hbm>> -> memref<1x40448xf32, #tpu.memory_space<hbm>>
      %dma_start3A_15 = tpu.memref_squeeze %dma_start3A_14 : memref<1x40448xf32, #tpu.memory_space<hbm>> -> memref<40448xf32, #tpu.memory_space<hbm>>
      %dma_start3A_16 = arith.constant 0 : i32
      %dma_start3A_17 = tpu.memref_slice %arg5[%add3A, %dma_start3A_16] : memref<32x40448xf32, #tpu.memory_space<hbm>> -> memref<1x40448xf32, #tpu.memory_space<hbm>>
      %dma_start3A_18 = tpu.memref_squeeze %dma_start3A_17 : memref<1x40448xf32, #tpu.memory_space<hbm>> -> memref<40448xf32, #tpu.memory_space<hbm>>
      tpu.enqueue_dma source(%arg9 : memref<40448xf32, #tpu.memory_space<vmem>>) target(%dma_start3A_18 : memref<40448xf32, #tpu.memory_space<hbm>>) target_semaphore(%run_scoped3A : memref<!tpu.dma_semaphore, #tpu.memory_space<semaphore_mem>>)
      %dma_wait3A = arith.constant 0 : i32
      %dma_wait3A_19 = tpu.memref_slice %arg5[%add3A, %dma_wait3A] : memref<32x40448xf32, #tpu.memory_space<hbm>> -> memref<1x40448xf32, #tpu.memory_space<hbm>>
      %dma_wait3A_20 = tpu.memref_squeeze %dma_wait3A_19 : memref<1x40448xf32, #tpu.memory_space<hbm>> -> memref<40448xf32, #tpu.memory_space<hbm>>
      %dma_wait3A_21 = arith.constant 0 : i32
      %dma_wait3A_22 = tpu.memref_slice %arg5[%add3A, %dma_wait3A_21] : memref<32x40448xf32, #tpu.memory_space<hbm>> -> memref<1x40448xf32, #tpu.memory_space<hbm>>
      %dma_wait3A_23 = tpu.memref_squeeze %dma_wait3A_22 : memref<1x40448xf32, #tpu.memory_space<hbm>> -> memref<40448xf32, #tpu.memory_space<hbm>>
      tpu.wait_dma2 semaphore(%run_scoped3A : memref<!tpu.dma_semaphore, #tpu.memory_space<semaphore_mem>>) src(%arg9 : memref<40448xf32, #tpu.memory_space<vmem>>) dst(%dma_wait3A_23 : memref<40448xf32, #tpu.memory_space<hbm>>)
      tpu.yield
    }) : () -> ()
    return
  }
}

#map = affine_map<(d0, d1) -> (0, 0)>
#map1 = affine_map<(d0, d1) -> (0)>
module attributes {stable_mosaic.version = 14 : i64} {
  func.func @mp_sc(%arg0: i32, %arg1: i32, %arg2: memref<2560x128xi32, #tpu.memory_space<hbm>>, %arg3: memref<2560x128xi32, #tpu.memory_space<hbm>>, %arg4: memref<40448xf32, #tpu.memory_space<hbm>>, %arg5: memref<32x40448xf32, #tpu.memory_space<hbm>>, %arg6: memref<80x128xi32, #tpu.memory_space<vmem>>, %arg7: memref<80x128xi32, #tpu.memory_space<vmem>>, %arg8: memref<40448xf32, #tpu.memory_space<vmem>>, %arg9: memref<40448xf32, #tpu.memory_space<vmem>>) attributes {dimension_semantics = [#tpu.dimension_semantics<core_parallel>, #tpu.dimension_semantics<subcore_parallel>], iteration_bounds = array<i64: 2, 16>, scalar_prefetch = 0 : i64, scratch_operands = 4 : i64, tpu.core_type = #tpu.core_type<sc_vector_subcore>, window_params = [{transform_indices = #map}, {transform_indices = #map}, {transform_indices = #map1}, {transform_indices = #map}]} {
    %mul3A = arith.constant 16 : i32
    %mul3A_0 = arith.muli %arg0, %mul3A : i32
    %add3A = arith.addi %mul3A_0, %arg1 : i32
    %scan3A = arith.constant 0 : i32
    %scan3A_1 = arith.constant 2528 : i32
    %scan3A_2 = arith.addi %scan3A, %scan3A_1 : i32
    %scan3A_3 = arith.constant 1 : i32
    scf.for %scan3A_14 = %scan3A to %scan3A_2 step %scan3A_3  : i32 {
      %mul3A_15 = arith.constant 1 : i32
      %mul3A_16 = arith.muli %scan3A_14, %mul3A_15 : i32
      %add3A_17 = arith.constant 0 : i32
      %add3A_18 = arith.addi %add3A_17, %mul3A_16 : i32
      %broadcast_in_dim3A = arith.constant 0.000000e+00 : f32
      %broadcast_in_dim3A_19 = vector.broadcast %broadcast_in_dim3A : f32 to vector<16xf32>
      %mul3A_20 = arith.constant 16 : i32
      %mul3A_21 = arith.muli %add3A_18, %mul3A_20 : i32
      %swap3A = arith.index_cast %mul3A_21 : i32 to index
      %swap3A_22 = tpu.vector_load %arg9[%swap3A] {strides = array<i32>} : memref<40448xf32, #tpu.memory_space<vmem>>, vector<16xf32>,
      tpu.vector_store %arg9[%swap3A], %broadcast_in_dim3A_19 {strides = array<i32>} : memref<40448xf32, #tpu.memory_space<vmem>>, vector<16xf32>,
    }
    %scan3A_4 = arith.constant 2528 : i32
    %mul3A_5 = arith.constant 80 : i32
    %mul3A_6 = arith.muli %add3A, %mul3A_5 : i32
    "tpu.region"() ({
      %run_scoped3A = tpu.sem_alloc : memref<!tpu.dma_semaphore, #tpu.memory_space<semaphore_mem>>
      %dma_start3A = arith.constant 0 : i32
      %dma_start3A_14 = tpu.memref_slice %arg2[%mul3A_6, %dma_start3A] : memref<2560x128xi32, #tpu.memory_space<hbm>> -> memref<80x128xi32, #tpu.memory_space<hbm>>
      %dma_start3A_15 = arith.constant 0 : i32
      %dma_start3A_16 = tpu.memref_slice %arg2[%mul3A_6, %dma_start3A_15] : memref<2560x128xi32, #tpu.memory_space<hbm>> -> memref<80x128xi32, #tpu.memory_space<hbm>>
      tpu.enqueue_dma source(%dma_start3A_16 : memref<80x128xi32, #tpu.memory_space<hbm>>) target(%arg6 : memref<80x128xi32, #tpu.memory_space<vmem>>) target_semaphore(%run_scoped3A : memref<!tpu.dma_semaphore, #tpu.memory_space<semaphore_mem>>)
      %dma_wait3A = arith.constant 0 : i32
      %dma_wait3A_17 = tpu.memref_slice %arg2[%mul3A_6, %dma_wait3A] : memref<2560x128xi32, #tpu.memory_space<hbm>> -> memref<80x128xi32, #tpu.memory_space<hbm>>
      %dma_wait3A_18 = arith.constant 0 : i32
      %dma_wait3A_19 = tpu.memref_slice %arg2[%mul3A_6, %dma_wait3A_18] : memref<2560x128xi32, #tpu.memory_space<hbm>> -> memref<80x128xi32, #tpu.memory_space<hbm>>
      tpu.wait_dma2 semaphore(%run_scoped3A : memref<!tpu.dma_semaphore, #tpu.memory_space<semaphore_mem>>) src(%dma_wait3A_19 : memref<80x128xi32, #tpu.memory_space<hbm>>) dst(%arg6 : memref<80x128xi32, #tpu.memory_space<vmem>>)
      tpu.yield
    }) : () -> ()
    %mul3A_7 = arith.constant 80 : i32
    %mul3A_8 = arith.muli %add3A, %mul3A_7 : i32
    "tpu.region"() ({
      %run_scoped3A = tpu.sem_alloc : memref<!tpu.dma_semaphore, #tpu.memory_space<semaphore_mem>>
      %dma_start3A = arith.constant 0 : i32
      %dma_start3A_14 = tpu.memref_slice %arg3[%mul3A_8, %dma_start3A] : memref<2560x128xi32, #tpu.memory_space<hbm>> -> memref<80x128xi32, #tpu.memory_space<hbm>>
      %dma_start3A_15 = arith.constant 0 : i32
      %dma_start3A_16 = tpu.memref_slice %arg3[%mul3A_8, %dma_start3A_15] : memref<2560x128xi32, #tpu.memory_space<hbm>> -> memref<80x128xi32, #tpu.memory_space<hbm>>
      tpu.enqueue_dma source(%dma_start3A_16 : memref<80x128xi32, #tpu.memory_space<hbm>>) target(%arg7 : memref<80x128xi32, #tpu.memory_space<vmem>>) target_semaphore(%run_scoped3A : memref<!tpu.dma_semaphore, #tpu.memory_space<semaphore_mem>>)
      %dma_wait3A = arith.constant 0 : i32
      %dma_wait3A_17 = tpu.memref_slice %arg3[%mul3A_8, %dma_wait3A] : memref<2560x128xi32, #tpu.memory_space<hbm>> -> memref<80x128xi32, #tpu.memory_space<hbm>>
      %dma_wait3A_18 = arith.constant 0 : i32
      %dma_wait3A_19 = tpu.memref_slice %arg3[%mul3A_8, %dma_wait3A_18] : memref<2560x128xi32, #tpu.memory_space<hbm>> -> memref<80x128xi32, #tpu.memory_space<hbm>>
      tpu.wait_dma2 semaphore(%run_scoped3A : memref<!tpu.dma_semaphore, #tpu.memory_space<semaphore_mem>>) src(%dma_wait3A_19 : memref<80x128xi32, #tpu.memory_space<hbm>>) dst(%arg7 : memref<80x128xi32, #tpu.memory_space<vmem>>)
      tpu.yield
    }) : () -> ()
    "tpu.region"() ({
      %run_scoped3A = tpu.sem_alloc : memref<!tpu.dma_semaphore, #tpu.memory_space<semaphore_mem>>
      tpu.enqueue_dma source(%arg4 : memref<40448xf32, #tpu.memory_space<hbm>>) target(%arg8 : memref<40448xf32, #tpu.memory_space<vmem>>) target_semaphore(%run_scoped3A : memref<!tpu.dma_semaphore, #tpu.memory_space<semaphore_mem>>)
      tpu.wait_dma2 semaphore(%run_scoped3A : memref<!tpu.dma_semaphore, #tpu.memory_space<semaphore_mem>>) src(%arg4 : memref<40448xf32, #tpu.memory_space<hbm>>) dst(%arg8 : memref<40448xf32, #tpu.memory_space<vmem>>)
      tpu.yield
    }) : () -> ()
    %scan3A_9 = arith.constant 0 : i32
    %scan3A_10 = arith.constant 80 : i32
    %scan3A_11 = arith.addi %scan3A_9, %scan3A_10 : i32
    %scan3A_12 = arith.constant 1 : i32
    scf.for %scan3A_14 = %scan3A_9 to %scan3A_11 step %scan3A_12  : i32 {
      %mul3A_15 = arith.constant 1 : i32
      %mul3A_16 = arith.muli %scan3A_14, %mul3A_15 : i32
      %add3A_17 = arith.constant 0 : i32
      %add3A_18 = arith.addi %add3A_17, %mul3A_16 : i32
      %get3A = arith.index_cast %add3A_18 : i32 to index
      %get3A_19 = arith.constant 0 : index
      %get3A_20 = tpu.vector_load %arg6[%get3A, %get3A_19] {strides = array<i32>} : memref<80x128xi32, #tpu.memory_space<vmem>>, vector<16xi32>,
      %mul3A_21 = arith.constant 4 : i32
      %mul3A_22 = vector.broadcast %mul3A_21 : i32 to vector<16xi32>
      %mul3A_23 = arith.muli %get3A_20, %mul3A_22 : vector<16xi32>
      %get3A_24 = arith.index_cast %add3A_18 : i32 to index
      %get3A_25 = arith.constant 0 : index
      %get3A_26 = tpu.vector_load %arg7[%get3A_24, %get3A_25] {strides = array<i32>} : memref<80x128xi32, #tpu.memory_space<vmem>>, vector<16xi32>,
      %mul3A_27 = arith.constant 4 : i32
      %mul3A_28 = vector.broadcast %mul3A_27 : i32 to vector<16xi32>
      %mul3A_29 = arith.muli %get3A_26, %mul3A_28 : vector<16xi32>
      %add3A_30 = arith.constant 0 : i32
      %add3A_31 = vector.broadcast %add3A_30 : i32 to vector<16xi32>
      %add3A_32 = arith.addi %mul3A_23, %add3A_31 : vector<16xi32>
      %gather3A = tpu.vector_load_idx %arg8[%add3A_32] : memref<40448xf32, #tpu.memory_space<vmem>>[vector<16xi32>], vector<16xf32>,
      %add3A_33 = arith.constant 0 : i32
      %add3A_34 = vector.broadcast %add3A_33 : i32 to vector<16xi32>
      %add3A_35 = arith.addi %mul3A_29, %add3A_34 : vector<16xi32>
      tpu.vector_store_idx %arg9[%add3A_35], %gather3A {add = true} : memref<40448xf32, #tpu.memory_space<vmem>>[vector<16xi32>], vector<16xf32>,
      %add3A_36 = arith.constant 1 : i32
      %add3A_37 = vector.broadcast %add3A_36 : i32 to vector<16xi32>
      %add3A_38 = arith.addi %mul3A_23, %add3A_37 : vector<16xi32>
      %gather3A_39 = tpu.vector_load_idx %arg8[%add3A_38] : memref<40448xf32, #tpu.memory_space<vmem>>[vector<16xi32>], vector<16xf32>,
      %add3A_40 = arith.constant 1 : i32
      %add3A_41 = vector.broadcast %add3A_40 : i32 to vector<16xi32>
      %add3A_42 = arith.addi %mul3A_29, %add3A_41 : vector<16xi32>
      tpu.vector_store_idx %arg9[%add3A_42], %gather3A_39 {add = true} : memref<40448xf32, #tpu.memory_space<vmem>>[vector<16xi32>], vector<16xf32>,
      %add3A_43 = arith.constant 2 : i32
      %add3A_44 = vector.broadcast %add3A_43 : i32 to vector<16xi32>
      %add3A_45 = arith.addi %mul3A_23, %add3A_44 : vector<16xi32>
      %gather3A_46 = tpu.vector_load_idx %arg8[%add3A_45] : memref<40448xf32, #tpu.memory_space<vmem>>[vector<16xi32>], vector<16xf32>,
      %add3A_47 = arith.constant 2 : i32
      %add3A_48 = vector.broadcast %add3A_47 : i32 to vector<16xi32>
      %add3A_49 = arith.addi %mul3A_29, %add3A_48 : vector<16xi32>
      tpu.vector_store_idx %arg9[%add3A_49], %gather3A_46 {add = true} : memref<40448xf32, #tpu.memory_space<vmem>>[vector<16xi32>], vector<16xf32>,
      %add3A_50 = arith.constant 3 : i32
      %add3A_51 = vector.broadcast %add3A_50 : i32 to vector<16xi32>
      %add3A_52 = arith.addi %mul3A_23, %add3A_51 : vector<16xi32>
      %gather3A_53 = tpu.vector_load_idx %arg8[%add3A_52] : memref<40448xf32, #tpu.memory_space<vmem>>[vector<16xi32>], vector<16xf32>,
      %add3A_54 = arith.constant 3 : i32
      %add3A_55 = vector.broadcast %add3A_54 : i32 to vector<16xi32>
      %add3A_56 = arith.addi %mul3A_29, %add3A_55 : vector<16xi32>
      tpu.vector_store_idx %arg9[%add3A_56], %gather3A_53 {add = true} : memref<40448xf32, #tpu.memory_space<vmem>>[vector<16xi32>], vector<16xf32>,
      %get3A_57 = arith.index_cast %add3A_18 : i32 to index
      %get3A_58 = arith.constant 16 : index
      %get3A_59 = tpu.vector_load %arg6[%get3A_57, %get3A_58] {strides = array<i32>} : memref<80x128xi32, #tpu.memory_space<vmem>>, vector<16xi32>,
      %mul3A_60 = arith.constant 4 : i32
      %mul3A_61 = vector.broadcast %mul3A_60 : i32 to vector<16xi32>
      %mul3A_62 = arith.muli %get3A_59, %mul3A_61 : vector<16xi32>
      %get3A_63 = arith.index_cast %add3A_18 : i32 to index
      %get3A_64 = arith.constant 16 : index
      %get3A_65 = tpu.vector_load %arg7[%get3A_63, %get3A_64] {strides = array<i32>} : memref<80x128xi32, #tpu.memory_space<vmem>>, vector<16xi32>,
      %mul3A_66 = arith.constant 4 : i32
      %mul3A_67 = vector.broadcast %mul3A_66 : i32 to vector<16xi32>
      %mul3A_68 = arith.muli %get3A_65, %mul3A_67 : vector<16xi32>
      %add3A_69 = arith.constant 0 : i32
      %add3A_70 = vector.broadcast %add3A_69 : i32 to vector<16xi32>
      %add3A_71 = arith.addi %mul3A_62, %add3A_70 : vector<16xi32>
      %gather3A_72 = tpu.vector_load_idx %arg8[%add3A_71] : memref<40448xf32, #tpu.memory_space<vmem>>[vector<16xi32>], vector<16xf32>,
      %add3A_73 = arith.constant 0 : i32
      %add3A_74 = vector.broadcast %add3A_73 : i32 to vector<16xi32>
      %add3A_75 = arith.addi %mul3A_68, %add3A_74 : vector<16xi32>
      tpu.vector_store_idx %arg9[%add3A_75], %gather3A_72 {add = true} : memref<40448xf32, #tpu.memory_space<vmem>>[vector<16xi32>], vector<16xf32>,
      %add3A_76 = arith.constant 1 : i32
      %add3A_77 = vector.broadcast %add3A_76 : i32 to vector<16xi32>
      %add3A_78 = arith.addi %mul3A_62, %add3A_77 : vector<16xi32>
      %gather3A_79 = tpu.vector_load_idx %arg8[%add3A_78] : memref<40448xf32, #tpu.memory_space<vmem>>[vector<16xi32>], vector<16xf32>,
      %add3A_80 = arith.constant 1 : i32
      %add3A_81 = vector.broadcast %add3A_80 : i32 to vector<16xi32>
      %add3A_82 = arith.addi %mul3A_68, %add3A_81 : vector<16xi32>
      tpu.vector_store_idx %arg9[%add3A_82], %gather3A_79 {add = true} : memref<40448xf32, #tpu.memory_space<vmem>>[vector<16xi32>], vector<16xf32>,
      %add3A_83 = arith.constant 2 : i32
      %add3A_84 = vector.broadcast %add3A_83 : i32 to vector<16xi32>
      %add3A_85 = arith.addi %mul3A_62, %add3A_84 : vector<16xi32>
      %gather3A_86 = tpu.vector_load_idx %arg8[%add3A_85] : memref<40448xf32, #tpu.memory_space<vmem>>[vector<16xi32>], vector<16xf32>,
      %add3A_87 = arith.constant 2 : i32
      %add3A_88 = vector.broadcast %add3A_87 : i32 to vector<16xi32>
      %add3A_89 = arith.addi %mul3A_68, %add3A_88 : vector<16xi32>
      tpu.vector_store_idx %arg9[%add3A_89], %gather3A_86 {add = true} : memref<40448xf32, #tpu.memory_space<vmem>>[vector<16xi32>], vector<16xf32>,
      %add3A_90 = arith.constant 3 : i32
      %add3A_91 = vector.broadcast %add3A_90 : i32 to vector<16xi32>
      %add3A_92 = arith.addi %mul3A_62, %add3A_91 : vector<16xi32>
      %gather3A_93 = tpu.vector_load_idx %arg8[%add3A_92] : memref<40448xf32, #tpu.memory_space<vmem>>[vector<16xi32>], vector<16xf32>,
      %add3A_94 = arith.constant 3 : i32
      %add3A_95 = vector.broadcast %add3A_94 : i32 to vector<16xi32>
      %add3A_96 = arith.addi %mul3A_68, %add3A_95 : vector<16xi32>
      tpu.vector_store_idx %arg9[%add3A_96], %gather3A_93 {add = true} : memref<40448xf32, #tpu.memory_space<vmem>>[vector<16xi32>], vector<16xf32>,
      %get3A_97 = arith.index_cast %add3A_18 : i32 to index
      %get3A_98 = arith.constant 32 : index
      %get3A_99 = tpu.vector_load %arg6[%get3A_97, %get3A_98] {strides = array<i32>} : memref<80x128xi32, #tpu.memory_space<vmem>>, vector<16xi32>,
      %mul3A_100 = arith.constant 4 : i32
      %mul3A_101 = vector.broadcast %mul3A_100 : i32 to vector<16xi32>
      %mul3A_102 = arith.muli %get3A_99, %mul3A_101 : vector<16xi32>
      %get3A_103 = arith.index_cast %add3A_18 : i32 to index
      %get3A_104 = arith.constant 32 : index
      %get3A_105 = tpu.vector_load %arg7[%get3A_103, %get3A_104] {strides = array<i32>} : memref<80x128xi32, #tpu.memory_space<vmem>>, vector<16xi32>,
      %mul3A_106 = arith.constant 4 : i32
      %mul3A_107 = vector.broadcast %mul3A_106 : i32 to vector<16xi32>
      %mul3A_108 = arith.muli %get3A_105, %mul3A_107 : vector<16xi32>
      %add3A_109 = arith.constant 0 : i32
      %add3A_110 = vector.broadcast %add3A_109 : i32 to vector<16xi32>
      %add3A_111 = arith.addi %mul3A_102, %add3A_110 : vector<16xi32>
      %gather3A_112 = tpu.vector_load_idx %arg8[%add3A_111] : memref<40448xf32, #tpu.memory_space<vmem>>[vector<16xi32>], vector<16xf32>,
      %add3A_113 = arith.constant 0 : i32
      %add3A_114 = vector.broadcast %add3A_113 : i32 to vector<16xi32>
      %add3A_115 = arith.addi %mul3A_108, %add3A_114 : vector<16xi32>
      tpu.vector_store_idx %arg9[%add3A_115], %gather3A_112 {add = true} : memref<40448xf32, #tpu.memory_space<vmem>>[vector<16xi32>], vector<16xf32>,
      %add3A_116 = arith.constant 1 : i32
      %add3A_117 = vector.broadcast %add3A_116 : i32 to vector<16xi32>
      %add3A_118 = arith.addi %mul3A_102, %add3A_117 : vector<16xi32>
      %gather3A_119 = tpu.vector_load_idx %arg8[%add3A_118] : memref<40448xf32, #tpu.memory_space<vmem>>[vector<16xi32>], vector<16xf32>,
      %add3A_120 = arith.constant 1 : i32
      %add3A_121 = vector.broadcast %add3A_120 : i32 to vector<16xi32>
      %add3A_122 = arith.addi %mul3A_108, %add3A_121 : vector<16xi32>
      tpu.vector_store_idx %arg9[%add3A_122], %gather3A_119 {add = true} : memref<40448xf32, #tpu.memory_space<vmem>>[vector<16xi32>], vector<16xf32>,
      %add3A_123 = arith.constant 2 : i32
      %add3A_124 = vector.broadcast %add3A_123 : i32 to vector<16xi32>
      %add3A_125 = arith.addi %mul3A_102, %add3A_124 : vector<16xi32>
      %gather3A_126 = tpu.vector_load_idx %arg8[%add3A_125] : memref<40448xf32, #tpu.memory_space<vmem>>[vector<16xi32>], vector<16xf32>,
      %add3A_127 = arith.constant 2 : i32
      %add3A_128 = vector.broadcast %add3A_127 : i32 to vector<16xi32>
      %add3A_129 = arith.addi %mul3A_108, %add3A_128 : vector<16xi32>
      tpu.vector_store_idx %arg9[%add3A_129], %gather3A_126 {add = true} : memref<40448xf32, #tpu.memory_space<vmem>>[vector<16xi32>], vector<16xf32>,
      %add3A_130 = arith.constant 3 : i32
      %add3A_131 = vector.broadcast %add3A_130 : i32 to vector<16xi32>
      %add3A_132 = arith.addi %mul3A_102, %add3A_131 : vector<16xi32>
      %gather3A_133 = tpu.vector_load_idx %arg8[%add3A_132] : memref<40448xf32, #tpu.memory_space<vmem>>[vector<16xi32>], vector<16xf32>,
      %add3A_134 = arith.constant 3 : i32
      %add3A_135 = vector.broadcast %add3A_134 : i32 to vector<16xi32>
      %add3A_136 = arith.addi %mul3A_108, %add3A_135 : vector<16xi32>
      tpu.vector_store_idx %arg9[%add3A_136], %gather3A_133 {add = true} : memref<40448xf32, #tpu.memory_space<vmem>>[vector<16xi32>], vector<16xf32>,
      %get3A_137 = arith.index_cast %add3A_18 : i32 to index
      %get3A_138 = arith.constant 48 : index
      %get3A_139 = tpu.vector_load %arg6[%get3A_137, %get3A_138] {strides = array<i32>} : memref<80x128xi32, #tpu.memory_space<vmem>>, vector<16xi32>,
      %mul3A_140 = arith.constant 4 : i32
      %mul3A_141 = vector.broadcast %mul3A_140 : i32 to vector<16xi32>
      %mul3A_142 = arith.muli %get3A_139, %mul3A_141 : vector<16xi32>
      %get3A_143 = arith.index_cast %add3A_18 : i32 to index
      %get3A_144 = arith.constant 48 : index
      %get3A_145 = tpu.vector_load %arg7[%get3A_143, %get3A_144] {strides = array<i32>} : memref<80x128xi32, #tpu.memory_space<vmem>>, vector<16xi32>,
      %mul3A_146 = arith.constant 4 : i32
      %mul3A_147 = vector.broadcast %mul3A_146 : i32 to vector<16xi32>
      %mul3A_148 = arith.muli %get3A_145, %mul3A_147 : vector<16xi32>
      %add3A_149 = arith.constant 0 : i32
      %add3A_150 = vector.broadcast %add3A_149 : i32 to vector<16xi32>
      %add3A_151 = arith.addi %mul3A_142, %add3A_150 : vector<16xi32>
      %gather3A_152 = tpu.vector_load_idx %arg8[%add3A_151] : memref<40448xf32, #tpu.memory_space<vmem>>[vector<16xi32>], vector<16xf32>,
      %add3A_153 = arith.constant 0 : i32
      %add3A_154 = vector.broadcast %add3A_153 : i32 to vector<16xi32>
      %add3A_155 = arith.addi %mul3A_148, %add3A_154 : vector<16xi32>
      tpu.vector_store_idx %arg9[%add3A_155], %gather3A_152 {add = true} : memref<40448xf32, #tpu.memory_space<vmem>>[vector<16xi32>], vector<16xf32>,
      %add3A_156 = arith.constant 1 : i32
      %add3A_157 = vector.broadcast %add3A_156 : i32 to vector<16xi32>
      %add3A_158 = arith.addi %mul3A_142, %add3A_157 : vector<16xi32>
      %gather3A_159 = tpu.vector_load_idx %arg8[%add3A_158] : memref<40448xf32, #tpu.memory_space<vmem>>[vector<16xi32>], vector<16xf32>,
      %add3A_160 = arith.constant 1 : i32
      %add3A_161 = vector.broadcast %add3A_160 : i32 to vector<16xi32>
      %add3A_162 = arith.addi %mul3A_148, %add3A_161 : vector<16xi32>
      tpu.vector_store_idx %arg9[%add3A_162], %gather3A_159 {add = true} : memref<40448xf32, #tpu.memory_space<vmem>>[vector<16xi32>], vector<16xf32>,
      %add3A_163 = arith.constant 2 : i32
      %add3A_164 = vector.broadcast %add3A_163 : i32 to vector<16xi32>
      %add3A_165 = arith.addi %mul3A_142, %add3A_164 : vector<16xi32>
      %gather3A_166 = tpu.vector_load_idx %arg8[%add3A_165] : memref<40448xf32, #tpu.memory_space<vmem>>[vector<16xi32>], vector<16xf32>,
      %add3A_167 = arith.constant 2 : i32
      %add3A_168 = vector.broadcast %add3A_167 : i32 to vector<16xi32>
      %add3A_169 = arith.addi %mul3A_148, %add3A_168 : vector<16xi32>
      tpu.vector_store_idx %arg9[%add3A_169], %gather3A_166 {add = true} : memref<40448xf32, #tpu.memory_space<vmem>>[vector<16xi32>], vector<16xf32>,
      %add3A_170 = arith.constant 3 : i32
      %add3A_171 = vector.broadcast %add3A_170 : i32 to vector<16xi32>
      %add3A_172 = arith.addi %mul3A_142, %add3A_171 : vector<16xi32>
      %gather3A_173 = tpu.vector_load_idx %arg8[%add3A_172] : memref<40448xf32, #tpu.memory_space<vmem>>[vector<16xi32>], vector<16xf32>,
      %add3A_174 = arith.constant 3 : i32
      %add3A_175 = vector.broadcast %add3A_174 : i32 to vector<16xi32>
      %add3A_176 = arith.addi %mul3A_148, %add3A_175 : vector<16xi32>
      tpu.vector_store_idx %arg9[%add3A_176], %gather3A_173 {add = true} : memref<40448xf32, #tpu.memory_space<vmem>>[vector<16xi32>], vector<16xf32>,
      %get3A_177 = arith.index_cast %add3A_18 : i32 to index
      %get3A_178 = arith.constant 64 : index
      %get3A_179 = tpu.vector_load %arg6[%get3A_177, %get3A_178] {strides = array<i32>} : memref<80x128xi32, #tpu.memory_space<vmem>>, vector<16xi32>,
      %mul3A_180 = arith.constant 4 : i32
      %mul3A_181 = vector.broadcast %mul3A_180 : i32 to vector<16xi32>
      %mul3A_182 = arith.muli %get3A_179, %mul3A_181 : vector<16xi32>
      %get3A_183 = arith.index_cast %add3A_18 : i32 to index
      %get3A_184 = arith.constant 64 : index
      %get3A_185 = tpu.vector_load %arg7[%get3A_183, %get3A_184] {strides = array<i32>} : memref<80x128xi32, #tpu.memory_space<vmem>>, vector<16xi32>,
      %mul3A_186 = arith.constant 4 : i32
      %mul3A_187 = vector.broadcast %mul3A_186 : i32 to vector<16xi32>
      %mul3A_188 = arith.muli %get3A_185, %mul3A_187 : vector<16xi32>
      %add3A_189 = arith.constant 0 : i32
      %add3A_190 = vector.broadcast %add3A_189 : i32 to vector<16xi32>
      %add3A_191 = arith.addi %mul3A_182, %add3A_190 : vector<16xi32>
      %gather3A_192 = tpu.vector_load_idx %arg8[%add3A_191] : memref<40448xf32, #tpu.memory_space<vmem>>[vector<16xi32>], vector<16xf32>,
      %add3A_193 = arith.constant 0 : i32
      %add3A_194 = vector.broadcast %add3A_193 : i32 to vector<16xi32>
      %add3A_195 = arith.addi %mul3A_188, %add3A_194 : vector<16xi32>
      tpu.vector_store_idx %arg9[%add3A_195], %gather3A_192 {add = true} : memref<40448xf32, #tpu.memory_space<vmem>>[vector<16xi32>], vector<16xf32>,
      %add3A_196 = arith.constant 1 : i32
      %add3A_197 = vector.broadcast %add3A_196 : i32 to vector<16xi32>
      %add3A_198 = arith.addi %mul3A_182, %add3A_197 : vector<16xi32>
      %gather3A_199 = tpu.vector_load_idx %arg8[%add3A_198] : memref<40448xf32, #tpu.memory_space<vmem>>[vector<16xi32>], vector<16xf32>,
      %add3A_200 = arith.constant 1 : i32
      %add3A_201 = vector.broadcast %add3A_200 : i32 to vector<16xi32>
      %add3A_202 = arith.addi %mul3A_188, %add3A_201 : vector<16xi32>
      tpu.vector_store_idx %arg9[%add3A_202], %gather3A_199 {add = true} : memref<40448xf32, #tpu.memory_space<vmem>>[vector<16xi32>], vector<16xf32>,
      %add3A_203 = arith.constant 2 : i32
      %add3A_204 = vector.broadcast %add3A_203 : i32 to vector<16xi32>
      %add3A_205 = arith.addi %mul3A_182, %add3A_204 : vector<16xi32>
      %gather3A_206 = tpu.vector_load_idx %arg8[%add3A_205] : memref<40448xf32, #tpu.memory_space<vmem>>[vector<16xi32>], vector<16xf32>,
      %add3A_207 = arith.constant 2 : i32
      %add3A_208 = vector.broadcast %add3A_207 : i32 to vector<16xi32>
      %add3A_209 = arith.addi %mul3A_188, %add3A_208 : vector<16xi32>
      tpu.vector_store_idx %arg9[%add3A_209], %gather3A_206 {add = true} : memref<40448xf32, #tpu.memory_space<vmem>>[vector<16xi32>], vector<16xf32>,
      %add3A_210 = arith.constant 3 : i32
      %add3A_211 = vector.broadcast %add3A_210 : i32 to vector<16xi32>
      %add3A_212 = arith.addi %mul3A_182, %add3A_211 : vector<16xi32>
      %gather3A_213 = tpu.vector_load_idx %arg8[%add3A_212] : memref<40448xf32, #tpu.memory_space<vmem>>[vector<16xi32>], vector<16xf32>,
      %add3A_214 = arith.constant 3 : i32
      %add3A_215 = vector.broadcast %add3A_214 : i32 to vector<16xi32>
      %add3A_216 = arith.addi %mul3A_188, %add3A_215 : vector<16xi32>
      tpu.vector_store_idx %arg9[%add3A_216], %gather3A_213 {add = true} : memref<40448xf32, #tpu.memory_space<vmem>>[vector<16xi32>], vector<16xf32>,
      %get3A_217 = arith.index_cast %add3A_18 : i32 to index
      %get3A_218 = arith.constant 80 : index
      %get3A_219 = tpu.vector_load %arg6[%get3A_217, %get3A_218] {strides = array<i32>} : memref<80x128xi32, #tpu.memory_space<vmem>>, vector<16xi32>,
      %mul3A_220 = arith.constant 4 : i32
      %mul3A_221 = vector.broadcast %mul3A_220 : i32 to vector<16xi32>
      %mul3A_222 = arith.muli %get3A_219, %mul3A_221 : vector<16xi32>
      %get3A_223 = arith.index_cast %add3A_18 : i32 to index
      %get3A_224 = arith.constant 80 : index
      %get3A_225 = tpu.vector_load %arg7[%get3A_223, %get3A_224] {strides = array<i32>} : memref<80x128xi32, #tpu.memory_space<vmem>>, vector<16xi32>,
      %mul3A_226 = arith.constant 4 : i32
      %mul3A_227 = vector.broadcast %mul3A_226 : i32 to vector<16xi32>
      %mul3A_228 = arith.muli %get3A_225, %mul3A_227 : vector<16xi32>
      %add3A_229 = arith.constant 0 : i32
      %add3A_230 = vector.broadcast %add3A_229 : i32 to vector<16xi32>
      %add3A_231 = arith.addi %mul3A_222, %add3A_230 : vector<16xi32>
      %gather3A_232 = tpu.vector_load_idx %arg8[%add3A_231] : memref<40448xf32, #tpu.memory_space<vmem>>[vector<16xi32>], vector<16xf32>,
      %add3A_233 = arith.constant 0 : i32
      %add3A_234 = vector.broadcast %add3A_233 : i32 to vector<16xi32>
      %add3A_235 = arith.addi %mul3A_228, %add3A_234 : vector<16xi32>
      tpu.vector_store_idx %arg9[%add3A_235], %gather3A_232 {add = true} : memref<40448xf32, #tpu.memory_space<vmem>>[vector<16xi32>], vector<16xf32>,
      %add3A_236 = arith.constant 1 : i32
      %add3A_237 = vector.broadcast %add3A_236 : i32 to vector<16xi32>
      %add3A_238 = arith.addi %mul3A_222, %add3A_237 : vector<16xi32>
      %gather3A_239 = tpu.vector_load_idx %arg8[%add3A_238] : memref<40448xf32, #tpu.memory_space<vmem>>[vector<16xi32>], vector<16xf32>,
      %add3A_240 = arith.constant 1 : i32
      %add3A_241 = vector.broadcast %add3A_240 : i32 to vector<16xi32>
      %add3A_242 = arith.addi %mul3A_228, %add3A_241 : vector<16xi32>
      tpu.vector_store_idx %arg9[%add3A_242], %gather3A_239 {add = true} : memref<40448xf32, #tpu.memory_space<vmem>>[vector<16xi32>], vector<16xf32>,
      %add3A_243 = arith.constant 2 : i32
      %add3A_244 = vector.broadcast %add3A_243 : i32 to vector<16xi32>
      %add3A_245 = arith.addi %mul3A_222, %add3A_244 : vector<16xi32>
      %gather3A_246 = tpu.vector_load_idx %arg8[%add3A_245] : memref<40448xf32, #tpu.memory_space<vmem>>[vector<16xi32>], vector<16xf32>,
      %add3A_247 = arith.constant 2 : i32
      %add3A_248 = vector.broadcast %add3A_247 : i32 to vector<16xi32>
      %add3A_249 = arith.addi %mul3A_228, %add3A_248 : vector<16xi32>
      tpu.vector_store_idx %arg9[%add3A_249], %gather3A_246 {add = true} : memref<40448xf32, #tpu.memory_space<vmem>>[vector<16xi32>], vector<16xf32>,
      %add3A_250 = arith.constant 3 : i32
      %add3A_251 = vector.broadcast %add3A_250 : i32 to vector<16xi32>
      %add3A_252 = arith.addi %mul3A_222, %add3A_251 : vector<16xi32>
      %gather3A_253 = tpu.vector_load_idx %arg8[%add3A_252] : memref<40448xf32, #tpu.memory_space<vmem>>[vector<16xi32>], vector<16xf32>,
      %add3A_254 = arith.constant 3 : i32
      %add3A_255 = vector.broadcast %add3A_254 : i32 to vector<16xi32>
      %add3A_256 = arith.addi %mul3A_228, %add3A_255 : vector<16xi32>
      tpu.vector_store_idx %arg9[%add3A_256], %gather3A_253 {add = true} : memref<40448xf32, #tpu.memory_space<vmem>>[vector<16xi32>], vector<16xf32>,
      %get3A_257 = arith.index_cast %add3A_18 : i32 to index
      %get3A_258 = arith.constant 96 : index
      %get3A_259 = tpu.vector_load %arg6[%get3A_257, %get3A_258] {strides = array<i32>} : memref<80x128xi32, #tpu.memory_space<vmem>>, vector<16xi32>,
      %mul3A_260 = arith.constant 4 : i32
      %mul3A_261 = vector.broadcast %mul3A_260 : i32 to vector<16xi32>
      %mul3A_262 = arith.muli %get3A_259, %mul3A_261 : vector<16xi32>
      %get3A_263 = arith.index_cast %add3A_18 : i32 to index
      %get3A_264 = arith.constant 96 : index
      %get3A_265 = tpu.vector_load %arg7[%get3A_263, %get3A_264] {strides = array<i32>} : memref<80x128xi32, #tpu.memory_space<vmem>>, vector<16xi32>,
      %mul3A_266 = arith.constant 4 : i32
      %mul3A_267 = vector.broadcast %mul3A_266 : i32 to vector<16xi32>
      %mul3A_268 = arith.muli %get3A_265, %mul3A_267 : vector<16xi32>
      %add3A_269 = arith.constant 0 : i32
      %add3A_270 = vector.broadcast %add3A_269 : i32 to vector<16xi32>
      %add3A_271 = arith.addi %mul3A_262, %add3A_270 : vector<16xi32>
      %gather3A_272 = tpu.vector_load_idx %arg8[%add3A_271] : memref<40448xf32, #tpu.memory_space<vmem>>[vector<16xi32>], vector<16xf32>,
      %add3A_273 = arith.constant 0 : i32
      %add3A_274 = vector.broadcast %add3A_273 : i32 to vector<16xi32>
      %add3A_275 = arith.addi %mul3A_268, %add3A_274 : vector<16xi32>
      tpu.vector_store_idx %arg9[%add3A_275], %gather3A_272 {add = true} : memref<40448xf32, #tpu.memory_space<vmem>>[vector<16xi32>], vector<16xf32>,
      %add3A_276 = arith.constant 1 : i32
      %add3A_277 = vector.broadcast %add3A_276 : i32 to vector<16xi32>
      %add3A_278 = arith.addi %mul3A_262, %add3A_277 : vector<16xi32>
      %gather3A_279 = tpu.vector_load_idx %arg8[%add3A_278] : memref<40448xf32, #tpu.memory_space<vmem>>[vector<16xi32>], vector<16xf32>,
      %add3A_280 = arith.constant 1 : i32
      %add3A_281 = vector.broadcast %add3A_280 : i32 to vector<16xi32>
      %add3A_282 = arith.addi %mul3A_268, %add3A_281 : vector<16xi32>
      tpu.vector_store_idx %arg9[%add3A_282], %gather3A_279 {add = true} : memref<40448xf32, #tpu.memory_space<vmem>>[vector<16xi32>], vector<16xf32>,
      %add3A_283 = arith.constant 2 : i32
      %add3A_284 = vector.broadcast %add3A_283 : i32 to vector<16xi32>
      %add3A_285 = arith.addi %mul3A_262, %add3A_284 : vector<16xi32>
      %gather3A_286 = tpu.vector_load_idx %arg8[%add3A_285] : memref<40448xf32, #tpu.memory_space<vmem>>[vector<16xi32>], vector<16xf32>,
      %add3A_287 = arith.constant 2 : i32
      %add3A_288 = vector.broadcast %add3A_287 : i32 to vector<16xi32>
      %add3A_289 = arith.addi %mul3A_268, %add3A_288 : vector<16xi32>
      tpu.vector_store_idx %arg9[%add3A_289], %gather3A_286 {add = true} : memref<40448xf32, #tpu.memory_space<vmem>>[vector<16xi32>], vector<16xf32>,
      %add3A_290 = arith.constant 3 : i32
      %add3A_291 = vector.broadcast %add3A_290 : i32 to vector<16xi32>
      %add3A_292 = arith.addi %mul3A_262, %add3A_291 : vector<16xi32>
      %gather3A_293 = tpu.vector_load_idx %arg8[%add3A_292] : memref<40448xf32, #tpu.memory_space<vmem>>[vector<16xi32>], vector<16xf32>,
      %add3A_294 = arith.constant 3 : i32
      %add3A_295 = vector.broadcast %add3A_294 : i32 to vector<16xi32>
      %add3A_296 = arith.addi %mul3A_268, %add3A_295 : vector<16xi32>
      tpu.vector_store_idx %arg9[%add3A_296], %gather3A_293 {add = true} : memref<40448xf32, #tpu.memory_space<vmem>>[vector<16xi32>], vector<16xf32>,
      %get3A_297 = arith.index_cast %add3A_18 : i32 to index
      %get3A_298 = arith.constant 112 : index
      %get3A_299 = tpu.vector_load %arg6[%get3A_297, %get3A_298] {strides = array<i32>} : memref<80x128xi32, #tpu.memory_space<vmem>>, vector<16xi32>,
      %mul3A_300 = arith.constant 4 : i32
      %mul3A_301 = vector.broadcast %mul3A_300 : i32 to vector<16xi32>
      %mul3A_302 = arith.muli %get3A_299, %mul3A_301 : vector<16xi32>
      %get3A_303 = arith.index_cast %add3A_18 : i32 to index
      %get3A_304 = arith.constant 112 : index
      %get3A_305 = tpu.vector_load %arg7[%get3A_303, %get3A_304] {strides = array<i32>} : memref<80x128xi32, #tpu.memory_space<vmem>>, vector<16xi32>,
      %mul3A_306 = arith.constant 4 : i32
      %mul3A_307 = vector.broadcast %mul3A_306 : i32 to vector<16xi32>
      %mul3A_308 = arith.muli %get3A_305, %mul3A_307 : vector<16xi32>
      %add3A_309 = arith.constant 0 : i32
      %add3A_310 = vector.broadcast %add3A_309 : i32 to vector<16xi32>
      %add3A_311 = arith.addi %mul3A_302, %add3A_310 : vector<16xi32>
      %gather3A_312 = tpu.vector_load_idx %arg8[%add3A_311] : memref<40448xf32, #tpu.memory_space<vmem>>[vector<16xi32>], vector<16xf32>,
      %add3A_313 = arith.constant 0 : i32
      %add3A_314 = vector.broadcast %add3A_313 : i32 to vector<16xi32>
      %add3A_315 = arith.addi %mul3A_308, %add3A_314 : vector<16xi32>
      tpu.vector_store_idx %arg9[%add3A_315], %gather3A_312 {add = true} : memref<40448xf32, #tpu.memory_space<vmem>>[vector<16xi32>], vector<16xf32>,
      %add3A_316 = arith.constant 1 : i32
      %add3A_317 = vector.broadcast %add3A_316 : i32 to vector<16xi32>
      %add3A_318 = arith.addi %mul3A_302, %add3A_317 : vector<16xi32>
      %gather3A_319 = tpu.vector_load_idx %arg8[%add3A_318] : memref<40448xf32, #tpu.memory_space<vmem>>[vector<16xi32>], vector<16xf32>,
      %add3A_320 = arith.constant 1 : i32
      %add3A_321 = vector.broadcast %add3A_320 : i32 to vector<16xi32>
      %add3A_322 = arith.addi %mul3A_308, %add3A_321 : vector<16xi32>
      tpu.vector_store_idx %arg9[%add3A_322], %gather3A_319 {add = true} : memref<40448xf32, #tpu.memory_space<vmem>>[vector<16xi32>], vector<16xf32>,
      %add3A_323 = arith.constant 2 : i32
      %add3A_324 = vector.broadcast %add3A_323 : i32 to vector<16xi32>
      %add3A_325 = arith.addi %mul3A_302, %add3A_324 : vector<16xi32>
      %gather3A_326 = tpu.vector_load_idx %arg8[%add3A_325] : memref<40448xf32, #tpu.memory_space<vmem>>[vector<16xi32>], vector<16xf32>,
      %add3A_327 = arith.constant 2 : i32
      %add3A_328 = vector.broadcast %add3A_327 : i32 to vector<16xi32>
      %add3A_329 = arith.addi %mul3A_308, %add3A_328 : vector<16xi32>
      tpu.vector_store_idx %arg9[%add3A_329], %gather3A_326 {add = true} : memref<40448xf32, #tpu.memory_space<vmem>>[vector<16xi32>], vector<16xf32>,
      %add3A_330 = arith.constant 3 : i32
      %add3A_331 = vector.broadcast %add3A_330 : i32 to vector<16xi32>
      %add3A_332 = arith.addi %mul3A_302, %add3A_331 : vector<16xi32>
      %gather3A_333 = tpu.vector_load_idx %arg8[%add3A_332] : memref<40448xf32, #tpu.memory_space<vmem>>[vector<16xi32>], vector<16xf32>,
      %add3A_334 = arith.constant 3 : i32
      %add3A_335 = vector.broadcast %add3A_334 : i32 to vector<16xi32>
      %add3A_336 = arith.addi %mul3A_308, %add3A_335 : vector<16xi32>
      tpu.vector_store_idx %arg9[%add3A_336], %gather3A_333 {add = true} : memref<40448xf32, #tpu.memory_space<vmem>>[vector<16xi32>], vector<16xf32>,
    }
    %scan3A_13 = arith.constant 80 : i32
    "tpu.region"() ({
      %run_scoped3A = tpu.sem_alloc : memref<!tpu.dma_semaphore, #tpu.memory_space<semaphore_mem>>
      %dma_start3A = arith.constant 0 : i32
      %dma_start3A_14 = tpu.memref_slice %arg5[%add3A, %dma_start3A] : memref<32x40448xf32, #tpu.memory_space<hbm>> -> memref<1x40448xf32, #tpu.memory_space<hbm>>
      %dma_start3A_15 = tpu.memref_squeeze %dma_start3A_14 : memref<1x40448xf32, #tpu.memory_space<hbm>> -> memref<40448xf32, #tpu.memory_space<hbm>>
      %dma_start3A_16 = arith.constant 0 : i32
      %dma_start3A_17 = tpu.memref_slice %arg5[%add3A, %dma_start3A_16] : memref<32x40448xf32, #tpu.memory_space<hbm>> -> memref<1x40448xf32, #tpu.memory_space<hbm>>
      %dma_start3A_18 = tpu.memref_squeeze %dma_start3A_17 : memref<1x40448xf32, #tpu.memory_space<hbm>> -> memref<40448xf32, #tpu.memory_space<hbm>>
      tpu.enqueue_dma source(%arg9 : memref<40448xf32, #tpu.memory_space<vmem>>) target(%dma_start3A_18 : memref<40448xf32, #tpu.memory_space<hbm>>) target_semaphore(%run_scoped3A : memref<!tpu.dma_semaphore, #tpu.memory_space<semaphore_mem>>)
      %dma_wait3A = arith.constant 0 : i32
      %dma_wait3A_19 = tpu.memref_slice %arg5[%add3A, %dma_wait3A] : memref<32x40448xf32, #tpu.memory_space<hbm>> -> memref<1x40448xf32, #tpu.memory_space<hbm>>
      %dma_wait3A_20 = tpu.memref_squeeze %dma_wait3A_19 : memref<1x40448xf32, #tpu.memory_space<hbm>> -> memref<40448xf32, #tpu.memory_space<hbm>>
      %dma_wait3A_21 = arith.constant 0 : i32
      %dma_wait3A_22 = tpu.memref_slice %arg5[%add3A, %dma_wait3A_21] : memref<32x40448xf32, #tpu.memory_space<hbm>> -> memref<1x40448xf32, #tpu.memory_space<hbm>>
      %dma_wait3A_23 = tpu.memref_squeeze %dma_wait3A_22 : memref<1x40448xf32, #tpu.memory_space<hbm>> -> memref<40448xf32, #tpu.memory_space<hbm>>
      tpu.wait_dma2 semaphore(%run_scoped3A : memref<!tpu.dma_semaphore, #tpu.memory_space<semaphore_mem>>) src(%arg9 : memref<40448xf32, #tpu.memory_space<vmem>>) dst(%dma_wait3A_23 : memref<40448xf32, #tpu.memory_space<hbm>>)
      tpu.yield
    }) : () -> ()
    return
  }
}

module attributes {stable_mosaic.version = 14 : i64} {
  func.func @prep_body(%arg0: memref<316x4096xf32, #tpu.memory_space<vmem>>, %arg1: memref<4096x128xf32, #tpu.memory_space<vmem>>, %arg2: memref<32x316x128xf32, #tpu.memory_space<vmem>>, %arg3: memref<316x128xf32, #tpu.memory_space<vmem>>, %arg4: memref<316x128xf32, #tpu.memory_space<vmem>>) attributes {dimension_semantics = [], scalar_prefetch = 0 : i64, scratch_operands = 0 : i64, tpu.core_type = #tpu.core_type<tc>} {
    %get3A = arith.constant 0 : index
    %get3A_0 = arith.constant 0 : index
    %get3A_1 = arith.constant 0 : index
    %get3A_2 = vector.load %arg2[%get3A, %get3A_0, %get3A_1] : memref<32x316x128xf32, #tpu.memory_space<vmem>>, vector<32x316x128xf32>
    %reduce_sum3A = arith.constant dense<0.000000e+00> : vector<316x128xf32>
    %reduce_sum3A_3 = vector.multi_reduction <add>, %get3A_2, %reduce_sum3A [0] : vector<32x316x128xf32> to vector<316x128xf32>
    %add3A = arith.constant 1.000000e+00 : f32
    %add3A_4 = vector.broadcast %add3A : f32 to vector<316x128xf32>
    %add3A_5 = arith.addf %reduce_sum3A_3, %add3A_4 : vector<316x128xf32>
    %rsqrt3A = math.rsqrt %add3A_5 : vector<316x128xf32>
    %mul3A = arith.constant 5.000000e-01 : f32
    %mul3A_6 = vector.broadcast %mul3A : f32 to vector<316x128xf32>
    %mul3A_7 = arith.mulf %mul3A_6, %add3A_5 : vector<316x128xf32>
    %mul3A_8 = arith.mulf %mul3A_7, %rsqrt3A : vector<316x128xf32>
    %mul3A_9 = arith.mulf %mul3A_8, %rsqrt3A : vector<316x128xf32>
    %sub3A = arith.constant 1.500000e+00 : f32
    %sub3A_10 = vector.broadcast %sub3A : f32 to vector<316x128xf32>
    %sub3A_11 = arith.subf %sub3A_10, %mul3A_9 : vector<316x128xf32>
    %mul3A_12 = arith.mulf %rsqrt3A, %sub3A_11 : vector<316x128xf32>
    %get3A_13 = arith.constant 0 : index
    %get3A_14 = arith.constant 0 : index
    %get3A_15 = vector.load %arg0[%get3A_13, %get3A_14] : memref<316x4096xf32, #tpu.memory_space<vmem>>, vector<316x4096xf32>
    %get3A_16 = arith.constant 0 : index
    %get3A_17 = arith.constant 0 : index
    %get3A_18 = vector.load %arg1[%get3A_16, %get3A_17] : memref<4096x128xf32, #tpu.memory_space<vmem>>, vector<4096x128xf32>
    %dot_general3A = arith.constant dense<0.000000e+00> : vector<316x128xf32>
    %dot_general3A_19 = tpu.matmul %get3A_15, %get3A_18, %dot_general3A {dimension_numbers = #tpu.dot_dimension_numbers<[1], [0], [0], [1], [0, 0, 1, 1], [], []>, transpose_lhs_hint = false} : vector<316x4096xf32>, vector<4096x128xf32>, vector<316x128xf32> -> vector<316x128xf32>
    %mul3A_20 = arith.mulf %mul3A_12, %dot_general3A_19 : vector<316x128xf32>
    %swap3A = arith.constant 0 : index
    %swap3A_21 = arith.constant 0 : index
    %swap3A_22 = vector.load %arg3[%swap3A, %swap3A_21] : memref<316x128xf32, #tpu.memory_space<vmem>>, vector<316x128xf32>
    tpu.vector_store %arg3[%swap3A, %swap3A_21], %mul3A_20 {strides = array<i32>} : memref<316x128xf32, #tpu.memory_space<vmem>>, vector<316x128xf32>,
    %swap3A_23 = arith.constant 0 : index
    %swap3A_24 = arith.constant 0 : index
    %swap3A_25 = vector.load %arg4[%swap3A_23, %swap3A_24] : memref<316x128xf32, #tpu.memory_space<vmem>>, vector<316x128xf32>
    tpu.vector_store %arg4[%swap3A_23, %swap3A_24], %mul3A_12 {strides = array<i32>} : memref<316x128xf32, #tpu.memory_space<vmem>>, vector<316x128xf32>,
    return
  }
}

module attributes {stable_mosaic.version = 14 : i64} {
  func.func @layer_body(%arg0: memref<32x316x128xf32, #tpu.memory_space<vmem>>, %arg1: memref<316x128xf32, #tpu.memory_space<vmem>>, %arg2: memref<316x128xf32, #tpu.memory_space<vmem>>, %arg3: memref<1x128xf32, #tpu.memory_space<vmem>>, %arg4: memref<128x128xf32, #tpu.memory_space<vmem>>, %arg5: memref<316x128xf32, #tpu.memory_space<vmem>>) attributes {dimension_semantics = [], scalar_prefetch = 0 : i64, scratch_operands = 0 : i64, tpu.core_type = #tpu.core_type<tc>} {
    %get3A = arith.constant 0 : index
    %get3A_0 = arith.constant 0 : index
    %get3A_1 = vector.load %arg2[%get3A, %get3A_0] : memref<316x128xf32, #tpu.memory_space<vmem>>, vector<316x128xf32>
    %get3A_2 = arith.constant 0 : index
    %get3A_3 = arith.constant 0 : index
    %get3A_4 = arith.constant 0 : index
    %get3A_5 = vector.load %arg0[%get3A_2, %get3A_3, %get3A_4] : memref<32x316x128xf32, #tpu.memory_space<vmem>>, vector<32x316x128xf32>
    %reduce_sum3A = arith.constant dense<0.000000e+00> : vector<316x128xf32>
    %reduce_sum3A_6 = vector.multi_reduction <add>, %get3A_5, %reduce_sum3A [0] : vector<32x316x128xf32> to vector<316x128xf32>
    %get3A_7 = arith.constant 0 : index
    %get3A_8 = arith.constant 0 : index
    %get3A_9 = vector.load %arg1[%get3A_7, %get3A_8] : memref<316x128xf32, #tpu.memory_space<vmem>>, vector<316x128xf32>
    %add3A = arith.addf %reduce_sum3A_6, %get3A_9 : vector<316x128xf32>
    %mul3A = arith.mulf %get3A_1, %add3A : vector<316x128xf32>
    %get3A_10 = arith.constant 0 : index
    %get3A_11 = arith.constant 0 : index
    %get3A_12 = vector.load %arg3[%get3A_10, %get3A_11] : memref<1x128xf32, #tpu.memory_space<vmem>>, vector<1x128xf32>
    %add3A_13 = vector.broadcast %get3A_12 : vector<1x128xf32> to vector<316x128xf32>
    %add3A_14 = arith.addf %mul3A, %add3A_13 : vector<316x128xf32>
    %jit3A = arith.constant -7.90531111 : f32
    %jit3A_15 = arith.constant 7.90531111 : f32
    %max3A = vector.broadcast %jit3A : f32 to vector<316x128xf32>
    %max3A_16 = arith.maximumf %max3A, %add3A_14 : vector<316x128xf32>
    %min3A = vector.broadcast %jit3A_15 : f32 to vector<316x128xf32>
    %min3A_17 = arith.minimumf %min3A, %max3A_16 : vector<316x128xf32>
    %mul3A_18 = arith.mulf %min3A_17, %min3A_17 : vector<316x128xf32>
    %mul3A_19 = arith.constant -2.76076837E-16 : f32
    %mul3A_20 = vector.broadcast %mul3A_19 : f32 to vector<316x128xf32>
    %mul3A_21 = arith.mulf %mul3A_18, %mul3A_20 : vector<316x128xf32>
    %add3A_22 = arith.constant 2.00018794E-13 : f32
    %add3A_23 = vector.broadcast %add3A_22 : f32 to vector<316x128xf32>
    %add3A_24 = arith.addf %mul3A_21, %add3A_23 : vector<316x128xf32>
    %mul3A_25 = arith.mulf %mul3A_18, %add3A_24 : vector<316x128xf32>
    %add3A_26 = arith.constant -8.60467184E-11 : f32
    %add3A_27 = vector.broadcast %add3A_26 : f32 to vector<316x128xf32>
    %add3A_28 = arith.addf %mul3A_25, %add3A_27 : vector<316x128xf32>
    %mul3A_29 = arith.mulf %mul3A_18, %add3A_28 : vector<316x128xf32>
    %add3A_30 = arith.constant 5.12229725E-8 : f32
    %add3A_31 = vector.broadcast %add3A_30 : f32 to vector<316x128xf32>
    %add3A_32 = arith.addf %mul3A_29, %add3A_31 : vector<316x128xf32>
    %mul3A_33 = arith.mulf %mul3A_18, %add3A_32 : vector<316x128xf32>
    %add3A_34 = arith.constant 1.48572235E-5 : f32
    %add3A_35 = vector.broadcast %add3A_34 : f32 to vector<316x128xf32>
    %add3A_36 = arith.addf %mul3A_33, %add3A_35 : vector<316x128xf32>
    %mul3A_37 = arith.mulf %mul3A_18, %add3A_36 : vector<316x128xf32>
    %add3A_38 = arith.constant 6.37261954E-4 : f32
    %add3A_39 = vector.broadcast %add3A_38 : f32 to vector<316x128xf32>
    %add3A_40 = arith.addf %mul3A_37, %add3A_39 : vector<316x128xf32>
    %mul3A_41 = arith.mulf %mul3A_18, %add3A_40 : vector<316x128xf32>
    %add3A_42 = arith.constant 0.00489352457 : f32
    %add3A_43 = vector.broadcast %add3A_42 : f32 to vector<316x128xf32>
    %add3A_44 = arith.addf %mul3A_41, %add3A_43 : vector<316x128xf32>
    %mul3A_45 = arith.mulf %min3A_17, %add3A_44 : vector<316x128xf32>
    %mul3A_46 = arith.constant 1.19825836E-6 : f32
    %mul3A_47 = vector.broadcast %mul3A_46 : f32 to vector<316x128xf32>
    %mul3A_48 = arith.mulf %mul3A_18, %mul3A_47 : vector<316x128xf32>
    %add3A_49 = arith.constant 1.18534706E-4 : f32
    %add3A_50 = vector.broadcast %add3A_49 : f32 to vector<316x128xf32>
    %add3A_51 = arith.addf %mul3A_48, %add3A_50 : vector<316x128xf32>
    %mul3A_52 = arith.mulf %mul3A_18, %add3A_51 : vector<316x128xf32>
    %add3A_53 = arith.constant 0.00226843474 : f32
    %add3A_54 = vector.broadcast %add3A_53 : f32 to vector<316x128xf32>
    %add3A_55 = arith.addf %mul3A_52, %add3A_54 : vector<316x128xf32>
    %mul3A_56 = arith.mulf %mul3A_18, %add3A_55 : vector<316x128xf32>
    %add3A_57 = arith.constant 0.00489352504 : f32
    %add3A_58 = vector.broadcast %add3A_57 : f32 to vector<316x128xf32>
    %add3A_59 = arith.addf %mul3A_56, %add3A_58 : vector<316x128xf32>
    %div3A = arith.divf %mul3A_45, %add3A_59 : vector<316x128xf32>
    %abs3A = math.absf %add3A_14 : vector<316x128xf32>
    %lt3A = arith.constant 4.000000e-04 : f32
    %lt3A_60 = vector.broadcast %lt3A : f32 to vector<316x128xf32>
    %lt3A_61 = arith.cmpf olt, %abs3A, %lt3A_60 : vector<316x128xf32>
    %select_n3A = arith.select %lt3A_61, %add3A_14, %div3A : vector<316x128xi1>, vector<316x128xf32>
    %get3A_62 = arith.constant 0 : index
    %get3A_63 = arith.constant 0 : index
    %get3A_64 = vector.load %arg4[%get3A_62, %get3A_63] : memref<128x128xf32, #tpu.memory_space<vmem>>, vector<128x128xf32>
    %dot_general3A = arith.constant dense<0.000000e+00> : vector<316x128xf32>
    %dot_general3A_65 = tpu.matmul %select_n3A, %get3A_64, %dot_general3A {dimension_numbers = #tpu.dot_dimension_numbers<[1], [0], [0], [1], [0, 0, 1, 1], [], []>, transpose_lhs_hint = false} : vector<316x128xf32>, vector<128x128xf32>, vector<316x128xf32> -> vector<316x128xf32>
    %mul3A_66 = arith.mulf %get3A_1, %dot_general3A_65 : vector<316x128xf32>
    %swap3A = arith.constant 0 : index
    %swap3A_67 = arith.constant 0 : index
    %swap3A_68 = vector.load %arg5[%swap3A, %swap3A_67] : memref<316x128xf32, #tpu.memory_space<vmem>>, vector<316x128xf32>
    tpu.vector_store %arg5[%swap3A, %swap3A_67], %mul3A_66 {strides = array<i32>} : memref<316x128xf32, #tpu.memory_space<vmem>>, vector<316x128xf32>,
    return
  }
}

module attributes {stable_mosaic.version = 14 : i64} {
  func.func @hfin_body(%arg0: memref<32x316x128xf32, #tpu.memory_space<vmem>>, %arg1: memref<316x128xf32, #tpu.memory_space<vmem>>, %arg2: memref<316x128xf32, #tpu.memory_space<vmem>>, %arg3: memref<1x128xf32, #tpu.memory_space<vmem>>, %arg4: memref<316x128xf32, #tpu.memory_space<vmem>>) attributes {dimension_semantics = [], scalar_prefetch = 0 : i64, scratch_operands = 0 : i64, tpu.core_type = #tpu.core_type<tc>} {
    %get3A = arith.constant 0 : index
    %get3A_0 = arith.constant 0 : index
    %get3A_1 = vector.load %arg2[%get3A, %get3A_0] : memref<316x128xf32, #tpu.memory_space<vmem>>, vector<316x128xf32>
    %get3A_2 = arith.constant 0 : index
    %get3A_3 = arith.constant 0 : index
    %get3A_4 = arith.constant 0 : index
    %get3A_5 = vector.load %arg0[%get3A_2, %get3A_3, %get3A_4] : memref<32x316x128xf32, #tpu.memory_space<vmem>>, vector<32x316x128xf32>
    %reduce_sum3A = arith.constant dense<0.000000e+00> : vector<316x128xf32>
    %reduce_sum3A_6 = vector.multi_reduction <add>, %get3A_5, %reduce_sum3A [0] : vector<32x316x128xf32> to vector<316x128xf32>
    %get3A_7 = arith.constant 0 : index
    %get3A_8 = arith.constant 0 : index
    %get3A_9 = vector.load %arg1[%get3A_7, %get3A_8] : memref<316x128xf32, #tpu.memory_space<vmem>>, vector<316x128xf32>
    %add3A = arith.addf %reduce_sum3A_6, %get3A_9 : vector<316x128xf32>
    %mul3A = arith.mulf %get3A_1, %add3A : vector<316x128xf32>
    %get3A_10 = arith.constant 0 : index
    %get3A_11 = arith.constant 0 : index
    %get3A_12 = vector.load %arg3[%get3A_10, %get3A_11] : memref<1x128xf32, #tpu.memory_space<vmem>>, vector<1x128xf32>
    %add3A_13 = vector.broadcast %get3A_12 : vector<1x128xf32> to vector<316x128xf32>
    %add3A_14 = arith.addf %mul3A, %add3A_13 : vector<316x128xf32>
    %jit3A = arith.constant -7.90531111 : f32
    %jit3A_15 = arith.constant 7.90531111 : f32
    %max3A = vector.broadcast %jit3A : f32 to vector<316x128xf32>
    %max3A_16 = arith.maximumf %max3A, %add3A_14 : vector<316x128xf32>
    %min3A = vector.broadcast %jit3A_15 : f32 to vector<316x128xf32>
    %min3A_17 = arith.minimumf %min3A, %max3A_16 : vector<316x128xf32>
    %mul3A_18 = arith.mulf %min3A_17, %min3A_17 : vector<316x128xf32>
    %mul3A_19 = arith.constant -2.76076837E-16 : f32
    %mul3A_20 = vector.broadcast %mul3A_19 : f32 to vector<316x128xf32>
    %mul3A_21 = arith.mulf %mul3A_18, %mul3A_20 : vector<316x128xf32>
    %add3A_22 = arith.constant 2.00018794E-13 : f32
    %add3A_23 = vector.broadcast %add3A_22 : f32 to vector<316x128xf32>
    %add3A_24 = arith.addf %mul3A_21, %add3A_23 : vector<316x128xf32>
    %mul3A_25 = arith.mulf %mul3A_18, %add3A_24 : vector<316x128xf32>
    %add3A_26 = arith.constant -8.60467184E-11 : f32
    %add3A_27 = vector.broadcast %add3A_26 : f32 to vector<316x128xf32>
    %add3A_28 = arith.addf %mul3A_25, %add3A_27 : vector<316x128xf32>
    %mul3A_29 = arith.mulf %mul3A_18, %add3A_28 : vector<316x128xf32>
    %add3A_30 = arith.constant 5.12229725E-8 : f32
    %add3A_31 = vector.broadcast %add3A_30 : f32 to vector<316x128xf32>
    %add3A_32 = arith.addf %mul3A_29, %add3A_31 : vector<316x128xf32>
    %mul3A_33 = arith.mulf %mul3A_18, %add3A_32 : vector<316x128xf32>
    %add3A_34 = arith.constant 1.48572235E-5 : f32
    %add3A_35 = vector.broadcast %add3A_34 : f32 to vector<316x128xf32>
    %add3A_36 = arith.addf %mul3A_33, %add3A_35 : vector<316x128xf32>
    %mul3A_37 = arith.mulf %mul3A_18, %add3A_36 : vector<316x128xf32>
    %add3A_38 = arith.constant 6.37261954E-4 : f32
    %add3A_39 = vector.broadcast %add3A_38 : f32 to vector<316x128xf32>
    %add3A_40 = arith.addf %mul3A_37, %add3A_39 : vector<316x128xf32>
    %mul3A_41 = arith.mulf %mul3A_18, %add3A_40 : vector<316x128xf32>
    %add3A_42 = arith.constant 0.00489352457 : f32
    %add3A_43 = vector.broadcast %add3A_42 : f32 to vector<316x128xf32>
    %add3A_44 = arith.addf %mul3A_41, %add3A_43 : vector<316x128xf32>
    %mul3A_45 = arith.mulf %min3A_17, %add3A_44 : vector<316x128xf32>
    %mul3A_46 = arith.constant 1.19825836E-6 : f32
    %mul3A_47 = vector.broadcast %mul3A_46 : f32 to vector<316x128xf32>
    %mul3A_48 = arith.mulf %mul3A_18, %mul3A_47 : vector<316x128xf32>
    %add3A_49 = arith.constant 1.18534706E-4 : f32
    %add3A_50 = vector.broadcast %add3A_49 : f32 to vector<316x128xf32>
    %add3A_51 = arith.addf %mul3A_48, %add3A_50 : vector<316x128xf32>
    %mul3A_52 = arith.mulf %mul3A_18, %add3A_51 : vector<316x128xf32>
    %add3A_53 = arith.constant 0.00226843474 : f32
    %add3A_54 = vector.broadcast %add3A_53 : f32 to vector<316x128xf32>
    %add3A_55 = arith.addf %mul3A_52, %add3A_54 : vector<316x128xf32>
    %mul3A_56 = arith.mulf %mul3A_18, %add3A_55 : vector<316x128xf32>
    %add3A_57 = arith.constant 0.00489352504 : f32
    %add3A_58 = vector.broadcast %add3A_57 : f32 to vector<316x128xf32>
    %add3A_59 = arith.addf %mul3A_56, %add3A_58 : vector<316x128xf32>
    %div3A = arith.divf %mul3A_45, %add3A_59 : vector<316x128xf32>
    %abs3A = math.absf %add3A_14 : vector<316x128xf32>
    %lt3A = arith.constant 4.000000e-04 : f32
    %lt3A_60 = vector.broadcast %lt3A : f32 to vector<316x128xf32>
    %lt3A_61 = arith.cmpf olt, %abs3A, %lt3A_60 : vector<316x128xf32>
    %select_n3A = arith.select %lt3A_61, %add3A_14, %div3A : vector<316x128xi1>, vector<316x128xf32>
    %swap3A = arith.constant 0 : index
    %swap3A_62 = arith.constant 0 : index
    %swap3A_63 = vector.load %arg4[%swap3A, %swap3A_62] : memref<316x128xf32, #tpu.memory_space<vmem>>, vector<316x128xf32>
    tpu.vector_store %arg4[%swap3A, %swap3A_62], %select_n3A {strides = array<i32>} : memref<316x128xf32, #tpu.memory_space<vmem>>, vector<316x128xf32>,
    return
  }
}

module attributes {stable_mosaic.version = 14 : i64} {
  func.func @pool_body(%arg0: i32, %arg1: memref<2000x4xf32, #tpu.memory_space<vmem>>, %arg2: memref<1x1x2000xi32, #tpu.memory_space<vmem>>, %arg3: memref<4x8xf32, #tpu.memory_space<vmem>>, %arg4: memref<1x8xf32, #tpu.memory_space<vmem>>, %arg5: memref<64x4xf32, #tpu.memory_space<vmem>>, %arg6: memref<64x4xf32, #tpu.memory_space<vmem>>, %arg7: memref<64x8xf32, #tpu.memory_space<vmem>>) attributes {dimension_semantics = [#tpu.dimension_semantics<arbitrary>], iteration_bounds = array<i64: 5>, scalar_prefetch = 0 : i64, scratch_operands = 0 : i64, tpu.core_type = #tpu.core_type<tc>, window_params = [{transform_indices = @transform_0, window_bounds = array<i64: 2000, 4>}, {transform_indices = @transform_1, window_bounds = array<i64: 1, 1, 2000>}, {pipeline_mode = #tpu.pipeline_mode<synchronous>, transform_indices = @transform_2, window_bounds = array<i64: 4, 8>}, {pipeline_mode = #tpu.pipeline_mode<synchronous>, transform_indices = @transform_3, window_bounds = array<i64: 1, 8>}, {pipeline_mode = #tpu.pipeline_mode<synchronous>, transform_indices = @transform_4, window_bounds = array<i64: 64, 4>}, {pipeline_mode = #tpu.pipeline_mode<synchronous>, transform_indices = @transform_5, window_bounds = array<i64: 64, 4>}, {pipeline_mode = #tpu.pipeline_mode<synchronous>, transform_indices = @transform_6, window_bounds = array<i64: 64, 8>}]} {
    %get3A = arith.constant 0 : index
    %get3A_0 = arith.constant 0 : index
    %get3A_1 = arith.constant 0 : index
    %get3A_2 = vector.load %arg2[%get3A, %get3A_0, %get3A_1] : memref<1x1x2000xi32, #tpu.memory_space<vmem>>, vector<1x1x2000xi32>
    %get3A_3 = vector.shape_cast %get3A_2 : vector<1x1x2000xi32> to vector<1x2000xi32>
    %iota3A = tpu.iota {dimensions = array<i32: 0>} : vector<64x1xi32>
    %eq3A = vector.broadcast %get3A_3 : vector<1x2000xi32> to vector<64x2000xi32>
    %eq3A_4 = vector.broadcast %iota3A : vector<64x1xi32> to vector<64x2000xi32>
    %eq3A_5 = arith.cmpi eq, %eq3A, %eq3A_4 : vector<64x2000xi32>
    %convert_element_type3A = arith.extui %eq3A_5 : vector<64x2000xi1> to vector<64x2000xi32>
    %convert_element_type3A_6 = arith.sitofp %convert_element_type3A : vector<64x2000xi32> to vector<64x2000xf32>
    %get3A_7 = arith.constant 0 : index
    %get3A_8 = arith.constant 0 : index
    %get3A_9 = vector.load %arg1[%get3A_7, %get3A_8] : memref<2000x4xf32, #tpu.memory_space<vmem>>, vector<2000x4xf32>
    %dot_general3A = arith.constant dense<0.000000e+00> : vector<64x4xf32>
    %dot_general3A_10 = tpu.matmul %convert_element_type3A_6, %get3A_9, %dot_general3A {dimension_numbers = #tpu.dot_dimension_numbers<[1], [0], [0], [1], [0, 0, 1, 1], [], []>, precision = #tpu.contract_precision<fp32>, transpose_lhs_hint = false} : vector<64x2000xf32>, vector<2000x4xf32>, vector<64x4xf32> -> vector<64x4xf32>
    %broadcast_in_dim3A = arith.constant 1.000000e+00 : f32
    %broadcast_in_dim3A_11 = vector.broadcast %broadcast_in_dim3A : f32 to vector<2000x4xf32>
    %dot_general3A_12 = arith.constant dense<0.000000e+00> : vector<64x4xf32>
    %dot_general3A_13 = tpu.matmul %convert_element_type3A_6, %broadcast_in_dim3A_11, %dot_general3A_12 {dimension_numbers = #tpu.dot_dimension_numbers<[1], [0], [0], [1], [0, 0, 1, 1], [], []>, precision = #tpu.contract_precision<fp32>, transpose_lhs_hint = false} : vector<64x2000xf32>, vector<2000x4xf32>, vector<64x4xf32> -> vector<64x4xf32>
    %eq3A_14 = arith.constant 0 : i32
    %eq3A_15 = arith.cmpi eq, %arg0, %eq3A_14 : i32
    %convert_element_type3A_16 = arith.extui %eq3A_15 : i1 to i32
    %cond3A = arith.constant 0 : i32
    %cond3A_17 = arith.cmpi ne, %convert_element_type3A_16, %cond3A : i32
    scf.if %cond3A_17 {
      %broadcast_in_dim3A_35 = arith.constant 0.000000e+00 : f32
      %broadcast_in_dim3A_36 = vector.broadcast %broadcast_in_dim3A_35 : f32 to vector<64x4xf32>
      %swap3A_37 = arith.constant 0 : index
      %swap3A_38 = arith.constant 0 : index
      %swap3A_39 = vector.load %arg5[%swap3A_37, %swap3A_38] : memref<64x4xf32, #tpu.memory_space<vmem>>, vector<64x4xf32>
      tpu.vector_store %arg5[%swap3A_37, %swap3A_38], %broadcast_in_dim3A_36 {strides = array<i32>} : memref<64x4xf32, #tpu.memory_space<vmem>>, vector<64x4xf32>,
      %broadcast_in_dim3A_40 = arith.constant 0.000000e+00 : f32
      %broadcast_in_dim3A_41 = vector.broadcast %broadcast_in_dim3A_40 : f32 to vector<64x4xf32>
      %swap3A_42 = arith.constant 0 : index
      %swap3A_43 = arith.constant 0 : index
      %swap3A_44 = vector.load %arg6[%swap3A_42, %swap3A_43] : memref<64x4xf32, #tpu.memory_space<vmem>>, vector<64x4xf32>
      tpu.vector_store %arg6[%swap3A_42, %swap3A_43], %broadcast_in_dim3A_41 {strides = array<i32>} : memref<64x4xf32, #tpu.memory_space<vmem>>, vector<64x4xf32>,
    } else {
    }
    %get3A_18 = arith.constant 0 : index
    %get3A_19 = arith.constant 0 : index
    %get3A_20 = vector.load %arg5[%get3A_18, %get3A_19] : memref<64x4xf32, #tpu.memory_space<vmem>>, vector<64x4xf32>
    %add3A = arith.addf %get3A_20, %dot_general3A_10 : vector<64x4xf32>
    %swap3A = arith.constant 0 : index
    %swap3A_21 = arith.constant 0 : index
    %swap3A_22 = vector.load %arg5[%swap3A, %swap3A_21] : memref<64x4xf32, #tpu.memory_space<vmem>>, vector<64x4xf32>
    tpu.vector_store %arg5[%swap3A, %swap3A_21], %add3A {strides = array<i32>} : memref<64x4xf32, #tpu.memory_space<vmem>>, vector<64x4xf32>,
    %get3A_23 = arith.constant 0 : index
    %get3A_24 = arith.constant 0 : index
    %get3A_25 = vector.load %arg6[%get3A_23, %get3A_24] : memref<64x4xf32, #tpu.memory_space<vmem>>, vector<64x4xf32>
    %add3A_26 = arith.addf %get3A_25, %dot_general3A_13 : vector<64x4xf32>
    %swap3A_27 = arith.constant 0 : index
    %swap3A_28 = arith.constant 0 : index
    %swap3A_29 = vector.load %arg6[%swap3A_27, %swap3A_28] : memref<64x4xf32, #tpu.memory_space<vmem>>, vector<64x4xf32>
    tpu.vector_store %arg6[%swap3A_27, %swap3A_28], %add3A_26 {strides = array<i32>} : memref<64x4xf32, #tpu.memory_space<vmem>>, vector<64x4xf32>,
    %eq3A_30 = arith.constant 4 : i32
    %eq3A_31 = arith.cmpi eq, %arg0, %eq3A_30 : i32
    %convert_element_type3A_32 = arith.extui %eq3A_31 : i1 to i32
    %cond3A_33 = arith.constant 0 : i32
    %cond3A_34 = arith.cmpi ne, %convert_element_type3A_32, %cond3A_33 : i32
    scf.if %cond3A_34 {
      %get3A_35 = arith.constant 0 : index
      %get3A_36 = arith.constant 0 : index
      %get3A_37 = vector.load %arg5[%get3A_35, %get3A_36] : memref<64x4xf32, #tpu.memory_space<vmem>>, vector<64x4xf32>
      %get3A_38 = arith.constant 0 : index
      %get3A_39 = arith.constant 0 : index
      %get3A_40 = vector.load %arg6[%get3A_38, %get3A_39] : memref<64x4xf32, #tpu.memory_space<vmem>>, vector<64x4xf32>
      %max3A = arith.constant 1.000000e+00 : f32
      %max3A_41 = vector.broadcast %max3A : f32 to vector<64x4xf32>
      %max3A_42 = arith.maximumf %get3A_40, %max3A_41 : vector<64x4xf32>
      %div3A = arith.divf %get3A_37, %max3A_42 : vector<64x4xf32>
      %get3A_43 = arith.constant 0 : index
      %get3A_44 = arith.constant 0 : index
      %get3A_45 = vector.load %arg3[%get3A_43, %get3A_44] : memref<4x8xf32, #tpu.memory_space<vmem>>, vector<4x8xf32>
      %dot_general3A_46 = arith.constant dense<0.000000e+00> : vector<64x8xf32>
      %dot_general3A_47 = tpu.matmul %div3A, %get3A_45, %dot_general3A_46 {dimension_numbers = #tpu.dot_dimension_numbers<[1], [0], [0], [1], [0, 0, 1, 1], [], []>, transpose_lhs_hint = false} : vector<64x4xf32>, vector<4x8xf32>, vector<64x8xf32> -> vector<64x8xf32>
      %get3A_48 = arith.constant 0 : index
      %get3A_49 = arith.constant 0 : index
      %get3A_50 = vector.load %arg4[%get3A_48, %get3A_49] : memref<1x8xf32, #tpu.memory_space<vmem>>, vector<1x8xf32>
      %add3A_51 = vector.broadcast %get3A_50 : vector<1x8xf32> to vector<64x8xf32>
      %add3A_52 = arith.addf %dot_general3A_47, %add3A_51 : vector<64x8xf32>
      %swap3A_53 = arith.constant 0 : index
      %swap3A_54 = arith.constant 0 : index
      %swap3A_55 = vector.load %arg7[%swap3A_53, %swap3A_54] : memref<64x8xf32, #tpu.memory_space<vmem>>, vector<64x8xf32>
      tpu.vector_store %arg7[%swap3A_53, %swap3A_54], %add3A_52 {strides = array<i32>} : memref<64x8xf32, #tpu.memory_space<vmem>>, vector<64x8xf32>,
    } else {
    }
    return
  }
  func.func @transform_0(%arg0: i32) -> (i32, i32) {
    %c0_i32 = arith.constant 0 : i32
    %c0_i32_0 = arith.constant 0 : i32
    return %arg0, %c0_i32 : i32, i32
  }
  func.func @transform_1(%arg0: i32) -> (i32, i32, i32) {
    %c0_i32 = arith.constant 0 : i32
    %c0_i32_0 = arith.constant 0 : i32
    %c0_i32_1 = arith.constant 0 : i32
    return %arg0, %c0_i32, %c0_i32_0 : i32, i32, i32
  }
  func.func @transform_2(%arg0: i32) -> (i32, i32) {
    %c0_i32 = arith.constant 0 : i32
    %c0_i32_0 = arith.constant 0 : i32
    %c0_i32_1 = arith.constant 0 : i32
    return %c0_i32, %c0_i32_0 : i32, i32
  }
  func.func @transform_3(%arg0: i32) -> (i32, i32) {
    %c0_i32 = arith.constant 0 : i32
    %c0_i32_0 = arith.constant 0 : i32
    %c0_i32_1 = arith.constant 0 : i32
    return %c0_i32, %c0_i32_0 : i32, i32
  }
  func.func @transform_4(%arg0: i32) -> (i32, i32) {
    %c0_i32 = arith.constant 0 : i32
    %c0_i32_0 = arith.constant 0 : i32
    %c0_i32_1 = arith.constant 0 : i32
    return %c0_i32, %c0_i32_0 : i32, i32
  }
  func.func @transform_5(%arg0: i32) -> (i32, i32) {
    %c0_i32 = arith.constant 0 : i32
    %c0_i32_0 = arith.constant 0 : i32
    %c0_i32_1 = arith.constant 0 : i32
    return %c0_i32, %c0_i32_0 : i32, i32
  }
  func.func @transform_6(%arg0: i32) -> (i32, i32) {
    %c0_i32 = arith.constant 0 : i32
    %c0_i32_0 = arith.constant 0 : i32
    %c0_i32_1 = arith.constant 0 : i32
    return %c0_i32, %c0_i32_0 : i32, i32
  }
}

</mosaic_0001>

<sc_bundles>
// kernel: kernel.11.cloned.1.call-start
scs
__scs_entry_jumppad:
0x0: {  	(pc) =	sbr.rel $0x88, $3  }
0x1: {  	(tag) =	ssettag $0x0;
	lr =	simm.s32 $0x1  }
0x2: {  	[smem:$0x3F96] =	sst lr;
	_ =	strace $0xD0000000  }
0x3: {  	_ = 	snop  }
0x4: {  	_ = 	snop  }
0x5: {  	_ = 	snop  }
0x6: {  	_ = 	snop  }
0x7: {  	_ = 	snop  }
__scs_overlays_trampoline_lowered:
0x8: {  	[smem:$0x3FA5] =	sst s0  }
0x9: {  	[smem:$0x3FA6] =	sst s1  }
0xa: {  	[smem:$0x3FA7] =	sst s2  }
0xb: {  	[smem:$0x3FA8] =	sst s3  }
0xc: {  	[smem:$0x3FA9] =	sst s4  }
0xd: {  	[smem:$0x3FAA] =	sst s5  }
0xe: {  	[smem:$0x3FAB] =	sst s6  }
0xf: {  	[smem:$0x3FAC] =	sst s7  }
0x10: {  	[smem:$0x3FAD] =	sst s8  }
0x11: {  	[smem:$0x3FAE] =	sst s9;
	s0 =	simm.s32 @!p0 $0x0  }
0x12: {  	s1 =	sld [smem:$0x3F94];
	s0 =	simm.s32 @p0 $0x1  }
0x13: {  	[smem:$0x3FAF] =	sst s0;
	s0 =	simm.s32 @!p1 $0x0  }
0x14: {  	s2 =	sld [smem:$0x3F93];
	s0 =	simm.s32 @p1 $0x1  }
0x15: {  	[smem:$0x3FB0] =	sst s0;
	s0 =	simm.s32 @!p2 $0x0  }
0x16: {  	s3 =	sld [smem:$0x3FDB];
	s0 =	simm.s32 @p2 $0x1  }
0x17: {  	s4 =	simm.s32 $0x1BF5;
	[smem:$0x3FB2] =	sst s0  }
0x18: {  	s0 =	sld [smem:$0x3F95];
	_ =	swait.ge [sflag:s4], $0x0  }
0x19: {  	s7 =	sld [smem:$0x3F96]  }
0x1a: {  	s8 =	sadd.s32 $0xFFFFE003, lr  }
0x1b: {  	s9 =	sadd.s32 $0xFFFFFEF7, lr;
	s5 =	simm.s32 $0xFFFFFFFF;
	p2 =	slt.u32 s8, $0xFFFFF086  }
0x1c: {  	p1 =	slt.u32 s9, $0xF7A;
	s5 =	simm.s32 @!p2 $0x0  }
0x1d: {  	s5 =	simm.s32 @p1 $0x1;
	p0 =	seq.s32 s7, s2  }
0x1e: {  	s7 =	smul.u32 @!p0 $0xF7A, s2;
	p2 =	seq.s32 @!p0 s5, $0x0  }
0x1f: {  	s9 =	smul.u32 $0xF7A, s1;
	s8 =	simm.s32 @!p0 $0x1BF5;
	p2 =	por !p2, p0  }
0x20: {  	[sflag:s8] =	ssyncset.s32 @!p0 $0xFFFFF086;
	s6 =	sadd.s32 @!p0 s3, s7;
	s7 =	simm.s32 @!p0 $0x108  }
0x21: {  	s3 =	sadd.s32 s3, s9;
	s6 =	sadd.s32 @!p0 $0x88, s6;
	s7 =	simm.s32 @p2 $0x1082  }
0x22: {  	[simem:s7], [sflag:s8] =	dma.local @!p0 [hbm:s6], $0xF7A  }
0x23: {  	s9 =	sor.u32 $0xD0000000, s2;
	s6 =	simm.s32 $0x108;
	_ =	swait.ge @!p0 [sflag:s8], $0x0  }
0x24: {  	s3 =	sadd.s32 $0x88, s3;
	s6 =	simm.s32 @!p1 $0x1082;
	[sflag:s4] =	ssyncset.s32 $0xFFFFF086  }
0x25: {  	[simem:s6], [sflag:s4] =	dma.local [hbm:s3], $0xF7A  }
0x26: {  	[smem:$0x3F96] =	sst s1;
	(tag) =	ssettag s2;
	_ =	strace s9  }
0x27: {  	s1 =	sld [smem:$0x3FA6]  }
0x28: {  	s2 =	sld [smem:$0x3FA7]  }
0x29: {  	s4 =	sld [smem:$0x3FA9]  }
0x2a: {  	p0 =	seq.s32 s5, $0x0;
	s5 =	sld [smem:$0x3FAA]  }
0x2b: {  	s6 =	sld [smem:$0x3FAB]  }
0x2c: {  	s7 =	sld [smem:$0x3FAC]  }
0x2d: {  	s3 =	simm.s32 $0x108;
	s8 =	sld [smem:$0x3FAD]  }
0x2e: {  	s3 =	simm.s32 @!p0 $0x1082;
	s9 =	sld [smem:$0x3FAE]  }
0x2f: {  	lr =	sadd.s32 s0, s3;
	s0 =	sld [smem:$0x3FA5]  }
0x30: {  	s3 =	sld [smem:$0x3FA8]  }
0x31: {  	[smem:$0x3FB1] =	sst s10  }
0x32: {  	s10 =	sld [smem:$0x3FAF];
	_ =	sdelay $0x3  }
0x33: {  	p0 =	seq.s32 s10, $0x1;
	s10 =	sld [smem:$0x3FB1];
	_ =	sdelay $0x3  }
0x34: {  	[smem:$0x3FB1] =	sst s10  }
0x35: {  	s10 =	sld [smem:$0x3FB0];
	_ =	sdelay $0x3  }
0x36: {  	p1 =	seq.s32 s10, $0x1;
	s10 =	sld [smem:$0x3FB1];
	_ =	sdelay $0x3  }
0x37: {  	[smem:$0x3FB1] =	sst s10  }
0x38: {  	s10 =	sld [smem:$0x3FB2]  }
0x39: {  	_ = 	snop;
	(pc) =	sbr.ind lr, $3  }
0x3a: {  	_ = 	snop  }
0x3b: {  	_ = 	snop  }
0x3c: {  	p2 =	seq.s32 s10, $0x1;
	s10 =	sld [smem:$0x3FB1]  }
0x3d: {  	_ =	shalt  }
0x3e: {  	_ =	shalt  }
0x3f: {  	_ =	shalt  }
0x40: {  	_ =	shalt  }
0x41: {  	_ =	shalt  }
0x42: {  	_ =	shalt  }
0x43: {  	_ =	shalt  }
0x44: {  	_ =	shalt  }
0x45: {  	_ =	shalt  }
0x46: {  	_ =	shalt  }
0x47: {  	_ =	shalt  }
0x48: {  	_ =	shalt  }
0x49: {  	_ =	shalt  }
0x4a: {  	_ =	shalt  }
0x4b: {  	_ =	shalt  }
0x4c: {  	_ =	shalt  }
0x4d: {  	_ =	shalt  }
0x4e: {  	_ =	shalt  }
0x4f: {  	_ =	shalt  }
0x50: {  	_ =	shalt  }
0x51: {  	_ =	shalt  }
0x52: {  	_ =	shalt  }
0x53: {  	_ =	shalt  }
0x54: {  	_ =	shalt  }
0x55: {  	_ =	shalt  }
0x56: {  	_ =	shalt  }
0x57: {  	_ =	shalt  }
0x58: {  	_ =	shalt  }
0x59: {  	_ =	shalt  }
0x5a: {  	_ =	shalt  }
0x5b: {  	_ =	shalt  }
0x5c: {  	_ =	shalt  }
0x5d: {  	_ =	shalt  }
0x5e: {  	_ =	shalt  }
0x5f: {  	_ =	shalt  }
0x60: {  	_ =	shalt  }
0x61: {  	_ =	shalt  }
0x62: {  	_ =	shalt  }
0x63: {  	_ =	shalt  }
0x64: {  	_ =	shalt  }
0x65: {  	_ =	shalt  }
0x66: {  	_ =	shalt  }
0x67: {  	_ =	shalt  }
0x68: {  	_ =	shalt  }
0x69: {  	_ =	shalt  }
0x6a: {  	_ =	shalt  }
0x6b: {  	_ =	shalt  }
0x6c: {  	_ =	shalt  }
0x6d: {  	_ =	shalt  }
0x6e: {  	_ =	shalt  }
0x6f: {  	_ =	shalt  }
0x70: {  	_ =	shalt  }
0x71: {  	_ =	shalt  }
0x72: {  	_ =	shalt  }
0x73: {  	_ =	shalt  }
0x74: {  	_ =	shalt  }
0x75: {  	_ =	shalt  }
0x76: {  	_ =	shalt  }
0x77: {  	_ =	shalt  }
0x78: {  	_ =	shalt  }
0x79: {  	_ =	shalt  }
0x7a: {  	_ =	shalt  }
0x7b: {  	_ =	shalt  }
0x7c: {  	_ =	shalt  }
0x7d: {  	_ =	shalt  }
0x7e: {  	_ =	shalt  }
0x7f: {  	_ =	shalt  }
0x80: {  	_ =	shalt  }
0x81: {  	_ =	shalt  }
0x82: {  	_ =	shalt  }
0x83: {  	_ =	shalt  }
0x84: {  	_ =	shalt  }
0x85: {  	_ =	shalt  }
0x86: {  	_ =	shalt  }
0x87: {  	_ =	shalt  }
.Lfunc_end0:
.L_simem_size_0:
called_computation_lowered:
.L_overlay_start_0:
0x88: {  	s2 =	sld [smem:$0x3FD9]  }
0x89: {  	s3 =	sld [smem:$0x3FFE];
	_ =	sdelay $0x1  }
0x8a: {  	s1 =	srdreg.scid  }
0x8b: {  	s0 =	sand.u32 $0x1, s1  }
0x8c: {  	s16 =	sshll.u32 s0, $0xA;
	s2 =	sadd.s32 s3, s2  }
0x8d: {  	s2 =	sadd.s32 s2, s16  }
0x8e: {  	[smem:$0x3FBD] =	sst s2  }
0x8f: {  	_ = 	snop  }
0x90: {  	(tm) =	ssettm $0x1  }
0x91: {  	s17 =	sld [smem:$0x3FFB];
	_ =	sdelay $0x3  }
0x92: {  	_ =	strace s17  }
0x93: {  	s2 =	sld [smem:$0x3FFC];
	_ =	sdelay $0x3  }
0x94: {  	_ =	strace s2  }
0x95: {  	s2 =	sld [smem:$0x3FFD];
	_ =	sdelay $0x3  }
0x96: {  	_ =	strace s2  }
0x97: {  	_ =	strace $0x8FFFFFFF  }
0x98: {  	s18 =	sld [smem:$0x3FDB];
	_ =	sdelay $0x1  }
0x99: {  	s19 =	simm.s32 $_scs_section_size  }
0x9a: {  	s4 =	simm.s32 $_size__tile_overlayer_lowered;
	s5 =	simm.s32 $_tile_overlayer_lowered  }
0x9b: {  	s22 =	simm.s32 $0x1BFF;
	s21 =	sshll.u32 s5, $0x1;
	s2 =	sadd.s32 s19, s18  }
0x9c: {  	s6 =	simm.s32 $0x0;
	s20 =	sshll.u32 s4, $0x1;
	s4 =	sadd.s32 s21, s2  }
0x9d: {  	[timem:s6], [sflag:s22] =	dma.local [hbm:s4], s20  }
0x9e: {  	_ =	swait.ge [sflag:s22], s20  }
0x9f: {  	s3 =	ssub.s32 $0x0, s20;
	[sflag:s22] =	ssyncset.done $0x0  }
0xa0: {  	[sflag:s22] =	ssyncadd.s32 s3;
	_ =	sdelay $0x1  }
0xa1: {  	s23 =	simm.s32 $0x1B8B  }
0xa2: {  	_ =	swait.ge [sflag:s23], $0x1  }
0xa3: {  	[sflag:s23] =	ssyncset.done $0x0  }
0xa4: {  	s25 =	simm.s32 $0x1B8E;
	s24 =	sld [smem:$0x3FFE];
	[sflag:s23] =	ssyncadd.s32 $0xFFFFFFFF  }
0xa5: {  	s26 =	simm.s32 $execute0_lowered;
	[smem:$0x3FD2] =	sst s25  }
0xa6: {  	s4 =	sshll.u32 s26, $0x1;
	_ =	strace $0x80000046;
	[dreg:$0x1] =	wrdreg $0xFFFFFFFF  }
0xa7: {  	s28 =	simm.s32 $_size_execute0_lowered;
	s2 =	sadd.s32 s2, s4;
	[dreg:$0x0] =	wrdreg $0x0  }
0xa8: {  	s4 =	sshll.u32 s28, $0x1;
	[dreg:$0x2] =	wrdreg s2  }
0xa9: {  	[dreg:$0x3] =	wrdreg s4  }
0xaa: {  	[dreg:$0x4] =	wrdreg $0xC0  }
0xab: {  	_ =	task [dreg:s6], $0x5FFFF  }
0xac: {  	[dreg:$0x1] =	wrdreg $0xFFFFFFFF  }
0xad: {  	[dreg:$0x0] =	wrdreg $0x60  }
0xae: {  	[dreg:$0x2] =	wrdreg s24  }
0xaf: {  	[dreg:$0x3] =	wrdreg $0x9  }
0xb0: {  	_ =	task.clear_ibuf [dreg:s6], $0x4FFFF;
	_ =	strace $0x90000046  }
0xb1: {  	s29 =	simm.s32 $0x9;
	_ =	strace $0x80000048  }
0xb2: {  	_ =	swait.ge [sflag:s29], $0x1  }
0xb3: {  	[sflag:s29] =	ssyncadd.s32 $0xFFFFFFFF  }
0xb4: {  	_ =	strace $0x90000048  }
0xb5: {  	_ =	sfence  }
0xb6: {  	s30 =	sld [smem:$0x0];
	_ =	sdelay $0x2  }
0xb7: {  	s31 =	sshll.u32 s1, $0xD;
	s1 =	sshrl.u32 s1, $0x2  }
0xb8: {  	s3 =	sand.u32 $0x4000, s31;
	s1 =	sadd.s32 s1, s30  }
0xb9: {  	s0 =	sor.u32 s3, s0;
	s1 =	sshll.u32 s1, $0x11  }
0xba: {  	s0 =	sor.u32 s1, s0  }
0xbb: {  	s0 =	sadd.s32 $0x8F2B, s0  }
0xbc: {  	[sflag:s0] =	ssyncadd.remote.s32 $0x1  }
0xbd: {  	_ =	sfence.sel $0xFFFF  }
0xbe: {  	[dreg:$0x0] =	wrdreg $0xFFFFFFFF;
	(pc) =	sbr.abs _section_cstart, $3  }
0xbf: {  	[dreg:$0x1] =	wrdreg $0xFFFFFFFF  }
0xc0: {  	_ =	task.clear_ibuf [dreg:s6], $0x2FFFF;
	_ =	strace $0x9FFFFFFF  }
0xc1: {  	(tm) =	ssettm $0x7FFFFFFF  }
tec
execute0_lowered:
.L_overlay_start_1:
0x0: {  	(tag) =	ssettag $0x1  }
0x1: {  	s0 =	srdreg.scid  }
0x2: {  	s3 =	sand.u32 $0x1, s0  }
0x3: {  	s4 =	rddreg [dreg:$0x0];
	s0 =	stileid.u32;
	s1 =	sshll.u32 s3, $0x4  }
0x4: {  	s2 =	simm.s32 $0x0;
	s8 =	simm.s32 $0x0;
	s5 =	sor.u32 s0, s1  }
0x5: {  	[smem:$0x7FF] =	sst s2;
	s3 =	ssub.s32 $0x2, s3;
	s6 =	smul.u32 $0x500, s5  }
0x6: {  	s1 =	rddreg [dreg:$0x1];
	s7 =	sshrl.u32 s3, $0x1;
	s5 =	smul.u32 $0x13C0, s5  }
0x7: {  	_ =	strace $0x80000047;
	s31 =	ssub.s32 s3, s7;
	s7 =	simm.s32 $0x2800  }
0x8: {  	s6 =	sadd.s32 s6, s4;
	s4 =	sadd.s32 s5, s4;
	s5 =	smax.u32 s31, $0x1  }
0x9: {  	v0 =	vimm.f32 $0.0e+00;
	v1 =	vimm.f32 $1.000000000e+00;
	s3 =	sadd.s32 $0x2600, s6;
	s4 =	sadd.s32 $0xC600, s4;
	s6 =	simm.s32 $0x1  }
.LBB2_1:
0xa: {  	s9 =	simm.s32 $0x40;
	s10 =	simm.s32 $0x0  }
.LBB2_2:
0xb: {  	p0 =	sne.s32 s9, $0x277C0;
	[tilespmem:s10+$0x2800] =	vst v0;
	s10 =	smov.u32 s9;
	s9 =	sadd.s32 $0x40, s9  }
.Ltmp0:
0xc: {  	(pc) =	sbr.rel @p0 .LBB2_2-.Ltmp0, $2  }
0xd: {  	_ =	sdelay $0x2  }
0xe: {  	s10 =	sshra.s32 s10, $0x2  }
0xf: {  	[tilespmem:s10+$0x2800] =	vst v0;
	s9 =	simm.s32 $0x0  }
0x10: {  	[tilespmem:s9], [sflag:$0x1] =	stream.linear.gather [hbm4b:s3+s9], $0x2800, $0x38;
	[tilespmem:$0xC600] =	vst v63  }
0x11: {  	_ =	swait.ge [sflag:s6], $0x2800  }
0x12: {  	[sflag:s6] =	ssyncset.done $0x0  }
0x13: {  	[sflag:s6] =	ssyncadd.s32 $0xFFFFD800  }
.LBB2_4:
0x14: {  	s10 =	sshra.s32 s9, $0x2  }
0x15: {  	v2 =	vld [tilespmem:s10+$0x0];
	_ =	sdelay $0x4  }
0x16: {  	v2 =	vshll.u32 v2, $0x2  }
0x17: {  	v3 =	vor.u32 $0x1, v2  }
0x18: {  	v4 =	vor.u32 $0x2, v2  }
0x19: {  	v5 =	vor.u32 $0x3, v2;
	_ =	sdelay $0x1  }
0x1a: {  	[tilespmem:v2+s7+$0x0] =	vst.idx.add.f32.msk $0xffff, v1  }
0x1b: {  	[tilespmem:v3+s7+$0x0] =	vst.idx.add.f32.msk $0xffff, v1  }
0x1c: {  	[tilespmem:v4+s7+$0x0] =	vst.idx.add.f32.msk $0xffff, v1  }
0x1d: {  	[tilespmem:v5+s7+$0x0] =	vst.idx.add.f32.msk $0xffff, v1  }
0x1e: {  	v2 =	vld [tilespmem:s10+$0x10];
	_ =	sdelay $0x4  }
0x1f: {  	v2 =	vshll.u32 v2, $0x2  }
0x20: {  	v3 =	vor.u32 $0x1, v2  }
0x21: {  	v50 =	vor.u32 $0x2, v2  }
0x22: {  	v51 =	vor.u32 $0x3, v2;
	_ =	sdelay $0x1  }
0x23: {  	[tilespmem:v2+s7+$0x0] =	vst.idx.add.f32.msk $0xffff, v1  }
0x24: {  	[tilespmem:v3+s7+$0x0] =	vst.idx.add.f32.msk $0xffff, v1  }
0x25: {  	[tilespmem:v50+s7+$0x0] =	vst.idx.add.f32.msk $0xffff, v1  }
0x26: {  	[tilespmem:v51+s7+$0x0] =	vst.idx.add.f32.msk $0xffff, v1  }
0x27: {  	v2 =	vld [tilespmem:s10+$0x20];
	_ =	sdelay $0x4  }
0x28: {  	v2 =	vshll.u32 v2, $0x2  }
0x29: {  	v3 =	vor.u32 $0x1, v2  }
0x2a: {  	v52 =	vor.u32 $0x2, v2  }
0x2b: {  	v53 =	vor.u32 $0x3, v2;
	_ =	sdelay $0x1  }
0x2c: {  	[tilespmem:v2+s7+$0x0] =	vst.idx.add.f32.msk $0xffff, v1  }
0x2d: {  	[tilespmem:v3+s7+$0x0] =	vst.idx.add.f32.msk $0xffff, v1  }
0x2e: {  	[tilespmem:v52+s7+$0x0] =	vst.idx.add.f32.msk $0xffff, v1  }
0x2f: {  	[tilespmem:v53+s7+$0x0] =	vst.idx.add.f32.msk $0xffff, v1  }
0x30: {  	v2 =	vld [tilespmem:s10+$0x30];
	_ =	sdelay $0x4  }
0x31: {  	v2 =	vshll.u32 v2, $0x2  }
0x32: {  	v3 =	vor.u32 $0x1, v2  }
0x33: {  	v54 =	vor.u32 $0x2, v2  }
0x34: {  	v55 =	vor.u32 $0x3, v2;
	_ =	sdelay $0x1  }
0x35: {  	[tilespmem:v2+s7+$0x0] =	vst.idx.add.f32.msk $0xffff, v1  }
0x36: {  	[tilespmem:v3+s7+$0x0] =	vst.idx.add.f32.msk $0xffff, v1  }
0x37: {  	[tilespmem:v54+s7+$0x0] =	vst.idx.add.f32.msk $0xffff, v1  }
0x38: {  	[tilespmem:v55+s7+$0x0] =	vst.idx.add.f32.msk $0xffff, v1  }
0x39: {  	v2 =	vld [tilespmem:s10+$0x40];
	_ =	sdelay $0x4  }
0x3a: {  	v2 =	vshll.u32 v2, $0x2  }
0x3b: {  	v3 =	vor.u32 $0x1, v2  }
0x3c: {  	v56 =	vor.u32 $0x2, v2  }
0x3d: {  	v57 =	vor.u32 $0x3, v2;
	_ =	sdelay $0x1  }
0x3e: {  	[tilespmem:v2+s7+$0x0] =	vst.idx.add.f32.msk $0xffff, v1  }
0x3f: {  	[tilespmem:v3+s7+$0x0] =	vst.idx.add.f32.msk $0xffff, v1  }
0x40: {  	[tilespmem:v56+s7+$0x0] =	vst.idx.add.f32.msk $0xffff, v1  }
0x41: {  	[tilespmem:v57+s7+$0x0] =	vst.idx.add.f32.msk $0xffff, v1  }
0x42: {  	v2 =	vld [tilespmem:s10+$0x50];
	_ =	sdelay $0x4  }
0x43: {  	v2 =	vshll.u32 v2, $0x2  }
0x44: {  	v3 =	vor.u32 $0x1, v2  }
0x45: {  	v58 =	vor.u32 $0x2, v2  }
0x46: {  	v59 =	vor.u32 $0x3, v2;
	_ =	sdelay $0x1  }
0x47: {  	[tilespmem:v2+s7+$0x0] =	vst.idx.add.f32.msk $0xffff, v1  }
0x48: {  	[tilespmem:v3+s7+$0x0] =	vst.idx.add.f32.msk $0xffff, v1  }
0x49: {  	[tilespmem:v58+s7+$0x0] =	vst.idx.add.f32.msk $0xffff, v1  }
0x4a: {  	[tilespmem:v59+s7+$0x0] =	vst.idx.add.f32.msk $0xffff, v1  }
0x4b: {  	v2 =	vld [tilespmem:s10+$0x60];
	_ =	sdelay $0x4  }
0x4c: {  	v2 =	vshll.u32 v2, $0x2  }
0x4d: {  	v3 =	vor.u32 $0x1, v2  }
0x4e: {  	v60 =	vor.u32 $0x2, v2  }
0x4f: {  	v61 =	vor.u32 $0x3, v2;
	_ =	sdelay $0x1  }
0x50: {  	[tilespmem:v2+s7+$0x0] =	vst.idx.add.f32.msk $0xffff, v1  }
0x51: {  	[tilespmem:v3+s7+$0x0] =	vst.idx.add.f32.msk $0xffff, v1  }
0x52: {  	[tilespmem:v60+s7+$0x0] =	vst.idx.add.f32.msk $0xffff, v1  }
0x53: {  	[tilespmem:v61+s7+$0x0] =	vst.idx.add.f32.msk $0xffff, v1  }
0x54: {  	v2 =	vld [tilespmem:s10+$0x70];
	_ =	sdelay $0x4  }
0x55: {  	v2 =	vshll.u32 v2, $0x2  }
0x56: {  	v3 =	vor.u32 $0x1, v2  }
0x57: {  	v62 =	vor.u32 $0x2, v2  }
0x58: {  	p0 =	sne.s32 s9, $0x9E00;
	v63 =	vor.u32 $0x3, v2  }
.Ltmp1:
0x59: {  	_ = 	snop;
	(pc) =	sbr.rel @p0 .LBB2_4-.Ltmp1, $4  }
0x5a: {  	[tilespmem:v2+s7+$0x0] =	vst.idx.add.f32.msk $0xffff, v1  }
0x5b: {  	[tilespmem:v3+s7+$0x0] =	vst.idx.add.f32.msk $0xffff, v1  }
0x5c: {  	[tilespmem:v62+s7+$0x0] =	vst.idx.add.f32.msk $0xffff, v1  }
0x5d: {  	s9 =	sadd.s32 $0x200, s9;
	[tilespmem:v63+s7+$0x0] =	vst.idx.add.f32.msk $0xffff, v1  }
0x5e: {  	s8 =	sadd.s32 $0x1, s8  }
0x5f: {  	p0 =	sne.s32 s8, s5  }
.Ltmp2:
0x60: {  	_ = 	snop;
	(pc) =	sbr.rel @p0 .LBB2_1-.Ltmp2, $4  }
0x61: {  	[hbm4b:s4+s2] =	stream.linear.scatter [tilespmem:s7], [sflag:$0x1], $0x9E00, $0x38;
	[tilespmem:$0xC600] =	vst v63  }
0x62: {  	_ =	swait.ge [sflag:s6], $0x9E00  }
0x63: {  	[sflag:s6] =	ssyncset.done $0x0  }
0x64: {  	[sflag:s6] =	ssyncadd.s32 $0xFFFF6200  }
0x65: {  	_ =	sfence.sel $0x180000  }
0x66: {  	[bflag:$0x0] =	sbarrier.arrive $0xFFFF  }
0x67: {  	p0 =	sne.s32 s0, $0x0;
	_ =	strace $0x90000047  }
0x68: {  	s0 =	sadd.s32 @!p0 $0x100000, s1;
	[bflag:$0x2] =	sbarrier.arrive $0xFFFF  }
0x69: {  	[sflag:s0] =	ssyncadd.tile.s32 @!p0 $0x1;
	_ =	shalt  }
.Lfunc_end2:
_tile_overlayer_lowered:
.L_overlay_start_2:
0x6a: {  	(tag) =	ssettag $0x2  }
0x6b: {  	s0 =	rddreg [dreg:$0x0];
	s2 =	stileid.u32  }
0x6c: {  	s1 =	rddreg [dreg:$0x1];
	p0 =	sne.s32 s2, $0x0  }
0x6d: {  	s3 =	rddreg [dreg:$0x2];
	[bflag:$0x3] =	sbarrier.arrive $0xFFFF;
	s2 =	simm.s32 @!p0 $0x1C01  }
0x6e: {  	[timem:s3], [sflag:s2] =	dma.local @!p0 [hbm:s0], s1  }
0x6f: {  	s0 =	simm.s32 @!p0 $0x1  }
0x70: {  	_ =	swait.ge @!p0 [sflag:s0], s1  }
0x71: {  	s1 =	ssub.s32 @!p0 $0x0, s1;
	[sflag:s0] =	ssyncset.done @!p0 $0x0  }
0x72: {  	[sflag:s0] =	ssyncadd.s32 @!p0 s1  }
0x73: {  	[bflag:$0x3] =	sbarrier.arrive $0xFFFF  }
0x74: {  	_ =	shalt  }

// kernel: kernel.14.cloned.1.call-start
scs
__scs_entry_jumppad:
0x0: {  	(pc) =	sbr.rel $0x88, $3  }
0x1: {  	(tag) =	ssettag $0x0;
	lr =	simm.s32 $0x1  }
0x2: {  	[smem:$0x3F96] =	sst lr;
	_ =	strace $0xD0000000  }
0x3: {  	_ = 	snop  }
0x4: {  	_ = 	snop  }
0x5: {  	_ = 	snop  }
0x6: {  	_ = 	snop  }
0x7: {  	_ = 	snop  }
__scs_overlays_trampoline_lowered:
0x8: {  	[smem:$0x3FA5] =	sst s0  }
0x9: {  	[smem:$0x3FA6] =	sst s1  }
0xa: {  	[smem:$0x3FA7] =	sst s2  }
0xb: {  	[smem:$0x3FA8] =	sst s3  }
0xc: {  	[smem:$0x3FA9] =	sst s4  }
0xd: {  	[smem:$0x3FAA] =	sst s5  }
0xe: {  	[smem:$0x3FAB] =	sst s6  }
0xf: {  	[smem:$0x3FAC] =	sst s7  }
0x10: {  	[smem:$0x3FAD] =	sst s8  }
0x11: {  	[smem:$0x3FAE] =	sst s9;
	s0 =	simm.s32 @!p0 $0x0  }
0x12: {  	s1 =	sld [smem:$0x3F94];
	s0 =	simm.s32 @p0 $0x1  }
0x13: {  	[smem:$0x3FAF] =	sst s0;
	s0 =	simm.s32 @!p1 $0x0  }
0x14: {  	s2 =	sld [smem:$0x3F93];
	s0 =	simm.s32 @p1 $0x1  }
0x15: {  	[smem:$0x3FB0] =	sst s0;
	s0 =	simm.s32 @!p2 $0x0  }
0x16: {  	s3 =	sld [smem:$0x3FDB];
	s0 =	simm.s32 @p2 $0x1  }
0x17: {  	s4 =	simm.s32 $0x1BF5;
	[smem:$0x3FB2] =	sst s0  }
0x18: {  	s0 =	sld [smem:$0x3F95];
	_ =	swait.ge [sflag:s4], $0x0  }
0x19: {  	s7 =	sld [smem:$0x3F96]  }
0x1a: {  	s8 =	sadd.s32 $0xFFFFE003, lr  }
0x1b: {  	s9 =	sadd.s32 $0xFFFFFEF7, lr;
	s5 =	simm.s32 $0xFFFFFFFF;
	p2 =	slt.u32 s8, $0xFFFFF086  }
0x1c: {  	p1 =	slt.u32 s9, $0xF7A;
	s5 =	simm.s32 @!p2 $0x0  }
0x1d: {  	s5 =	simm.s32 @p1 $0x1;
	p0 =	seq.s32 s7, s2  }
0x1e: {  	s7 =	smul.u32 @!p0 $0xF7A, s2;
	p2 =	seq.s32 @!p0 s5, $0x0  }
0x1f: {  	s9 =	smul.u32 $0xF7A, s1;
	s8 =	simm.s32 @!p0 $0x1BF5;
	p2 =	por !p2, p0  }
0x20: {  	[sflag:s8] =	ssyncset.s32 @!p0 $0xFFFFF086;
	s6 =	sadd.s32 @!p0 s3, s7;
	s7 =	simm.s32 @!p0 $0x108  }
0x21: {  	s3 =	sadd.s32 s3, s9;
	s6 =	sadd.s32 @!p0 $0x88, s6;
	s7 =	simm.s32 @p2 $0x1082  }
0x22: {  	[simem:s7], [sflag:s8] =	dma.local @!p0 [hbm:s6], $0xF7A  }
0x23: {  	s9 =	sor.u32 $0xD0000000, s2;
	s6 =	simm.s32 $0x108;
	_ =	swait.ge @!p0 [sflag:s8], $0x0  }
0x24: {  	s3 =	sadd.s32 $0x88, s3;
	s6 =	simm.s32 @!p1 $0x1082;
	[sflag:s4] =	ssyncset.s32 $0xFFFFF086  }
0x25: {  	[simem:s6], [sflag:s4] =	dma.local [hbm:s3], $0xF7A  }
0x26: {  	[smem:$0x3F96] =	sst s1;
	(tag) =	ssettag s2;
	_ =	strace s9  }
0x27: {  	s1 =	sld [smem:$0x3FA6]  }
0x28: {  	s2 =	sld [smem:$0x3FA7]  }
0x29: {  	s4 =	sld [smem:$0x3FA9]  }
0x2a: {  	p0 =	seq.s32 s5, $0x0;
	s5 =	sld [smem:$0x3FAA]  }
0x2b: {  	s6 =	sld [smem:$0x3FAB]  }
0x2c: {  	s7 =	sld [smem:$0x3FAC]  }
0x2d: {  	s3 =	simm.s32 $0x108;
	s8 =	sld [smem:$0x3FAD]  }
0x2e: {  	s3 =	simm.s32 @!p0 $0x1082;
	s9 =	sld [smem:$0x3FAE]  }
0x2f: {  	lr =	sadd.s32 s0, s3;
	s0 =	sld [smem:$0x3FA5]  }
0x30: {  	s3 =	sld [smem:$0x3FA8]  }
0x31: {  	[smem:$0x3FB1] =	sst s10  }
0x32: {  	s10 =	sld [smem:$0x3FAF];
	_ =	sdelay $0x3  }
0x33: {  	p0 =	seq.s32 s10, $0x1;
	s10 =	sld [smem:$0x3FB1];
	_ =	sdelay $0x3  }
0x34: {  	[smem:$0x3FB1] =	sst s10  }
0x35: {  	s10 =	sld [smem:$0x3FB0];
	_ =	sdelay $0x3  }
0x36: {  	p1 =	seq.s32 s10, $0x1;
	s10 =	sld [smem:$0x3FB1];
	_ =	sdelay $0x3  }
0x37: {  	[smem:$0x3FB1] =	sst s10  }
0x38: {  	s10 =	sld [smem:$0x3FB2]  }
0x39: {  	_ = 	snop;
	(pc) =	sbr.ind lr, $3  }
0x3a: {  	_ = 	snop  }
0x3b: {  	_ = 	snop  }
0x3c: {  	p2 =	seq.s32 s10, $0x1;
	s10 =	sld [smem:$0x3FB1]  }
0x3d: {  	_ =	shalt  }
0x3e: {  	_ =	shalt  }
0x3f: {  	_ =	shalt  }
0x40: {  	_ =	shalt  }
0x41: {  	_ =	shalt  }
0x42: {  	_ =	shalt  }
0x43: {  	_ =	shalt  }
0x44: {  	_ =	shalt  }
0x45: {  	_ =	shalt  }
0x46: {  	_ =	shalt  }
0x47: {  	_ =	shalt  }
0x48: {  	_ =	shalt  }
0x49: {  	_ =	shalt  }
0x4a: {  	_ =	shalt  }
0x4b: {  	_ =	shalt  }
0x4c: {  	_ =	shalt  }
0x4d: {  	_ =	shalt  }
0x4e: {  	_ =	shalt  }
0x4f: {  	_ =	shalt  }
0x50: {  	_ =	shalt  }
0x51: {  	_ =	shalt  }
0x52: {  	_ =	shalt  }
0x53: {  	_ =	shalt  }
0x54: {  	_ =	shalt  }
0x55: {  	_ =	shalt  }
0x56: {  	_ =	shalt  }
0x57: {  	_ =	shalt  }
0x58: {  	_ =	shalt  }
0x59: {  	_ =	shalt  }
0x5a: {  	_ =	shalt  }
0x5b: {  	_ =	shalt  }
0x5c: {  	_ =	shalt  }
0x5d: {  	_ =	shalt  }
0x5e: {  	_ =	shalt  }
0x5f: {  	_ =	shalt  }
0x60: {  	_ =	shalt  }
0x61: {  	_ =	shalt  }
0x62: {  	_ =	shalt  }
0x63: {  	_ =	shalt  }
0x64: {  	_ =	shalt  }
0x65: {  	_ =	shalt  }
0x66: {  	_ =	shalt  }
0x67: {  	_ =	shalt  }
0x68: {  	_ =	shalt  }
0x69: {  	_ =	shalt  }
0x6a: {  	_ =	shalt  }
0x6b: {  	_ =	shalt  }
0x6c: {  	_ =	shalt  }
0x6d: {  	_ =	shalt  }
0x6e: {  	_ =	shalt  }
0x6f: {  	_ =	shalt  }
0x70: {  	_ =	shalt  }
0x71: {  	_ =	shalt  }
0x72: {  	_ =	shalt  }
0x73: {  	_ =	shalt  }
0x74: {  	_ =	shalt  }
0x75: {  	_ =	shalt  }
0x76: {  	_ =	shalt  }
0x77: {  	_ =	shalt  }
0x78: {  	_ =	shalt  }
0x79: {  	_ =	shalt  }
0x7a: {  	_ =	shalt  }
0x7b: {  	_ =	shalt  }
0x7c: {  	_ =	shalt  }
0x7d: {  	_ =	shalt  }
0x7e: {  	_ =	shalt  }
0x7f: {  	_ =	shalt  }
0x80: {  	_ =	shalt  }
0x81: {  	_ =	shalt  }
0x82: {  	_ =	shalt  }
0x83: {  	_ =	shalt  }
0x84: {  	_ =	shalt  }
0x85: {  	_ =	shalt  }
0x86: {  	_ =	shalt  }
0x87: {  	_ =	shalt  }
.Lfunc_end0:
.L_simem_size_0:
called_computation.1_lowered:
.L_overlay_start_0:
0x88: {  	s2 =	sld [smem:$0x3FD9]  }
0x89: {  	s3 =	sld [smem:$0x3FFE];
	_ =	sdelay $0x1  }
0x8a: {  	s1 =	srdreg.scid  }
0x8b: {  	s0 =	sand.u32 $0x1, s1  }
0x8c: {  	s16 =	sshll.u32 s0, $0xA;
	s2 =	sadd.s32 s3, s2  }
0x8d: {  	s2 =	sadd.s32 s2, s16  }
0x8e: {  	[smem:$0x3FBD] =	sst s2  }
0x8f: {  	_ = 	snop  }
0x90: {  	(tm) =	ssettm $0x1  }
0x91: {  	s17 =	sld [smem:$0x3FFB];
	_ =	sdelay $0x3  }
0x92: {  	_ =	strace s17  }
0x93: {  	s2 =	sld [smem:$0x3FFC];
	_ =	sdelay $0x3  }
0x94: {  	_ =	strace s2  }
0x95: {  	s2 =	sld [smem:$0x3FFD];
	_ =	sdelay $0x3  }
0x96: {  	_ =	strace s2  }
0x97: {  	_ =	strace $0x8FFFFFFF  }
0x98: {  	s18 =	sld [smem:$0x3FDB];
	_ =	sdelay $0x1  }
0x99: {  	s19 =	simm.s32 $_scs_section_size  }
0x9a: {  	s4 =	simm.s32 $_size__tile_overlayer_lowered;
	s5 =	simm.s32 $_tile_overlayer_lowered  }
0x9b: {  	s22 =	simm.s32 $0x1BFF;
	s21 =	sshll.u32 s5, $0x1;
	s2 =	sadd.s32 s19, s18  }
0x9c: {  	s6 =	simm.s32 $0x0;
	s20 =	sshll.u32 s4, $0x1;
	s4 =	sadd.s32 s21, s2  }
0x9d: {  	[timem:s6], [sflag:s22] =	dma.local [hbm:s4], s20  }
0x9e: {  	_ =	swait.ge [sflag:s22], s20  }
0x9f: {  	s3 =	ssub.s32 $0x0, s20;
	[sflag:s22] =	ssyncset.done $0x0  }
0xa0: {  	[sflag:s22] =	ssyncadd.s32 s3;
	_ =	sdelay $0x1  }
0xa1: {  	s23 =	simm.s32 $0x1B8B  }
0xa2: {  	_ =	swait.ge [sflag:s23], $0x1  }
0xa3: {  	[sflag:s23] =	ssyncset.done $0x0  }
0xa4: {  	s25 =	simm.s32 $0x1B8E;
	s24 =	sld [smem:$0x3FFE];
	[sflag:s23] =	ssyncadd.s32 $0xFFFFFFFF  }
0xa5: {  	s26 =	simm.s32 $execute0_lowered;
	[smem:$0x3FD2] =	sst s25  }
0xa6: {  	s4 =	sshll.u32 s26, $0x1;
	_ =	strace $0x80000049;
	[dreg:$0x1] =	wrdreg $0xFFFFFFFF  }
0xa7: {  	s28 =	simm.s32 $_size_execute0_lowered;
	s2 =	sadd.s32 s2, s4;
	[dreg:$0x0] =	wrdreg $0x0  }
0xa8: {  	s4 =	sshll.u32 s28, $0x1;
	[dreg:$0x2] =	wrdreg s2  }
0xa9: {  	[dreg:$0x3] =	wrdreg s4  }
0xaa: {  	[dreg:$0x4] =	wrdreg $0xC0  }
0xab: {  	_ =	task [dreg:s6], $0x5FFFF  }
0xac: {  	[dreg:$0x1] =	wrdreg $0xFFFFFFFF  }
0xad: {  	[dreg:$0x0] =	wrdreg $0x60  }
0xae: {  	[dreg:$0x2] =	wrdreg s24  }
0xaf: {  	[dreg:$0x3] =	wrdreg $0x9  }
0xb0: {  	_ =	task.clear_ibuf [dreg:s6], $0x4FFFF;
	_ =	strace $0x90000049  }
0xb1: {  	s29 =	simm.s32 $0x9;
	_ =	strace $0x8000004B  }
0xb2: {  	_ =	swait.ge [sflag:s29], $0x1  }
0xb3: {  	[sflag:s29] =	ssyncadd.s32 $0xFFFFFFFF  }
0xb4: {  	_ =	strace $0x9000004B  }
0xb5: {  	_ =	sfence  }
0xb6: {  	s30 =	sld [smem:$0x0];
	_ =	sdelay $0x2  }
0xb7: {  	s31 =	sshll.u32 s1, $0xD;
	s1 =	sshrl.u32 s1, $0x2  }
0xb8: {  	s3 =	sand.u32 $0x4000, s31;
	s1 =	sadd.s32 s1, s30  }
0xb9: {  	s0 =	sor.u32 s3, s0;
	s1 =	sshll.u32 s1, $0x11  }
0xba: {  	s0 =	sor.u32 s1, s0  }
0xbb: {  	s0 =	sadd.s32 $0x8F2B, s0  }
0xbc: {  	[sflag:s0] =	ssyncadd.remote.s32 $0x1  }
0xbd: {  	_ =	sfence.sel $0xFFFF  }
0xbe: {  	[dreg:$0x0] =	wrdreg $0xFFFFFFFF;
	(pc) =	sbr.abs _section_cstart, $3  }
0xbf: {  	[dreg:$0x1] =	wrdreg $0xFFFFFFFF  }
0xc0: {  	_ =	task.clear_ibuf [dreg:s6], $0x2FFFF;
	_ =	strace $0x9FFFFFFF  }
0xc1: {  	(tm) =	ssettm $0x7FFFFFFF  }
tec
execute0_lowered:
.L_overlay_start_1:
0x0: {  	(tag) =	ssettag $0x1  }
0x1: {  	s0 =	srdreg.scid;
	s4 =	rddreg [dreg:$0x0];
	s2 =	simm.s32 $0x0  }
0x2: {  	s10 =	simm.s32 $0x5000;
	s11 =	simm.s32 $0xEE00;
	s3 =	sand.u32 $0x1, s0  }
0x3: {  	s12 =	simm.s32 $0x0;
	s0 =	stileid.u32;
	s1 =	sshll.u32 s3, $0x4  }
0x4: {  	[smem:$0x7FF] =	sst s2;
	s7 =	ssub.s32 $0x2, s3;
	s5 =	sor.u32 s0, s1  }
0x5: {  	s3 =	sadd.s32 $0xC600, s4;
	s1 =	rddreg [dreg:$0x1];
	s6 =	smul.u32 $0x500, s5  }
0x6: {  	_ =	strace $0x8000004A;
	s8 =	sshrl.u32 s7, $0x1;
	s5 =	smul.u32 $0x13C0, s5  }
0x7: {  	s7 =	ssub.s32 s7, s8;
	s8 =	simm.s32 $0x1;
	s6 =	sadd.s32 s6, s4  }
0x8: {  	s7 =	smax.u32 s7, $0x1;
	s9 =	sadd.s32 s5, s4;
	s4 =	sadd.s32 $0x33E00, s6  }
0x9: {  	v0 =	vimm.f32 $0.0e+00;
	s5 =	sadd.s32 $0x2600, s6;
	s6 =	sadd.s32 $0x3DE00, s9;
	s9 =	simm.s32 $0x2800  }
.LBB2_1:
0xa: {  	s13 =	simm.s32 $0x40;
	s14 =	simm.s32 $0x0  }
.LBB2_2:
0xb: {  	p0 =	sne.s32 s13, $0x277C0;
	[tilespmem:s14+$0xEE00] =	vst v0;
	s14 =	smov.u32 s13;
	s13 =	sadd.s32 $0x40, s13  }
.Ltmp0:
0xc: {  	(pc) =	sbr.rel @p0 .LBB2_2-.Ltmp0, $2  }
0xd: {  	_ =	sdelay $0x2  }
0xe: {  	s14 =	sshra.s32 s14, $0x2  }
0xf: {  	[tilespmem:s14+$0xEE00] =	vst v0;
	s13 =	simm.s32 $0x0  }
0x10: {  	[tilespmem:s13], [sflag:$0x1] =	stream.linear.gather [hbm4b:s4+s13], $0x2800, $0x38;
	[tilespmem:$0x18C00] =	vst v63  }
0x11: {  	_ =	swait.ge [sflag:s8], $0x2800  }
0x12: {  	[sflag:s8] =	ssyncset.done $0x0  }
0x13: {  	[sflag:s8] =	ssyncadd.s32 $0xFFFFD800  }
0x14: {  	[tilespmem:s9], [sflag:$0x1] =	stream.linear.gather [hbm4b:s5+s13], $0x2800, $0x38;
	[tilespmem:$0x18C00] =	vst v63  }
0x15: {  	_ =	swait.ge [sflag:s8], $0x2800  }
0x16: {  	[sflag:s8] =	ssyncset.done $0x0  }
0x17: {  	[sflag:s8] =	ssyncadd.s32 $0xFFFFD800  }
0x18: {  	[tilespmem:s10], [sflag:$0x1] =	stream.linear.gather [hbm4b:s3+s13], $0x9E00, $0x38;
	[tilespmem:$0x18C00] =	vst v63  }
0x19: {  	_ =	swait.ge [sflag:s8], $0x9E00  }
0x1a: {  	[sflag:s8] =	ssyncset.done $0x0  }
0x1b: {  	[sflag:s8] =	ssyncadd.s32 $0xFFFF6200  }
.LBB2_4:
0x1c: {  	s14 =	sshra.s32 s13, $0x2  }
0x1d: {  	v1 =	vld [tilespmem:s14+$0x0];
	_ =	sdelay $0x4  }
0x1e: {  	v2 =	vld [tilespmem:s14+$0x2800];
	v1 =	vshll.u32 v1, $0x2;
	_ =	sdelay $0x4  }
0x1f: {  	v2 =	vshll.u32 v2, $0x2;
	v3 =	vld.idx.msk [tilespmem:v1+s10+$0x0], $0xffff  }
0x20: {  	v4 =	vor.u32 $0x1, v1;
	_ =	sdelay $0x3  }
0x21: {  	[tilespmem:v2+s11+$0x0] =	vst.idx.add.f32.msk $0xffff, v3  }
0x22: {  	v34 =	vor.u32 $0x1, v2;
	v3 =	vld.idx.msk [tilespmem:v4+s10+$0x0], $0xffff  }
0x23: {  	v5 =	vor.u32 $0x2, v1;
	_ =	sdelay $0x3  }
0x24: {  	[tilespmem:v34+s11+$0x0] =	vst.idx.add.f32.msk $0xffff, v3  }
0x25: {  	v35 =	vor.u32 $0x2, v2;
	v3 =	vld.idx.msk [tilespmem:v5+s10+$0x0], $0xffff  }
0x26: {  	v1 =	vor.u32 $0x3, v1;
	_ =	sdelay $0x3  }
0x27: {  	[tilespmem:v35+s11+$0x0] =	vst.idx.add.f32.msk $0xffff, v3  }
0x28: {  	v2 =	vor.u32 $0x3, v2;
	v1 =	vld.idx.msk [tilespmem:v1+s10+$0x0], $0xffff;
	_ =	sdelay $0x4  }
0x29: {  	[tilespmem:v2+s11+$0x0] =	vst.idx.add.f32.msk $0xffff, v1  }
0x2a: {  	v1 =	vld [tilespmem:s14+$0x10];
	_ =	sdelay $0x4  }
0x2b: {  	v2 =	vld [tilespmem:s14+$0x2810];
	v1 =	vshll.u32 v1, $0x2;
	_ =	sdelay $0x4  }
0x2c: {  	v2 =	vshll.u32 v2, $0x2;
	v3 =	vld.idx.msk [tilespmem:v1+s10+$0x0], $0xffff  }
0x2d: {  	v36 =	vor.u32 $0x1, v1;
	_ =	sdelay $0x3  }
0x2e: {  	[tilespmem:v2+s11+$0x0] =	vst.idx.add.f32.msk $0xffff, v3  }
0x2f: {  	v37 =	vor.u32 $0x1, v2;
	v3 =	vld.idx.msk [tilespmem:v36+s10+$0x0], $0xffff  }
0x30: {  	v38 =	vor.u32 $0x2, v1;
	_ =	sdelay $0x3  }
0x31: {  	[tilespmem:v37+s11+$0x0] =	vst.idx.add.f32.msk $0xffff, v3  }
0x32: {  	v39 =	vor.u32 $0x2, v2;
	v3 =	vld.idx.msk [tilespmem:v38+s10+$0x0], $0xffff  }
0x33: {  	v1 =	vor.u32 $0x3, v1;
	_ =	sdelay $0x3  }
0x34: {  	[tilespmem:v39+s11+$0x0] =	vst.idx.add.f32.msk $0xffff, v3  }
0x35: {  	v2 =	vor.u32 $0x3, v2;
	v1 =	vld.idx.msk [tilespmem:v1+s10+$0x0], $0xffff;
	_ =	sdelay $0x4  }
0x36: {  	[tilespmem:v2+s11+$0x0] =	vst.idx.add.f32.msk $0xffff, v1  }
0x37: {  	v1 =	vld [tilespmem:s14+$0x20];
	_ =	sdelay $0x4  }
0x38: {  	v2 =	vld [tilespmem:s14+$0x2820];
	v1 =	vshll.u32 v1, $0x2;
	_ =	sdelay $0x4  }
0x39: {  	v2 =	vshll.u32 v2, $0x2;
	v3 =	vld.idx.msk [tilespmem:v1+s10+$0x0], $0xffff  }
0x3a: {  	v40 =	vor.u32 $0x1, v1;
	_ =	sdelay $0x3  }
0x3b: {  	[tilespmem:v2+s11+$0x0] =	vst.idx.add.f32.msk $0xffff, v3  }
0x3c: {  	v41 =	vor.u32 $0x1, v2;
	v3 =	vld.idx.msk [tilespmem:v40+s10+$0x0], $0xffff  }
0x3d: {  	v42 =	vor.u32 $0x2, v1;
	_ =	sdelay $0x3  }
0x3e: {  	[tilespmem:v41+s11+$0x0] =	vst.idx.add.f32.msk $0xffff, v3  }
0x3f: {  	v43 =	vor.u32 $0x2, v2;
	v3 =	vld.idx.msk [tilespmem:v42+s10+$0x0], $0xffff  }
0x40: {  	v1 =	vor.u32 $0x3, v1;
	_ =	sdelay $0x3  }
0x41: {  	[tilespmem:v43+s11+$0x0] =	vst.idx.add.f32.msk $0xffff, v3  }
0x42: {  	v2 =	vor.u32 $0x3, v2;
	v1 =	vld.idx.msk [tilespmem:v1+s10+$0x0], $0xffff;
	_ =	sdelay $0x4  }
0x43: {  	[tilespmem:v2+s11+$0x0] =	vst.idx.add.f32.msk $0xffff, v1  }
0x44: {  	v1 =	vld [tilespmem:s14+$0x30];
	_ =	sdelay $0x4  }
0x45: {  	v2 =	vld [tilespmem:s14+$0x2830];
	v1 =	vshll.u32 v1, $0x2;
	_ =	sdelay $0x4  }
0x46: {  	v2 =	vshll.u32 v2, $0x2;
	v3 =	vld.idx.msk [tilespmem:v1+s10+$0x0], $0xffff  }
0x47: {  	v44 =	vor.u32 $0x1, v1;
	_ =	sdelay $0x3  }
0x48: {  	[tilespmem:v2+s11+$0x0] =	vst.idx.add.f32.msk $0xffff, v3  }
0x49: {  	v45 =	vor.u32 $0x1, v2;
	v3 =	vld.idx.msk [tilespmem:v44+s10+$0x0], $0xffff  }
0x4a: {  	v46 =	vor.u32 $0x2, v1;
	_ =	sdelay $0x3  }
0x4b: {  	[tilespmem:v45+s11+$0x0] =	vst.idx.add.f32.msk $0xffff, v3  }
0x4c: {  	v47 =	vor.u32 $0x2, v2;
	v3 =	vld.idx.msk [tilespmem:v46+s10+$0x0], $0xffff  }
0x4d: {  	v1 =	vor.u32 $0x3, v1;
	_ =	sdelay $0x3  }
0x4e: {  	[tilespmem:v47+s11+$0x0] =	vst.idx.add.f32.msk $0xffff, v3  }
0x4f: {  	v2 =	vor.u32 $0x3, v2;
	v1 =	vld.idx.msk [tilespmem:v1+s10+$0x0], $0xffff;
	_ =	sdelay $0x4  }
0x50: {  	[tilespmem:v2+s11+$0x0] =	vst.idx.add.f32.msk $0xffff, v1  }
0x51: {  	v1 =	vld [tilespmem:s14+$0x40];
	_ =	sdelay $0x4  }
0x52: {  	v2 =	vld [tilespmem:s14+$0x2840];
	v1 =	vshll.u32 v1, $0x2;
	_ =	sdelay $0x4  }
0x53: {  	v2 =	vshll.u32 v2, $0x2;
	v3 =	vld.idx.msk [tilespmem:v1+s10+$0x0], $0xffff  }
0x54: {  	v48 =	vor.u32 $0x1, v1;
	_ =	sdelay $0x3  }
0x55: {  	[tilespmem:v2+s11+$0x0] =	vst.idx.add.f32.msk $0xffff, v3  }
0x56: {  	v49 =	vor.u32 $0x1, v2;
	v3 =	vld.idx.msk [tilespmem:v48+s10+$0x0], $0xffff  }
0x57: {  	v50 =	vor.u32 $0x2, v1;
	_ =	sdelay $0x3  }
0x58: {  	[tilespmem:v49+s11+$0x0] =	vst.idx.add.f32.msk $0xffff, v3  }
0x59: {  	v51 =	vor.u32 $0x2, v2;
	v3 =	vld.idx.msk [tilespmem:v50+s10+$0x0], $0xffff  }
0x5a: {  	v1 =	vor.u32 $0x3, v1;
	_ =	sdelay $0x3  }
0x5b: {  	[tilespmem:v51+s11+$0x0] =	vst.idx.add.f32.msk $0xffff, v3  }
0x5c: {  	v2 =	vor.u32 $0x3, v2;
	v1 =	vld.idx.msk [tilespmem:v1+s10+$0x0], $0xffff;
	_ =	sdelay $0x4  }
0x5d: {  	[tilespmem:v2+s11+$0x0] =	vst.idx.add.f32.msk $0xffff, v1  }
0x5e: {  	v1 =	vld [tilespmem:s14+$0x50];
	_ =	sdelay $0x4  }
0x5f: {  	v2 =	vld [tilespmem:s14+$0x2850];
	v1 =	vshll.u32 v1, $0x2;
	_ =	sdelay $0x4  }
0x60: {  	v2 =	vshll.u32 v2, $0x2;
	v3 =	vld.idx.msk [tilespmem:v1+s10+$0x0], $0xffff  }
0x61: {  	v52 =	vor.u32 $0x1, v1;
	_ =	sdelay $0x3  }
0x62: {  	[tilespmem:v2+s11+$0x0] =	vst.idx.add.f32.msk $0xffff, v3  }
0x63: {  	v53 =	vor.u32 $0x1, v2;
	v3 =	vld.idx.msk [tilespmem:v52+s10+$0x0], $0xffff  }
0x64: {  	v54 =	vor.u32 $0x2, v1;
	_ =	sdelay $0x3  }
0x65: {  	[tilespmem:v53+s11+$0x0] =	vst.idx.add.f32.msk $0xffff, v3  }
0x66: {  	v55 =	vor.u32 $0x2, v2;
	v3 =	vld.idx.msk [tilespmem:v54+s10+$0x0], $0xffff  }
0x67: {  	v1 =	vor.u32 $0x3, v1;
	_ =	sdelay $0x3  }
0x68: {  	[tilespmem:v55+s11+$0x0] =	vst.idx.add.f32.msk $0xffff, v3  }
0x69: {  	v2 =	vor.u32 $0x3, v2;
	v1 =	vld.idx.msk [tilespmem:v1+s10+$0x0], $0xffff;
	_ =	sdelay $0x4  }
0x6a: {  	[tilespmem:v2+s11+$0x0] =	vst.idx.add.f32.msk $0xffff, v1  }
0x6b: {  	v1 =	vld [tilespmem:s14+$0x60];
	_ =	sdelay $0x4  }
0x6c: {  	v2 =	vld [tilespmem:s14+$0x2860];
	v1 =	vshll.u32 v1, $0x2;
	_ =	sdelay $0x4  }
0x6d: {  	v2 =	vshll.u32 v2, $0x2;
	v3 =	vld.idx.msk [tilespmem:v1+s10+$0x0], $0xffff  }
0x6e: {  	v56 =	vor.u32 $0x1, v1;
	_ =	sdelay $0x3  }
0x6f: {  	[tilespmem:v2+s11+$0x0] =	vst.idx.add.f32.msk $0xffff, v3  }
0x70: {  	v57 =	vor.u32 $0x1, v2;
	v3 =	vld.idx.msk [tilespmem:v56+s10+$0x0], $0xffff  }
0x71: {  	v58 =	vor.u32 $0x2, v1;
	_ =	sdelay $0x3  }
0x72: {  	[tilespmem:v57+s11+$0x0] =	vst.idx.add.f32.msk $0xffff, v3  }
0x73: {  	v59 =	vor.u32 $0x2, v2;
	v3 =	vld.idx.msk [tilespmem:v58+s10+$0x0], $0xffff  }
0x74: {  	v1 =	vor.u32 $0x3, v1;
	_ =	sdelay $0x3  }
0x75: {  	[tilespmem:v59+s11+$0x0] =	vst.idx.add.f32.msk $0xffff, v3  }
0x76: {  	v2 =	vor.u32 $0x3, v2;
	v1 =	vld.idx.msk [tilespmem:v1+s10+$0x0], $0xffff;
	_ =	sdelay $0x4  }
0x77: {  	[tilespmem:v2+s11+$0x0] =	vst.idx.add.f32.msk $0xffff, v1  }
0x78: {  	v1 =	vld [tilespmem:s14+$0x70];
	_ =	sdelay $0x4  }
0x79: {  	v2 =	vld [tilespmem:s14+$0x2870];
	v1 =	vshll.u32 v1, $0x2;
	_ =	sdelay $0x4  }
0x7a: {  	v2 =	vshll.u32 v2, $0x2;
	v3 =	vld.idx.msk [tilespmem:v1+s10+$0x0], $0xffff  }
0x7b: {  	v60 =	vor.u32 $0x1, v1;
	_ =	sdelay $0x3  }
0x7c: {  	[tilespmem:v2+s11+$0x0] =	vst.idx.add.f32.msk $0xffff, v3  }
0x7d: {  	v61 =	vor.u32 $0x1, v2;
	v3 =	vld.idx.msk [tilespmem:v60+s10+$0x0], $0xffff  }
0x7e: {  	v62 =	vor.u32 $0x2, v1;
	_ =	sdelay $0x3  }
0x7f: {  	[tilespmem:v61+s11+$0x0] =	vst.idx.add.f32.msk $0xffff, v3  }
0x80: {  	v63 =	vor.u32 $0x2, v2;
	v3 =	vld.idx.msk [tilespmem:v62+s10+$0x0], $0xffff  }
0x81: {  	v1 =	vor.u32 $0x3, v1;
	_ =	sdelay $0x3  }
0x82: {  	[tilespmem:v63+s11+$0x0] =	vst.idx.add.f32.msk $0xffff, v3  }
0x83: {  	p0 =	sne.s32 s13, $0x9E00;
	v2 =	vor.u32 $0x3, v2;
	v1 =	vld.idx.msk [tilespmem:v1+s10+$0x0], $0xffff  }
.Ltmp1:
0x84: {  	_ = 	snop;
	(pc) =	sbr.rel @p0 .LBB2_4-.Ltmp1, $2  }
0x85: {  	_ =	sdelay $0x2  }
0x86: {  	s13 =	sadd.s32 $0x200, s13;
	[tilespmem:v2+s11+$0x0] =	vst.idx.add.f32.msk $0xffff, v1  }
0x87: {  	s12 =	sadd.s32 $0x1, s12  }
0x88: {  	p0 =	sne.s32 s12, s7  }
.Ltmp2:
0x89: {  	_ = 	snop;
	(pc) =	sbr.rel @p0 .LBB2_1-.Ltmp2, $4  }
0x8a: {  	[hbm4b:s6+s2] =	stream.linear.scatter [tilespmem:s11], [sflag:$0x1], $0x9E00, $0x38;
	[tilespmem:$0x18C00] =	vst v63  }
0x8b: {  	_ =	swait.ge [sflag:s8], $0x9E00  }
0x8c: {  	[sflag:s8] =	ssyncset.done $0x0  }
0x8d: {  	[sflag:s8] =	ssyncadd.s32 $0xFFFF6200  }
0x8e: {  	_ =	sfence.sel $0x180000  }
0x8f: {  	[bflag:$0x0] =	sbarrier.arrive $0xFFFF  }
0x90: {  	p0 =	sne.s32 s0, $0x0;
	_ =	strace $0x9000004A  }
0x91: {  	s0 =	sadd.s32 @!p0 $0x100000, s1;
	[bflag:$0x2] =	sbarrier.arrive $0xFFFF  }
0x92: {  	[sflag:s0] =	ssyncadd.tile.s32 @!p0 $0x1;
	_ =	shalt  }
.Lfunc_end2:
_tile_overlayer_lowered:
.L_overlay_start_2:
0x93: {  	(tag) =	ssettag $0x2  }
0x94: {  	s0 =	rddreg [dreg:$0x0];
	s2 =	stileid.u32  }
0x95: {  	s1 =	rddreg [dreg:$0x1];
	p0 =	sne.s32 s2, $0x0  }
0x96: {  	s3 =	rddreg [dreg:$0x2];
	[bflag:$0x3] =	sbarrier.arrive $0xFFFF;
	s2 =	simm.s32 @!p0 $0x1C01  }
0x97: {  	[timem:s3], [sflag:s2] =	dma.local @!p0 [hbm:s0], s1  }
0x98: {  	s0 =	simm.s32 @!p0 $0x1  }
0x99: {  	_ =	swait.ge @!p0 [sflag:s0], s1  }
0x9a: {  	s1 =	ssub.s32 @!p0 $0x0, s1;
	[sflag:s0] =	ssyncset.done @!p0 $0x0  }
0x9b: {  	[sflag:s0] =	ssyncadd.s32 @!p0 s1  }
0x9c: {  	[bflag:$0x3] =	sbarrier.arrive $0xFFFF  }
0x9d: {  	_ =	shalt  }

// kernel: kernel.17.cloned.1.call-start
scs
__scs_entry_jumppad:
0x0: {  	(pc) =	sbr.rel $0x88, $3  }
0x1: {  	(tag) =	ssettag $0x0;
	lr =	simm.s32 $0x1  }
0x2: {  	[smem:$0x3F96] =	sst lr;
	_ =	strace $0xD0000000  }
0x3: {  	_ = 	snop  }
0x4: {  	_ = 	snop  }
0x5: {  	_ = 	snop  }
0x6: {  	_ = 	snop  }
0x7: {  	_ = 	snop  }
__scs_overlays_trampoline_lowered:
0x8: {  	[smem:$0x3FA5] =	sst s0  }
0x9: {  	[smem:$0x3FA6] =	sst s1  }
0xa: {  	[smem:$0x3FA7] =	sst s2  }
0xb: {  	[smem:$0x3FA8] =	sst s3  }
0xc: {  	[smem:$0x3FA9] =	sst s4  }
0xd: {  	[smem:$0x3FAA] =	sst s5  }
0xe: {  	[smem:$0x3FAB] =	sst s6  }
0xf: {  	[smem:$0x3FAC] =	sst s7  }
0x10: {  	[smem:$0x3FAD] =	sst s8  }
0x11: {  	[smem:$0x3FAE] =	sst s9;
	s0 =	simm.s32 @!p0 $0x0  }
0x12: {  	s1 =	sld [smem:$0x3F94];
	s0 =	simm.s32 @p0 $0x1  }
0x13: {  	[smem:$0x3FAF] =	sst s0;
	s0 =	simm.s32 @!p1 $0x0  }
0x14: {  	s2 =	sld [smem:$0x3F93];
	s0 =	simm.s32 @p1 $0x1  }
0x15: {  	[smem:$0x3FB0] =	sst s0;
	s0 =	simm.s32 @!p2 $0x0  }
0x16: {  	s3 =	sld [smem:$0x3FDB];
	s0 =	simm.s32 @p2 $0x1  }
0x17: {  	s4 =	simm.s32 $0x1BF5;
	[smem:$0x3FB2] =	sst s0  }
0x18: {  	s0 =	sld [smem:$0x3F95];
	_ =	swait.ge [sflag:s4], $0x0  }
0x19: {  	s7 =	sld [smem:$0x3F96]  }
0x1a: {  	s8 =	sadd.s32 $0xFFFFE003, lr  }
0x1b: {  	s9 =	sadd.s32 $0xFFFFFEF7, lr;
	s5 =	simm.s32 $0xFFFFFFFF;
	p2 =	slt.u32 s8, $0xFFFFF086  }
0x1c: {  	p1 =	slt.u32 s9, $0xF7A;
	s5 =	simm.s32 @!p2 $0x0  }
0x1d: {  	s5 =	simm.s32 @p1 $0x1;
	p0 =	seq.s32 s7, s2  }
0x1e: {  	s7 =	smul.u32 @!p0 $0xF7A, s2;
	p2 =	seq.s32 @!p0 s5, $0x0  }
0x1f: {  	s9 =	smul.u32 $0xF7A, s1;
	s8 =	simm.s32 @!p0 $0x1BF5;
	p2 =	por !p2, p0  }
0x20: {  	[sflag:s8] =	ssyncset.s32 @!p0 $0xFFFFF086;
	s6 =	sadd.s32 @!p0 s3, s7;
	s7 =	simm.s32 @!p0 $0x108  }
0x21: {  	s3 =	sadd.s32 s3, s9;
	s6 =	sadd.s32 @!p0 $0x88, s6;
	s7 =	simm.s32 @p2 $0x1082  }
0x22: {  	[simem:s7], [sflag:s8] =	dma.local @!p0 [hbm:s6], $0xF7A  }
0x23: {  	s9 =	sor.u32 $0xD0000000, s2;
	s6 =	simm.s32 $0x108;
	_ =	swait.ge @!p0 [sflag:s8], $0x0  }
0x24: {  	s3 =	sadd.s32 $0x88, s3;
	s6 =	simm.s32 @!p1 $0x1082;
	[sflag:s4] =	ssyncset.s32 $0xFFFFF086  }
0x25: {  	[simem:s6], [sflag:s4] =	dma.local [hbm:s3], $0xF7A  }
0x26: {  	[smem:$0x3F96] =	sst s1;
	(tag) =	ssettag s2;
	_ =	strace s9  }
0x27: {  	s1 =	sld [smem:$0x3FA6]  }
0x28: {  	s2 =	sld [smem:$0x3FA7]  }
0x29: {  	s4 =	sld [smem:$0x3FA9]  }
0x2a: {  	p0 =	seq.s32 s5, $0x0;
	s5 =	sld [smem:$0x3FAA]  }
0x2b: {  	s6 =	sld [smem:$0x3FAB]  }
0x2c: {  	s7 =	sld [smem:$0x3FAC]  }
0x2d: {  	s3 =	simm.s32 $0x108;
	s8 =	sld [smem:$0x3FAD]  }
0x2e: {  	s3 =	simm.s32 @!p0 $0x1082;
	s9 =	sld [smem:$0x3FAE]  }
0x2f: {  	lr =	sadd.s32 s0, s3;
	s0 =	sld [smem:$0x3FA5]  }
0x30: {  	s3 =	sld [smem:$0x3FA8]  }
0x31: {  	[smem:$0x3FB1] =	sst s10  }
0x32: {  	s10 =	sld [smem:$0x3FAF];
	_ =	sdelay $0x3  }
0x33: {  	p0 =	seq.s32 s10, $0x1;
	s10 =	sld [smem:$0x3FB1];
	_ =	sdelay $0x3  }
0x34: {  	[smem:$0x3FB1] =	sst s10  }
0x35: {  	s10 =	sld [smem:$0x3FB0];
	_ =	sdelay $0x3  }
0x36: {  	p1 =	seq.s32 s10, $0x1;
	s10 =	sld [smem:$0x3FB1];
	_ =	sdelay $0x3  }
0x37: {  	[smem:$0x3FB1] =	sst s10  }
0x38: {  	s10 =	sld [smem:$0x3FB2]  }
0x39: {  	_ = 	snop;
	(pc) =	sbr.ind lr, $3  }
0x3a: {  	_ = 	snop  }
0x3b: {  	_ = 	snop  }
0x3c: {  	p2 =	seq.s32 s10, $0x1;
	s10 =	sld [smem:$0x3FB1]  }
0x3d: {  	_ =	shalt  }
0x3e: {  	_ =	shalt  }
0x3f: {  	_ =	shalt  }
0x40: {  	_ =	shalt  }
0x41: {  	_ =	shalt  }
0x42: {  	_ =	shalt  }
0x43: {  	_ =	shalt  }
0x44: {  	_ =	shalt  }
0x45: {  	_ =	shalt  }
0x46: {  	_ =	shalt  }
0x47: {  	_ =	shalt  }
0x48: {  	_ =	shalt  }
0x49: {  	_ =	shalt  }
0x4a: {  	_ =	shalt  }
0x4b: {  	_ =	shalt  }
0x4c: {  	_ =	shalt  }
0x4d: {  	_ =	shalt  }
0x4e: {  	_ =	shalt  }
0x4f: {  	_ =	shalt  }
0x50: {  	_ =	shalt  }
0x51: {  	_ =	shalt  }
0x52: {  	_ =	shalt  }
0x53: {  	_ =	shalt  }
0x54: {  	_ =	shalt  }
0x55: {  	_ =	shalt  }
0x56: {  	_ =	shalt  }
0x57: {  	_ =	shalt  }
0x58: {  	_ =	shalt  }
0x59: {  	_ =	shalt  }
0x5a: {  	_ =	shalt  }
0x5b: {  	_ =	shalt  }
0x5c: {  	_ =	shalt  }
0x5d: {  	_ =	shalt  }
0x5e: {  	_ =	shalt  }
0x5f: {  	_ =	shalt  }
0x60: {  	_ =	shalt  }
0x61: {  	_ =	shalt  }
0x62: {  	_ =	shalt  }
0x63: {  	_ =	shalt  }
0x64: {  	_ =	shalt  }
0x65: {  	_ =	shalt  }
0x66: {  	_ =	shalt  }
0x67: {  	_ =	shalt  }
0x68: {  	_ =	shalt  }
0x69: {  	_ =	shalt  }
0x6a: {  	_ =	shalt  }
0x6b: {  	_ =	shalt  }
0x6c: {  	_ =	shalt  }
0x6d: {  	_ =	shalt  }
0x6e: {  	_ =	shalt  }
0x6f: {  	_ =	shalt  }
0x70: {  	_ =	shalt  }
0x71: {  	_ =	shalt  }
0x72: {  	_ =	shalt  }
0x73: {  	_ =	shalt  }
0x74: {  	_ =	shalt  }
0x75: {  	_ =	shalt  }
0x76: {  	_ =	shalt  }
0x77: {  	_ =	shalt  }
0x78: {  	_ =	shalt  }
0x79: {  	_ =	shalt  }
0x7a: {  	_ =	shalt  }
0x7b: {  	_ =	shalt  }
0x7c: {  	_ =	shalt  }
0x7d: {  	_ =	shalt  }
0x7e: {  	_ =	shalt  }
0x7f: {  	_ =	shalt  }
0x80: {  	_ =	shalt  }
0x81: {  	_ =	shalt  }
0x82: {  	_ =	shalt  }
0x83: {  	_ =	shalt  }
0x84: {  	_ =	shalt  }
0x85: {  	_ =	shalt  }
0x86: {  	_ =	shalt  }
0x87: {  	_ =	shalt  }
.Lfunc_end0:
.L_simem_size_0:
called_computation.2_lowered:
.L_overlay_start_0:
0x88: {  	s2 =	sld [smem:$0x3FD9]  }
0x89: {  	s3 =	sld [smem:$0x3FFE];
	_ =	sdelay $0x1  }
0x8a: {  	s1 =	srdreg.scid  }
0x8b: {  	s0 =	sand.u32 $0x1, s1  }
0x8c: {  	s16 =	sshll.u32 s0, $0xA;
	s2 =	sadd.s32 s3, s2  }
0x8d: {  	s2 =	sadd.s32 s2, s16  }
0x8e: {  	[smem:$0x3FBD] =	sst s2  }
0x8f: {  	_ = 	snop  }
0x90: {  	(tm) =	ssettm $0x1  }
0x91: {  	s17 =	sld [smem:$0x3FFB];
	_ =	sdelay $0x3  }
0x92: {  	_ =	strace s17  }
0x93: {  	s2 =	sld [smem:$0x3FFC];
	_ =	sdelay $0x3  }
0x94: {  	_ =	strace s2  }
0x95: {  	s2 =	sld [smem:$0x3FFD];
	_ =	sdelay $0x3  }
0x96: {  	_ =	strace s2  }
0x97: {  	_ =	strace $0x8FFFFFFF  }
0x98: {  	s18 =	sld [smem:$0x3FDB];
	_ =	sdelay $0x1  }
0x99: {  	s19 =	simm.s32 $_scs_section_size  }
0x9a: {  	s4 =	simm.s32 $_size__tile_overlayer_lowered;
	s5 =	simm.s32 $_tile_overlayer_lowered  }
0x9b: {  	s22 =	simm.s32 $0x1BFF;
	s21 =	sshll.u32 s5, $0x1;
	s2 =	sadd.s32 s19, s18  }
0x9c: {  	s6 =	simm.s32 $0x0;
	s20 =	sshll.u32 s4, $0x1;
	s4 =	sadd.s32 s21, s2  }
0x9d: {  	[timem:s6], [sflag:s22] =	dma.local [hbm:s4], s20  }
0x9e: {  	_ =	swait.ge [sflag:s22], s20  }
0x9f: {  	s3 =	ssub.s32 $0x0, s20;
	[sflag:s22] =	ssyncset.done $0x0  }
0xa0: {  	[sflag:s22] =	ssyncadd.s32 s3;
	_ =	sdelay $0x1  }
0xa1: {  	s23 =	simm.s32 $0x1B8B  }
0xa2: {  	_ =	swait.ge [sflag:s23], $0x1  }
0xa3: {  	[sflag:s23] =	ssyncset.done $0x0  }
0xa4: {  	s25 =	simm.s32 $0x1B8E;
	s24 =	sld [smem:$0x3FFE];
	[sflag:s23] =	ssyncadd.s32 $0xFFFFFFFF  }
0xa5: {  	s26 =	simm.s32 $execute0_lowered;
	[smem:$0x3FD2] =	sst s25  }
0xa6: {  	s4 =	sshll.u32 s26, $0x1;
	_ =	strace $0x8000004C;
	[dreg:$0x1] =	wrdreg $0xFFFFFFFF  }
0xa7: {  	s28 =	simm.s32 $_size_execute0_lowered;
	s2 =	sadd.s32 s2, s4;
	[dreg:$0x0] =	wrdreg $0x0  }
0xa8: {  	s4 =	sshll.u32 s28, $0x1;
	[dreg:$0x2] =	wrdreg s2  }
0xa9: {  	[dreg:$0x3] =	wrdreg s4  }
0xaa: {  	[dreg:$0x4] =	wrdreg $0xC0  }
0xab: {  	_ =	task [dreg:s6], $0x5FFFF  }
0xac: {  	[dreg:$0x1] =	wrdreg $0xFFFFFFFF  }
0xad: {  	[dreg:$0x0] =	wrdreg $0x60  }
0xae: {  	[dreg:$0x2] =	wrdreg s24  }
0xaf: {  	[dreg:$0x3] =	wrdreg $0x9  }
0xb0: {  	_ =	task.clear_ibuf [dreg:s6], $0x4FFFF;
	_ =	strace $0x9000004C  }
0xb1: {  	s29 =	simm.s32 $0x9;
	_ =	strace $0x8000004E  }
0xb2: {  	_ =	swait.ge [sflag:s29], $0x1  }
0xb3: {  	[sflag:s29] =	ssyncadd.s32 $0xFFFFFFFF  }
0xb4: {  	_ =	strace $0x9000004E  }
0xb5: {  	_ =	sfence  }
0xb6: {  	s30 =	sld [smem:$0x0];
	_ =	sdelay $0x2  }
0xb7: {  	s31 =	sshll.u32 s1, $0xD;
	s1 =	sshrl.u32 s1, $0x2  }
0xb8: {  	s3 =	sand.u32 $0x4000, s31;
	s1 =	sadd.s32 s1, s30  }
0xb9: {  	s0 =	sor.u32 s3, s0;
	s1 =	sshll.u32 s1, $0x11  }
0xba: {  	s0 =	sor.u32 s1, s0  }
0xbb: {  	s0 =	sadd.s32 $0x8F2B, s0  }
0xbc: {  	[sflag:s0] =	ssyncadd.remote.s32 $0x1  }
0xbd: {  	_ =	sfence.sel $0xFFFF  }
0xbe: {  	[dreg:$0x0] =	wrdreg $0xFFFFFFFF;
	(pc) =	sbr.abs _section_cstart, $3  }
0xbf: {  	[dreg:$0x1] =	wrdreg $0xFFFFFFFF  }
0xc0: {  	_ =	task.clear_ibuf [dreg:s6], $0x2FFFF;
	_ =	strace $0x9FFFFFFF  }
0xc1: {  	(tm) =	ssettm $0x7FFFFFFF  }
tec
execute0_lowered:
.L_overlay_start_1:
0x0: {  	(tag) =	ssettag $0x1  }
0x1: {  	s0 =	srdreg.scid;
	s4 =	rddreg [dreg:$0x0];
	s2 =	simm.s32 $0x0  }
0x2: {  	s10 =	simm.s32 $0x5000;
	s11 =	simm.s32 $0xEE00;
	s3 =	sand.u32 $0x1, s0  }
0x3: {  	s12 =	simm.s32 $0x0;
	s0 =	stileid.u32;
	s1 =	sshll.u32 s3, $0x4  }
0x4: {  	[smem:$0x7FF] =	sst s2;
	s7 =	ssub.s32 $0x2, s3;
	s5 =	sor.u32 s0, s1  }
0x5: {  	s3 =	sadd.s32 $0xC600, s4;
	s1 =	rddreg [dreg:$0x1];
	s6 =	smul.u32 $0x500, s5  }
0x6: {  	_ =	strace $0x8000004D;
	s8 =	sshrl.u32 s7, $0x1;
	s5 =	smul.u32 $0x13C0, s5  }
0x7: {  	s7 =	ssub.s32 s7, s8;
	s8 =	simm.s32 $0x1;
	s6 =	sadd.s32 s6, s4  }
0x8: {  	s7 =	smax.u32 s7, $0x1;
	s9 =	sadd.s32 s5, s4;
	s4 =	sadd.s32 $0x33E00, s6  }
0x9: {  	v0 =	vimm.f32 $0.0e+00;
	s5 =	sadd.s32 $0x2600, s6;
	s6 =	sadd.s32 $0x3DE00, s9;
	s9 =	simm.s32 $0x2800  }
.LBB2_1:
0xa: {  	s13 =	simm.s32 $0x40;
	s14 =	simm.s32 $0x0  }
.LBB2_2:
0xb: {  	p0 =	sne.s32 s13, $0x277C0;
	[tilespmem:s14+$0xEE00] =	vst v0;
	s14 =	smov.u32 s13;
	s13 =	sadd.s32 $0x40, s13  }
.Ltmp0:
0xc: {  	(pc) =	sbr.rel @p0 .LBB2_2-.Ltmp0, $2  }
0xd: {  	_ =	sdelay $0x2  }
0xe: {  	s14 =	sshra.s32 s14, $0x2  }
0xf: {  	[tilespmem:s14+$0xEE00] =	vst v0;
	s13 =	simm.s32 $0x0  }
0x10: {  	[tilespmem:s13], [sflag:$0x1] =	stream.linear.gather [hbm4b:s4+s13], $0x2800, $0x38;
	[tilespmem:$0x18C00] =	vst v63  }
0x11: {  	_ =	swait.ge [sflag:s8], $0x2800  }
0x12: {  	[sflag:s8] =	ssyncset.done $0x0  }
0x13: {  	[sflag:s8] =	ssyncadd.s32 $0xFFFFD800  }
0x14: {  	[tilespmem:s9], [sflag:$0x1] =	stream.linear.gather [hbm4b:s5+s13], $0x2800, $0x38;
	[tilespmem:$0x18C00] =	vst v63  }
0x15: {  	_ =	swait.ge [sflag:s8], $0x2800  }
0x16: {  	[sflag:s8] =	ssyncset.done $0x0  }
0x17: {  	[sflag:s8] =	ssyncadd.s32 $0xFFFFD800  }
0x18: {  	[tilespmem:s10], [sflag:$0x1] =	stream.linear.gather [hbm4b:s3+s13], $0x9E00, $0x38;
	[tilespmem:$0x18C00] =	vst v63  }
0x19: {  	_ =	swait.ge [sflag:s8], $0x9E00  }
0x1a: {  	[sflag:s8] =	ssyncset.done $0x0  }
0x1b: {  	[sflag:s8] =	ssyncadd.s32 $0xFFFF6200  }
.LBB2_4:
0x1c: {  	s14 =	sshra.s32 s13, $0x2  }
0x1d: {  	v1 =	vld [tilespmem:s14+$0x0];
	_ =	sdelay $0x4  }
0x1e: {  	v2 =	vld [tilespmem:s14+$0x2800];
	v1 =	vshll.u32 v1, $0x2;
	_ =	sdelay $0x4  }
0x1f: {  	v2 =	vshll.u32 v2, $0x2;
	v3 =	vld.idx.msk [tilespmem:v1+s10+$0x0], $0xffff  }
0x20: {  	v4 =	vor.u32 $0x1, v1;
	_ =	sdelay $0x3  }
0x21: {  	[tilespmem:v2+s11+$0x0] =	vst.idx.add.f32.msk $0xffff, v3  }
0x22: {  	v34 =	vor.u32 $0x1, v2;
	v3 =	vld.idx.msk [tilespmem:v4+s10+$0x0], $0xffff  }
0x23: {  	v5 =	vor.u32 $0x2, v1;
	_ =	sdelay $0x3  }
0x24: {  	[tilespmem:v34+s11+$0x0] =	vst.idx.add.f32.msk $0xffff, v3  }
0x25: {  	v35 =	vor.u32 $0x2, v2;
	v3 =	vld.idx.msk [tilespmem:v5+s10+$0x0], $0xffff  }
0x26: {  	v1 =	vor.u32 $0x3, v1;
	_ =	sdelay $0x3  }
0x27: {  	[tilespmem:v35+s11+$0x0] =	vst.idx.add.f32.msk $0xffff, v3  }
0x28: {  	v2 =	vor.u32 $0x3, v2;
	v1 =	vld.idx.msk [tilespmem:v1+s10+$0x0], $0xffff;
	_ =	sdelay $0x4  }
0x29: {  	[tilespmem:v2+s11+$0x0] =	vst.idx.add.f32.msk $0xffff, v1  }
0x2a: {  	v1 =	vld [tilespmem:s14+$0x10];
	_ =	sdelay $0x4  }
0x2b: {  	v2 =	vld [tilespmem:s14+$0x2810];
	v1 =	vshll.u32 v1, $0x2;
	_ =	sdelay $0x4  }
0x2c: {  	v2 =	vshll.u32 v2, $0x2;
	v3 =	vld.idx.msk [tilespmem:v1+s10+$0x0], $0xffff  }
0x2d: {  	v36 =	vor.u32 $0x1, v1;
	_ =	sdelay $0x3  }
0x2e: {  	[tilespmem:v2+s11+$0x0] =	vst.idx.add.f32.msk $0xffff, v3  }
0x2f: {  	v37 =	vor.u32 $0x1, v2;
	v3 =	vld.idx.msk [tilespmem:v36+s10+$0x0], $0xffff  }
0x30: {  	v38 =	vor.u32 $0x2, v1;
	_ =	sdelay $0x3  }
0x31: {  	[tilespmem:v37+s11+$0x0] =	vst.idx.add.f32.msk $0xffff, v3  }
0x32: {  	v39 =	vor.u32 $0x2, v2;
	v3 =	vld.idx.msk [tilespmem:v38+s10+$0x0], $0xffff  }
0x33: {  	v1 =	vor.u32 $0x3, v1;
	_ =	sdelay $0x3  }
0x34: {  	[tilespmem:v39+s11+$0x0] =	vst.idx.add.f32.msk $0xffff, v3  }
0x35: {  	v2 =	vor.u32 $0x3, v2;
	v1 =	vld.idx.msk [tilespmem:v1+s10+$0x0], $0xffff;
	_ =	sdelay $0x4  }
0x36: {  	[tilespmem:v2+s11+$0x0] =	vst.idx.add.f32.msk $0xffff, v1  }
0x37: {  	v1 =	vld [tilespmem:s14+$0x20];
	_ =	sdelay $0x4  }
0x38: {  	v2 =	vld [tilespmem:s14+$0x2820];
	v1 =	vshll.u32 v1, $0x2;
	_ =	sdelay $0x4  }
0x39: {  	v2 =	vshll.u32 v2, $0x2;
	v3 =	vld.idx.msk [tilespmem:v1+s10+$0x0], $0xffff  }
0x3a: {  	v40 =	vor.u32 $0x1, v1;
	_ =	sdelay $0x3  }
0x3b: {  	[tilespmem:v2+s11+$0x0] =	vst.idx.add.f32.msk $0xffff, v3  }
0x3c: {  	v41 =	vor.u32 $0x1, v2;
	v3 =	vld.idx.msk [tilespmem:v40+s10+$0x0], $0xffff  }
0x3d: {  	v42 =	vor.u32 $0x2, v1;
	_ =	sdelay $0x3  }
0x3e: {  	[tilespmem:v41+s11+$0x0] =	vst.idx.add.f32.msk $0xffff, v3  }
0x3f: {  	v43 =	vor.u32 $0x2, v2;
	v3 =	vld.idx.msk [tilespmem:v42+s10+$0x0], $0xffff  }
0x40: {  	v1 =	vor.u32 $0x3, v1;
	_ =	sdelay $0x3  }
0x41: {  	[tilespmem:v43+s11+$0x0] =	vst.idx.add.f32.msk $0xffff, v3  }
0x42: {  	v2 =	vor.u32 $0x3, v2;
	v1 =	vld.idx.msk [tilespmem:v1+s10+$0x0], $0xffff;
	_ =	sdelay $0x4  }
0x43: {  	[tilespmem:v2+s11+$0x0] =	vst.idx.add.f32.msk $0xffff, v1  }
0x44: {  	v1 =	vld [tilespmem:s14+$0x30];
	_ =	sdelay $0x4  }
0x45: {  	v2 =	vld [tilespmem:s14+$0x2830];
	v1 =	vshll.u32 v1, $0x2;
	_ =	sdelay $0x4  }
0x46: {  	v2 =	vshll.u32 v2, $0x2;
	v3 =	vld.idx.msk [tilespmem:v1+s10+$0x0], $0xffff  }
0x47: {  	v44 =	vor.u32 $0x1, v1;
	_ =	sdelay $0x3  }
0x48: {  	[tilespmem:v2+s11+$0x0] =	vst.idx.add.f32.msk $0xffff, v3  }
0x49: {  	v45 =	vor.u32 $0x1, v2;
	v3 =	vld.idx.msk [tilespmem:v44+s10+$0x0], $0xffff  }
0x4a: {  	v46 =	vor.u32 $0x2, v1;
	_ =	sdelay $0x3  }
0x4b: {  	[tilespmem:v45+s11+$0x0] =	vst.idx.add.f32.msk $0xffff, v3  }
0x4c: {  	v47 =	vor.u32 $0x2, v2;
	v3 =	vld.idx.msk [tilespmem:v46+s10+$0x0], $0xffff  }
0x4d: {  	v1 =	vor.u32 $0x3, v1;
	_ =	sdelay $0x3  }
0x4e: {  	[tilespmem:v47+s11+$0x0] =	vst.idx.add.f32.msk $0xffff, v3  }
0x4f: {  	v2 =	vor.u32 $0x3, v2;
	v1 =	vld.idx.msk [tilespmem:v1+s10+$0x0], $0xffff;
	_ =	sdelay $0x4  }
0x50: {  	[tilespmem:v2+s11+$0x0] =	vst.idx.add.f32.msk $0xffff, v1  }
0x51: {  	v1 =	vld [tilespmem:s14+$0x40];
	_ =	sdelay $0x4  }
0x52: {  	v2 =	vld [tilespmem:s14+$0x2840];
	v1 =	vshll.u32 v1, $0x2;
	_ =	sdelay $0x4  }
0x53: {  	v2 =	vshll.u32 v2, $0x2;
	v3 =	vld.idx.msk [tilespmem:v1+s10+$0x0], $0xffff  }
0x54: {  	v48 =	vor.u32 $0x1, v1;
	_ =	sdelay $0x3  }
0x55: {  	[tilespmem:v2+s11+$0x0] =	vst.idx.add.f32.msk $0xffff, v3  }
0x56: {  	v49 =	vor.u32 $0x1, v2;
	v3 =	vld.idx.msk [tilespmem:v48+s10+$0x0], $0xffff  }
0x57: {  	v50 =	vor.u32 $0x2, v1;
	_ =	sdelay $0x3  }
0x58: {  	[tilespmem:v49+s11+$0x0] =	vst.idx.add.f32.msk $0xffff, v3  }
0x59: {  	v51 =	vor.u32 $0x2, v2;
	v3 =	vld.idx.msk [tilespmem:v50+s10+$0x0], $0xffff  }
0x5a: {  	v1 =	vor.u32 $0x3, v1;
	_ =	sdelay $0x3  }
0x5b: {  	[tilespmem:v51+s11+$0x0] =	vst.idx.add.f32.msk $0xffff, v3  }
0x5c: {  	v2 =	vor.u32 $0x3, v2;
	v1 =	vld.idx.msk [tilespmem:v1+s10+$0x0], $0xffff;
	_ =	sdelay $0x4  }
0x5d: {  	[tilespmem:v2+s11+$0x0] =	vst.idx.add.f32.msk $0xffff, v1  }
0x5e: {  	v1 =	vld [tilespmem:s14+$0x50];
	_ =	sdelay $0x4  }
0x5f: {  	v2 =	vld [tilespmem:s14+$0x2850];
	v1 =	vshll.u32 v1, $0x2;
	_ =	sdelay $0x4  }
0x60: {  	v2 =	vshll.u32 v2, $0x2;
	v3 =	vld.idx.msk [tilespmem:v1+s10+$0x0], $0xffff  }
0x61: {  	v52 =	vor.u32 $0x1, v1;
	_ =	sdelay $0x3  }
0x62: {  	[tilespmem:v2+s11+$0x0] =	vst.idx.add.f32.msk $0xffff, v3  }
0x63: {  	v53 =	vor.u32 $0x1, v2;
	v3 =	vld.idx.msk [tilespmem:v52+s10+$0x0], $0xffff  }
0x64: {  	v54 =	vor.u32 $0x2, v1;
	_ =	sdelay $0x3  }
0x65: {  	[tilespmem:v53+s11+$0x0] =	vst.idx.add.f32.msk $0xffff, v3  }
0x66: {  	v55 =	vor.u32 $0x2, v2;
	v3 =	vld.idx.msk [tilespmem:v54+s10+$0x0], $0xffff  }
0x67: {  	v1 =	vor.u32 $0x3, v1;
	_ =	sdelay $0x3  }
0x68: {  	[tilespmem:v55+s11+$0x0] =	vst.idx.add.f32.msk $0xffff, v3  }
0x69: {  	v2 =	vor.u32 $0x3, v2;
	v1 =	vld.idx.msk [tilespmem:v1+s10+$0x0], $0xffff;
	_ =	sdelay $0x4  }
0x6a: {  	[tilespmem:v2+s11+$0x0] =	vst.idx.add.f32.msk $0xffff, v1  }
0x6b: {  	v1 =	vld [tilespmem:s14+$0x60];
	_ =	sdelay $0x4  }
0x6c: {  	v2 =	vld [tilespmem:s14+$0x2860];
	v1 =	vshll.u32 v1, $0x2;
	_ =	sdelay $0x4  }
0x6d: {  	v2 =	vshll.u32 v2, $0x2;
	v3 =	vld.idx.msk [tilespmem:v1+s10+$0x0], $0xffff  }
0x6e: {  	v56 =	vor.u32 $0x1, v1;
	_ =	sdelay $0x3  }
0x6f: {  	[tilespmem:v2+s11+$0x0] =	vst.idx.add.f32.msk $0xffff, v3  }
0x70: {  	v57 =	vor.u32 $0x1, v2;
	v3 =	vld.idx.msk [tilespmem:v56+s10+$0x0], $0xffff  }
0x71: {  	v58 =	vor.u32 $0x2, v1;
	_ =	sdelay $0x3  }
0x72: {  	[tilespmem:v57+s11+$0x0] =	vst.idx.add.f32.msk $0xffff, v3  }
0x73: {  	v59 =	vor.u32 $0x2, v2;
	v3 =	vld.idx.msk [tilespmem:v58+s10+$0x0], $0xffff  }
0x74: {  	v1 =	vor.u32 $0x3, v1;
	_ =	sdelay $0x3  }
0x75: {  	[tilespmem:v59+s11+$0x0] =	vst.idx.add.f32.msk $0xffff, v3  }
0x76: {  	v2 =	vor.u32 $0x3, v2;
	v1 =	vld.idx.msk [tilespmem:v1+s10+$0x0], $0xffff;
	_ =	sdelay $0x4  }
0x77: {  	[tilespmem:v2+s11+$0x0] =	vst.idx.add.f32.msk $0xffff, v1  }
0x78: {  	v1 =	vld [tilespmem:s14+$0x70];
	_ =	sdelay $0x4  }
0x79: {  	v2 =	vld [tilespmem:s14+$0x2870];
	v1 =	vshll.u32 v1, $0x2;
	_ =	sdelay $0x4  }
0x7a: {  	v2 =	vshll.u32 v2, $0x2;
	v3 =	vld.idx.msk [tilespmem:v1+s10+$0x0], $0xffff  }
0x7b: {  	v60 =	vor.u32 $0x1, v1;
	_ =	sdelay $0x3  }
0x7c: {  	[tilespmem:v2+s11+$0x0] =	vst.idx.add.f32.msk $0xffff, v3  }
0x7d: {  	v61 =	vor.u32 $0x1, v2;
	v3 =	vld.idx.msk [tilespmem:v60+s10+$0x0], $0xffff  }
0x7e: {  	v62 =	vor.u32 $0x2, v1;
	_ =	sdelay $0x3  }
0x7f: {  	[tilespmem:v61+s11+$0x0] =	vst.idx.add.f32.msk $0xffff, v3  }
0x80: {  	v63 =	vor.u32 $0x2, v2;
	v3 =	vld.idx.msk [tilespmem:v62+s10+$0x0], $0xffff  }
0x81: {  	v1 =	vor.u32 $0x3, v1;
	_ =	sdelay $0x3  }
0x82: {  	[tilespmem:v63+s11+$0x0] =	vst.idx.add.f32.msk $0xffff, v3  }
0x83: {  	p0 =	sne.s32 s13, $0x9E00;
	v2 =	vor.u32 $0x3, v2;
	v1 =	vld.idx.msk [tilespmem:v1+s10+$0x0], $0xffff  }
.Ltmp1:
0x84: {  	_ = 	snop;
	(pc) =	sbr.rel @p0 .LBB2_4-.Ltmp1, $2  }
0x85: {  	_ =	sdelay $0x2  }
0x86: {  	s13 =	sadd.s32 $0x200, s13;
	[tilespmem:v2+s11+$0x0] =	vst.idx.add.f32.msk $0xffff, v1  }
0x87: {  	s12 =	sadd.s32 $0x1, s12  }
0x88: {  	p0 =	sne.s32 s12, s7  }
.Ltmp2:
0x89: {  	_ = 	snop;
	(pc) =	sbr.rel @p0 .LBB2_1-.Ltmp2, $4  }
0x8a: {  	[hbm4b:s6+s2] =	stream.linear.scatter [tilespmem:s11], [sflag:$0x1], $0x9E00, $0x38;
	[tilespmem:$0x18C00] =	vst v63  }
0x8b: {  	_ =	swait.ge [sflag:s8], $0x9E00  }
0x8c: {  	[sflag:s8] =	ssyncset.done $0x0  }
0x8d: {  	[sflag:s8] =	ssyncadd.s32 $0xFFFF6200  }
0x8e: {  	_ =	sfence.sel $0x180000  }
0x8f: {  	[bflag:$0x0] =	sbarrier.arrive $0xFFFF  }
0x90: {  	p0 =	sne.s32 s0, $0x0;
	_ =	strace $0x9000004D  }
0x91: {  	s0 =	sadd.s32 @!p0 $0x100000, s1;
	[bflag:$0x2] =	sbarrier.arrive $0xFFFF  }
0x92: {  	[sflag:s0] =	ssyncadd.tile.s32 @!p0 $0x1;
	_ =	shalt  }
.Lfunc_end2:
_tile_overlayer_lowered:
.L_overlay_start_2:
0x93: {  	(tag) =	ssettag $0x2  }
0x94: {  	s0 =	rddreg [dreg:$0x0];
	s2 =	stileid.u32  }
0x95: {  	s1 =	rddreg [dreg:$0x1];
	p0 =	sne.s32 s2, $0x0  }
0x96: {  	s3 =	rddreg [dreg:$0x2];
	[bflag:$0x3] =	sbarrier.arrive $0xFFFF;
	s2 =	simm.s32 @!p0 $0x1C01  }
0x97: {  	[timem:s3], [sflag:s2] =	dma.local @!p0 [hbm:s0], s1  }
0x98: {  	s0 =	simm.s32 @!p0 $0x1  }
0x99: {  	_ =	swait.ge @!p0 [sflag:s0], s1  }
0x9a: {  	s1 =	ssub.s32 @!p0 $0x0, s1;
	[sflag:s0] =	ssyncset.done @!p0 $0x0  }
0x9b: {  	[sflag:s0] =	ssyncadd.s32 @!p0 s1  }
0x9c: {  	[bflag:$0x3] =	sbarrier.arrive $0xFFFF  }
0x9d: {  	_ =	shalt  }

// kernel: kernel.20.cloned.1.call-start
scs
__scs_entry_jumppad:
0x0: {  	(pc) =	sbr.rel $0x88, $3  }
0x1: {  	(tag) =	ssettag $0x0;
	lr =	simm.s32 $0x1  }
0x2: {  	[smem:$0x3F96] =	sst lr;
	_ =	strace $0xD0000000  }
0x3: {  	_ = 	snop  }
0x4: {  	_ = 	snop  }
0x5: {  	_ = 	snop  }
0x6: {  	_ = 	snop  }
0x7: {  	_ = 	snop  }
__scs_overlays_trampoline_lowered:
0x8: {  	[smem:$0x3FA5] =	sst s0  }
0x9: {  	[smem:$0x3FA6] =	sst s1  }
0xa: {  	[smem:$0x3FA7] =	sst s2  }
0xb: {  	[smem:$0x3FA8] =	sst s3  }
0xc: {  	[smem:$0x3FA9] =	sst s4  }
0xd: {  	[smem:$0x3FAA] =	sst s5  }
0xe: {  	[smem:$0x3FAB] =	sst s6  }
0xf: {  	[smem:$0x3FAC] =	sst s7  }
0x10: {  	[smem:$0x3FAD] =	sst s8  }
0x11: {  	[smem:$0x3FAE] =	sst s9;
	s0 =	simm.s32 @!p0 $0x0  }
0x12: {  	s1 =	sld [smem:$0x3F94];
	s0 =	simm.s32 @p0 $0x1  }
0x13: {  	[smem:$0x3FAF] =	sst s0;
	s0 =	simm.s32 @!p1 $0x0  }
0x14: {  	s2 =	sld [smem:$0x3F93];
	s0 =	simm.s32 @p1 $0x1  }
0x15: {  	[smem:$0x3FB0] =	sst s0;
	s0 =	simm.s32 @!p2 $0x0  }
0x16: {  	s3 =	sld [smem:$0x3FDB];
	s0 =	simm.s32 @p2 $0x1  }
0x17: {  	s4 =	simm.s32 $0x1BF5;
	[smem:$0x3FB2] =	sst s0  }
0x18: {  	s0 =	sld [smem:$0x3F95];
	_ =	swait.ge [sflag:s4], $0x0  }
0x19: {  	s7 =	sld [smem:$0x3F96]  }
0x1a: {  	s8 =	sadd.s32 $0xFFFFE003, lr  }
0x1b: {  	s9 =	sadd.s32 $0xFFFFFEF7, lr;
	s5 =	simm.s32 $0xFFFFFFFF;
	p2 =	slt.u32 s8, $0xFFFFF086  }
0x1c: {  	p1 =	slt.u32 s9, $0xF7A;
	s5 =	simm.s32 @!p2 $0x0  }
0x1d: {  	s5 =	simm.s32 @p1 $0x1;
	p0 =	seq.s32 s7, s2  }
0x1e: {  	s7 =	smul.u32 @!p0 $0xF7A, s2;
	p2 =	seq.s32 @!p0 s5, $0x0  }
0x1f: {  	s9 =	smul.u32 $0xF7A, s1;
	s8 =	simm.s32 @!p0 $0x1BF5;
	p2 =	por !p2, p0  }
0x20: {  	[sflag:s8] =	ssyncset.s32 @!p0 $0xFFFFF086;
	s6 =	sadd.s32 @!p0 s3, s7;
	s7 =	simm.s32 @!p0 $0x108  }
0x21: {  	s3 =	sadd.s32 s3, s9;
	s6 =	sadd.s32 @!p0 $0x88, s6;
	s7 =	simm.s32 @p2 $0x1082  }
0x22: {  	[simem:s7], [sflag:s8] =	dma.local @!p0 [hbm:s6], $0xF7A  }
0x23: {  	s9 =	sor.u32 $0xD0000000, s2;
	s6 =	simm.s32 $0x108;
	_ =	swait.ge @!p0 [sflag:s8], $0x0  }
0x24: {  	s3 =	sadd.s32 $0x88, s3;
	s6 =	simm.s32 @!p1 $0x1082;
	[sflag:s4] =	ssyncset.s32 $0xFFFFF086  }
0x25: {  	[simem:s6], [sflag:s4] =	dma.local [hbm:s3], $0xF7A  }
0x26: {  	[smem:$0x3F96] =	sst s1;
	(tag) =	ssettag s2;
	_ =	strace s9  }
0x27: {  	s1 =	sld [smem:$0x3FA6]  }
0x28: {  	s2 =	sld [smem:$0x3FA7]  }
0x29: {  	s4 =	sld [smem:$0x3FA9]  }
0x2a: {  	p0 =	seq.s32 s5, $0x0;
	s5 =	sld [smem:$0x3FAA]  }
0x2b: {  	s6 =	sld [smem:$0x3FAB]  }
0x2c: {  	s7 =	sld [smem:$0x3FAC]  }
0x2d: {  	s3 =	simm.s32 $0x108;
	s8 =	sld [smem:$0x3FAD]  }
0x2e: {  	s3 =	simm.s32 @!p0 $0x1082;
	s9 =	sld [smem:$0x3FAE]  }
0x2f: {  	lr =	sadd.s32 s0, s3;
	s0 =	sld [smem:$0x3FA5]  }
0x30: {  	s3 =	sld [smem:$0x3FA8]  }
0x31: {  	[smem:$0x3FB1] =	sst s10  }
0x32: {  	s10 =	sld [smem:$0x3FAF];
	_ =	sdelay $0x3  }
0x33: {  	p0 =	seq.s32 s10, $0x1;
	s10 =	sld [smem:$0x3FB1];
	_ =	sdelay $0x3  }
0x34: {  	[smem:$0x3FB1] =	sst s10  }
0x35: {  	s10 =	sld [smem:$0x3FB0];
	_ =	sdelay $0x3  }
0x36: {  	p1 =	seq.s32 s10, $0x1;
	s10 =	sld [smem:$0x3FB1];
	_ =	sdelay $0x3  }
0x37: {  	[smem:$0x3FB1] =	sst s10  }
0x38: {  	s10 =	sld [smem:$0x3FB2]  }
0x39: {  	_ = 	snop;
	(pc) =	sbr.ind lr, $3  }
0x3a: {  	_ = 	snop  }
0x3b: {  	_ = 	snop  }
0x3c: {  	p2 =	seq.s32 s10, $0x1;
	s10 =	sld [smem:$0x3FB1]  }
0x3d: {  	_ =	shalt  }
0x3e: {  	_ =	shalt  }
0x3f: {  	_ =	shalt  }
0x40: {  	_ =	shalt  }
0x41: {  	_ =	shalt  }
0x42: {  	_ =	shalt  }
0x43: {  	_ =	shalt  }
0x44: {  	_ =	shalt  }
0x45: {  	_ =	shalt  }
0x46: {  	_ =	shalt  }
0x47: {  	_ =	shalt  }
0x48: {  	_ =	shalt  }
0x49: {  	_ =	shalt  }
0x4a: {  	_ =	shalt  }
0x4b: {  	_ =	shalt  }
0x4c: {  	_ =	shalt  }
0x4d: {  	_ =	shalt  }
0x4e: {  	_ =	shalt  }
0x4f: {  	_ =	shalt  }
0x50: {  	_ =	shalt  }
0x51: {  	_ =	shalt  }
0x52: {  	_ =	shalt  }
0x53: {  	_ =	shalt  }
0x54: {  	_ =	shalt  }
0x55: {  	_ =	shalt  }
0x56: {  	_ =	shalt  }
0x57: {  	_ =	shalt  }
0x58: {  	_ =	shalt  }
0x59: {  	_ =	shalt  }
0x5a: {  	_ =	shalt  }
0x5b: {  	_ =	shalt  }
0x5c: {  	_ =	shalt  }
0x5d: {  	_ =	shalt  }
0x5e: {  	_ =	shalt  }
0x5f: {  	_ =	shalt  }
0x60: {  	_ =	shalt  }
0x61: {  	_ =	shalt  }
0x62: {  	_ =	shalt  }
0x63: {  	_ =	shalt  }
0x64: {  	_ =	shalt  }
0x65: {  	_ =	shalt  }
0x66: {  	_ =	shalt  }
0x67: {  	_ =	shalt  }
0x68: {  	_ =	shalt  }
0x69: {  	_ =	shalt  }
0x6a: {  	_ =	shalt  }
0x6b: {  	_ =	shalt  }
0x6c: {  	_ =	shalt  }
0x6d: {  	_ =	shalt  }
0x6e: {  	_ =	shalt  }
0x6f: {  	_ =	shalt  }
0x70: {  	_ =	shalt  }
0x71: {  	_ =	shalt  }
0x72: {  	_ =	shalt  }
0x73: {  	_ =	shalt  }
0x74: {  	_ =	shalt  }
0x75: {  	_ =	shalt  }
0x76: {  	_ =	shalt  }
0x77: {  	_ =	shalt  }
0x78: {  	_ =	shalt  }
0x79: {  	_ =	shalt  }
0x7a: {  	_ =	shalt  }
0x7b: {  	_ =	shalt  }
0x7c: {  	_ =	shalt  }
0x7d: {  	_ =	shalt  }
0x7e: {  	_ =	shalt  }
0x7f: {  	_ =	shalt  }
0x80: {  	_ =	shalt  }
0x81: {  	_ =	shalt  }
0x82: {  	_ =	shalt  }
0x83: {  	_ =	shalt  }
0x84: {  	_ =	shalt  }
0x85: {  	_ =	shalt  }
0x86: {  	_ =	shalt  }
0x87: {  	_ =	shalt  }
.Lfunc_end0:
.L_simem_size_0:
called_computation.3_lowered:
.L_overlay_start_0:
0x88: {  	s2 =	sld [smem:$0x3FD9]  }
0x89: {  	s3 =	sld [smem:$0x3FFE];
	_ =	sdelay $0x1  }
0x8a: {  	s1 =	srdreg.scid  }
0x8b: {  	s0 =	sand.u32 $0x1, s1  }
0x8c: {  	s16 =	sshll.u32 s0, $0xA;
	s2 =	sadd.s32 s3, s2  }
0x8d: {  	s2 =	sadd.s32 s2, s16  }
0x8e: {  	[smem:$0x3FBD] =	sst s2  }
0x8f: {  	_ = 	snop  }
0x90: {  	(tm) =	ssettm $0x1  }
0x91: {  	s17 =	sld [smem:$0x3FFB];
	_ =	sdelay $0x3  }
0x92: {  	_ =	strace s17  }
0x93: {  	s2 =	sld [smem:$0x3FFC];
	_ =	sdelay $0x3  }
0x94: {  	_ =	strace s2  }
0x95: {  	s2 =	sld [smem:$0x3FFD];
	_ =	sdelay $0x3  }
0x96: {  	_ =	strace s2  }
0x97: {  	_ =	strace $0x8FFFFFFF  }
0x98: {  	s18 =	sld [smem:$0x3FDB];
	_ =	sdelay $0x1  }
0x99: {  	s19 =	simm.s32 $_scs_section_size  }
0x9a: {  	s4 =	simm.s32 $_size__tile_overlayer_lowered;
	s5 =	simm.s32 $_tile_overlayer_lowered  }
0x9b: {  	s22 =	simm.s32 $0x1BFF;
	s21 =	sshll.u32 s5, $0x1;
	s2 =	sadd.s32 s19, s18  }
0x9c: {  	s6 =	simm.s32 $0x0;
	s20 =	sshll.u32 s4, $0x1;
	s4 =	sadd.s32 s21, s2  }
0x9d: {  	[timem:s6], [sflag:s22] =	dma.local [hbm:s4], s20  }
0x9e: {  	_ =	swait.ge [sflag:s22], s20  }
0x9f: {  	s3 =	ssub.s32 $0x0, s20;
	[sflag:s22] =	ssyncset.done $0x0  }
0xa0: {  	[sflag:s22] =	ssyncadd.s32 s3;
	_ =	sdelay $0x1  }
0xa1: {  	s23 =	simm.s32 $0x1B8B  }
0xa2: {  	_ =	swait.ge [sflag:s23], $0x1  }
0xa3: {  	[sflag:s23] =	ssyncset.done $0x0  }
0xa4: {  	s25 =	simm.s32 $0x1B8E;
	s24 =	sld [smem:$0x3FFE];
	[sflag:s23] =	ssyncadd.s32 $0xFFFFFFFF  }
0xa5: {  	s26 =	simm.s32 $execute0_lowered;
	[smem:$0x3FD2] =	sst s25  }
0xa6: {  	s4 =	sshll.u32 s26, $0x1;
	_ =	strace $0x8000004F;
	[dreg:$0x1] =	wrdreg $0xFFFFFFFF  }
0xa7: {  	s28 =	simm.s32 $_size_execute0_lowered;
	s2 =	sadd.s32 s2, s4;
	[dreg:$0x0] =	wrdreg $0x0  }
0xa8: {  	s4 =	sshll.u32 s28, $0x1;
	[dreg:$0x2] =	wrdreg s2  }
0xa9: {  	[dreg:$0x3] =	wrdreg s4  }
0xaa: {  	[dreg:$0x4] =	wrdreg $0xC0  }
0xab: {  	_ =	task [dreg:s6], $0x5FFFF  }
0xac: {  	[dreg:$0x1] =	wrdreg $0xFFFFFFFF  }
0xad: {  	[dreg:$0x0] =	wrdreg $0x60  }
0xae: {  	[dreg:$0x2] =	wrdreg s24  }
0xaf: {  	[dreg:$0x3] =	wrdreg $0x9  }
0xb0: {  	_ =	task.clear_ibuf [dreg:s6], $0x4FFFF;
	_ =	strace $0x9000004F  }
0xb1: {  	s29 =	simm.s32 $0x9;
	_ =	strace $0x80000051  }
0xb2: {  	_ =	swait.ge [sflag:s29], $0x1  }
0xb3: {  	[sflag:s29] =	ssyncadd.s32 $0xFFFFFFFF  }
0xb4: {  	_ =	strace $0x90000051  }
0xb5: {  	_ =	sfence  }
0xb6: {  	s30 =	sld [smem:$0x0];
	_ =	sdelay $0x2  }
0xb7: {  	s31 =	sshll.u32 s1, $0xD;
	s1 =	sshrl.u32 s1, $0x2  }
0xb8: {  	s3 =	sand.u32 $0x4000, s31;
	s1 =	sadd.s32 s1, s30  }
0xb9: {  	s0 =	sor.u32 s3, s0;
	s1 =	sshll.u32 s1, $0x11  }
0xba: {  	s0 =	sor.u32 s1, s0  }
0xbb: {  	s0 =	sadd.s32 $0x8F2B, s0  }
0xbc: {  	[sflag:s0] =	ssyncadd.remote.s32 $0x1  }
0xbd: {  	_ =	sfence.sel $0xFFFF  }
0xbe: {  	[dreg:$0x0] =	wrdreg $0xFFFFFFFF;
	(pc) =	sbr.abs _section_cstart, $3  }
0xbf: {  	[dreg:$0x1] =	wrdreg $0xFFFFFFFF  }
0xc0: {  	_ =	task.clear_ibuf [dreg:s6], $0x2FFFF;
	_ =	strace $0x9FFFFFFF  }
0xc1: {  	(tm) =	ssettm $0x7FFFFFFF  }
tec
execute0_lowered:
.L_overlay_start_1:
0x0: {  	(tag) =	ssettag $0x1  }
0x1: {  	s0 =	srdreg.scid;
	s4 =	rddreg [dreg:$0x0];
	s2 =	simm.s32 $0x0  }
0x2: {  	s10 =	simm.s32 $0x5000;
	s11 =	simm.s32 $0xEE00;
	s3 =	sand.u32 $0x1, s0  }
0x3: {  	s12 =	simm.s32 $0x0;
	s0 =	stileid.u32;
	s1 =	sshll.u32 s3, $0x4  }
0x4: {  	[smem:$0x7FF] =	sst s2;
	s7 =	ssub.s32 $0x2, s3;
	s5 =	sor.u32 s0, s1  }
0x5: {  	s3 =	sadd.s32 $0xC600, s4;
	s1 =	rddreg [dreg:$0x1];
	s6 =	smul.u32 $0x500, s5  }
0x6: {  	_ =	strace $0x80000050;
	s8 =	sshrl.u32 s7, $0x1;
	s5 =	smul.u32 $0x13C0, s5  }
0x7: {  	s7 =	ssub.s32 s7, s8;
	s8 =	simm.s32 $0x1;
	s6 =	sadd.s32 s6, s4  }
0x8: {  	s7 =	smax.u32 s7, $0x1;
	s9 =	sadd.s32 s5, s4;
	s4 =	sadd.s32 $0x33E00, s6  }
0x9: {  	v0 =	vimm.f32 $0.0e+00;
	s5 =	sadd.s32 $0x2600, s6;
	s6 =	sadd.s32 $0x3DE00, s9;
	s9 =	simm.s32 $0x2800  }
.LBB2_1:
0xa: {  	s13 =	simm.s32 $0x40;
	s14 =	simm.s32 $0x0  }
.LBB2_2:
0xb: {  	p0 =	sne.s32 s13, $0x277C0;
	[tilespmem:s14+$0xEE00] =	vst v0;
	s14 =	smov.u32 s13;
	s13 =	sadd.s32 $0x40, s13  }
.Ltmp0:
0xc: {  	(pc) =	sbr.rel @p0 .LBB2_2-.Ltmp0, $2  }
0xd: {  	_ =	sdelay $0x2  }
0xe: {  	s14 =	sshra.s32 s14, $0x2  }
0xf: {  	[tilespmem:s14+$0xEE00] =	vst v0;
	s13 =	simm.s32 $0x0  }
0x10: {  	[tilespmem:s13], [sflag:$0x1] =	stream.linear.gather [hbm4b:s4+s13], $0x2800, $0x38;
	[tilespmem:$0x18C00] =	vst v63  }
0x11: {  	_ =	swait.ge [sflag:s8], $0x2800  }
0x12: {  	[sflag:s8] =	ssyncset.done $0x0  }
0x13: {  	[sflag:s8] =	ssyncadd.s32 $0xFFFFD800  }
0x14: {  	[tilespmem:s9], [sflag:$0x1] =	stream.linear.gather [hbm4b:s5+s13], $0x2800, $0x38;
	[tilespmem:$0x18C00] =	vst v63  }
0x15: {  	_ =	swait.ge [sflag:s8], $0x2800  }
0x16: {  	[sflag:s8] =	ssyncset.done $0x0  }
0x17: {  	[sflag:s8] =	ssyncadd.s32 $0xFFFFD800  }
0x18: {  	[tilespmem:s10], [sflag:$0x1] =	stream.linear.gather [hbm4b:s3+s13], $0x9E00, $0x38;
	[tilespmem:$0x18C00] =	vst v63  }
0x19: {  	_ =	swait.ge [sflag:s8], $0x9E00  }
0x1a: {  	[sflag:s8] =	ssyncset.done $0x0  }
0x1b: {  	[sflag:s8] =	ssyncadd.s32 $0xFFFF6200  }
.LBB2_4:
0x1c: {  	s14 =	sshra.s32 s13, $0x2  }
0x1d: {  	v1 =	vld [tilespmem:s14+$0x0];
	_ =	sdelay $0x4  }
0x1e: {  	v2 =	vld [tilespmem:s14+$0x2800];
	v1 =	vshll.u32 v1, $0x2;
	_ =	sdelay $0x4  }
0x1f: {  	v2 =	vshll.u32 v2, $0x2;
	v3 =	vld.idx.msk [tilespmem:v1+s10+$0x0], $0xffff  }
0x20: {  	v4 =	vor.u32 $0x1, v1;
	_ =	sdelay $0x3  }
0x21: {  	[tilespmem:v2+s11+$0x0] =	vst.idx.add.f32.msk $0xffff, v3  }
0x22: {  	v34 =	vor.u32 $0x1, v2;
	v3 =	vld.idx.msk [tilespmem:v4+s10+$0x0], $0xffff  }
0x23: {  	v5 =	vor.u32 $0x2, v1;
	_ =	sdelay $0x3  }
0x24: {  	[tilespmem:v34+s11+$0x0] =	vst.idx.add.f32.msk $0xffff, v3  }
0x25: {  	v35 =	vor.u32 $0x2, v2;
	v3 =	vld.idx.msk [tilespmem:v5+s10+$0x0], $0xffff  }
0x26: {  	v1 =	vor.u32 $0x3, v1;
	_ =	sdelay $0x3  }
0x27: {  	[tilespmem:v35+s11+$0x0] =	vst.idx.add.f32.msk $0xffff, v3  }
0x28: {  	v2 =	vor.u32 $0x3, v2;
	v1 =	vld.idx.msk [tilespmem:v1+s10+$0x0], $0xffff;
	_ =	sdelay $0x4  }
0x29: {  	[tilespmem:v2+s11+$0x0] =	vst.idx.add.f32.msk $0xffff, v1  }
0x2a: {  	v1 =	vld [tilespmem:s14+$0x10];
	_ =	sdelay $0x4  }
0x2b: {  	v2 =	vld [tilespmem:s14+$0x2810];
	v1 =	vshll.u32 v1, $0x2;
	_ =	sdelay $0x4  }
0x2c: {  	v2 =	vshll.u32 v2, $0x2;
	v3 =	vld.idx.msk [tilespmem:v1+s10+$0x0], $0xffff  }
0x2d: {  	v36 =	vor.u32 $0x1, v1;
	_ =	sdelay $0x3  }
0x2e: {  	[tilespmem:v2+s11+$0x0] =	vst.idx.add.f32.msk $0xffff, v3  }
0x2f: {  	v37 =	vor.u32 $0x1, v2;
	v3 =	vld.idx.msk [tilespmem:v36+s10+$0x0], $0xffff  }
0x30: {  	v38 =	vor.u32 $0x2, v1;
	_ =	sdelay $0x3  }
0x31: {  	[tilespmem:v37+s11+$0x0] =	vst.idx.add.f32.msk $0xffff, v3  }
0x32: {  	v39 =	vor.u32 $0x2, v2;
	v3 =	vld.idx.msk [tilespmem:v38+s10+$0x0], $0xffff  }
0x33: {  	v1 =	vor.u32 $0x3, v1;
	_ =	sdelay $0x3  }
0x34: {  	[tilespmem:v39+s11+$0x0] =	vst.idx.add.f32.msk $0xffff, v3  }
0x35: {  	v2 =	vor.u32 $0x3, v2;
	v1 =	vld.idx.msk [tilespmem:v1+s10+$0x0], $0xffff;
	_ =	sdelay $0x4  }
0x36: {  	[tilespmem:v2+s11+$0x0] =	vst.idx.add.f32.msk $0xffff, v1  }
0x37: {  	v1 =	vld [tilespmem:s14+$0x20];
	_ =	sdelay $0x4  }
0x38: {  	v2 =	vld [tilespmem:s14+$0x2820];
	v1 =	vshll.u32 v1, $0x2;
	_ =	sdelay $0x4  }
0x39: {  	v2 =	vshll.u32 v2, $0x2;
	v3 =	vld.idx.msk [tilespmem:v1+s10+$0x0], $0xffff  }
0x3a: {  	v40 =	vor.u32 $0x1, v1;
	_ =	sdelay $0x3  }
0x3b: {  	[tilespmem:v2+s11+$0x0] =	vst.idx.add.f32.msk $0xffff, v3  }
0x3c: {  	v41 =	vor.u32 $0x1, v2;
	v3 =	vld.idx.msk [tilespmem:v40+s10+$0x0], $0xffff  }
0x3d: {  	v42 =	vor.u32 $0x2, v1;
	_ =	sdelay $0x3  }
0x3e: {  	[tilespmem:v41+s11+$0x0] =	vst.idx.add.f32.msk $0xffff, v3  }
0x3f: {  	v43 =	vor.u32 $0x2, v2;
	v3 =	vld.idx.msk [tilespmem:v42+s10+$0x0], $0xffff  }
0x40: {  	v1 =	vor.u32 $0x3, v1;
	_ =	sdelay $0x3  }
0x41: {  	[tilespmem:v43+s11+$0x0] =	vst.idx.add.f32.msk $0xffff, v3  }
0x42: {  	v2 =	vor.u32 $0x3, v2;
	v1 =	vld.idx.msk [tilespmem:v1+s10+$0x0], $0xffff;
	_ =	sdelay $0x4  }
0x43: {  	[tilespmem:v2+s11+$0x0] =	vst.idx.add.f32.msk $0xffff, v1  }
0x44: {  	v1 =	vld [tilespmem:s14+$0x30];
	_ =	sdelay $0x4  }
0x45: {  	v2 =	vld [tilespmem:s14+$0x2830];
	v1 =	vshll.u32 v1, $0x2;
	_ =	sdelay $0x4  }
0x46: {  	v2 =	vshll.u32 v2, $0x2;
	v3 =	vld.idx.msk [tilespmem:v1+s10+$0x0], $0xffff  }
0x47: {  	v44 =	vor.u32 $0x1, v1;
	_ =	sdelay $0x3  }
0x48: {  	[tilespmem:v2+s11+$0x0] =	vst.idx.add.f32.msk $0xffff, v3  }
0x49: {  	v45 =	vor.u32 $0x1, v2;
	v3 =	vld.idx.msk [tilespmem:v44+s10+$0x0], $0xffff  }
0x4a: {  	v46 =	vor.u32 $0x2, v1;
	_ =	sdelay $0x3  }
0x4b: {  	[tilespmem:v45+s11+$0x0] =	vst.idx.add.f32.msk $0xffff, v3  }
0x4c: {  	v47 =	vor.u32 $0x2, v2;
	v3 =	vld.idx.msk [tilespmem:v46+s10+$0x0], $0xffff  }
0x4d: {  	v1 =	vor.u32 $0x3, v1;
	_ =	sdelay $0x3  }
0x4e: {  	[tilespmem:v47+s11+$0x0] =	vst.idx.add.f32.msk $0xffff, v3  }
0x4f: {  	v2 =	vor.u32 $0x3, v2;
	v1 =	vld.idx.msk [tilespmem:v1+s10+$0x0], $0xffff;
	_ =	sdelay $0x4  }
0x50: {  	[tilespmem:v2+s11+$0x0] =	vst.idx.add.f32.msk $0xffff, v1  }
0x51: {  	v1 =	vld [tilespmem:s14+$0x40];
	_ =	sdelay $0x4  }
0x52: {  	v2 =	vld [tilespmem:s14+$0x2840];
	v1 =	vshll.u32 v1, $0x2;
	_ =	sdelay $0x4  }
0x53: {  	v2 =	vshll.u32 v2, $0x2;
	v3 =	vld.idx.msk [tilespmem:v1+s10+$0x0], $0xffff  }
0x54: {  	v48 =	vor.u32 $0x1, v1;
	_ =	sdelay $0x3  }
0x55: {  	[tilespmem:v2+s11+$0x0] =	vst.idx.add.f32.msk $0xffff, v3  }
0x56: {  	v49 =	vor.u32 $0x1, v2;
	v3 =	vld.idx.msk [tilespmem:v48+s10+$0x0], $0xffff  }
0x57: {  	v50 =	vor.u32 $0x2, v1;
	_ =	sdelay $0x3  }
0x58: {  	[tilespmem:v49+s11+$0x0] =	vst.idx.add.f32.msk $0xffff, v3  }
0x59: {  	v51 =	vor.u32 $0x2, v2;
	v3 =	vld.idx.msk [tilespmem:v50+s10+$0x0], $0xffff  }
0x5a: {  	v1 =	vor.u32 $0x3, v1;
	_ =	sdelay $0x3  }
0x5b: {  	[tilespmem:v51+s11+$0x0] =	vst.idx.add.f32.msk $0xffff, v3  }
0x5c: {  	v2 =	vor.u32 $0x3, v2;
	v1 =	vld.idx.msk [tilespmem:v1+s10+$0x0], $0xffff;
	_ =	sdelay $0x4  }
0x5d: {  	[tilespmem:v2+s11+$0x0] =	vst.idx.add.f32.msk $0xffff, v1  }
0x5e: {  	v1 =	vld [tilespmem:s14+$0x50];
	_ =	sdelay $0x4  }
0x5f: {  	v2 =	vld [tilespmem:s14+$0x2850];
	v1 =	vshll.u32 v1, $0x2;
	_ =	sdelay $0x4  }
0x60: {  	v2 =	vshll.u32 v2, $0x2;
	v3 =	vld.idx.msk [tilespmem:v1+s10+$0x0], $0xffff  }
0x61: {  	v52 =	vor.u32 $0x1, v1;
	_ =	sdelay $0x3  }
0x62: {  	[tilespmem:v2+s11+$0x0] =	vst.idx.add.f32.msk $0xffff, v3  }
0x63: {  	v53 =	vor.u32 $0x1, v2;
	v3 =	vld.idx.msk [tilespmem:v52+s10+$0x0], $0xffff  }
0x64: {  	v54 =	vor.u32 $0x2, v1;
	_ =	sdelay $0x3  }
0x65: {  	[tilespmem:v53+s11+$0x0] =	vst.idx.add.f32.msk $0xffff, v3  }
0x66: {  	v55 =	vor.u32 $0x2, v2;
	v3 =	vld.idx.msk [tilespmem:v54+s10+$0x0], $0xffff  }
0x67: {  	v1 =	vor.u32 $0x3, v1;
	_ =	sdelay $0x3  }
0x68: {  	[tilespmem:v55+s11+$0x0] =	vst.idx.add.f32.msk $0xffff, v3  }
0x69: {  	v2 =	vor.u32 $0x3, v2;
	v1 =	vld.idx.msk [tilespmem:v1+s10+$0x0], $0xffff;
	_ =	sdelay $0x4  }
0x6a: {  	[tilespmem:v2+s11+$0x0] =	vst.idx.add.f32.msk $0xffff, v1  }
0x6b: {  	v1 =	vld [tilespmem:s14+$0x60];
	_ =	sdelay $0x4  }
0x6c: {  	v2 =	vld [tilespmem:s14+$0x2860];
	v1 =	vshll.u32 v1, $0x2;
	_ =	sdelay $0x4  }
0x6d: {  	v2 =	vshll.u32 v2, $0x2;
	v3 =	vld.idx.msk [tilespmem:v1+s10+$0x0], $0xffff  }
0x6e: {  	v56 =	vor.u32 $0x1, v1;
	_ =	sdelay $0x3  }
0x6f: {  	[tilespmem:v2+s11+$0x0] =	vst.idx.add.f32.msk $0xffff, v3  }
0x70: {  	v57 =	vor.u32 $0x1, v2;
	v3 =	vld.idx.msk [tilespmem:v56+s10+$0x0], $0xffff  }
0x71: {  	v58 =	vor.u32 $0x2, v1;
	_ =	sdelay $0x3  }
0x72: {  	[tilespmem:v57+s11+$0x0] =	vst.idx.add.f32.msk $0xffff, v3  }
0x73: {  	v59 =	vor.u32 $0x2, v2;
	v3 =	vld.idx.msk [tilespmem:v58+s10+$0x0], $0xffff  }
0x74: {  	v1 =	vor.u32 $0x3, v1;
	_ =	sdelay $0x3  }
0x75: {  	[tilespmem:v59+s11+$0x0] =	vst.idx.add.f32.msk $0xffff, v3  }
0x76: {  	v2 =	vor.u32 $0x3, v2;
	v1 =	vld.idx.msk [tilespmem:v1+s10+$0x0], $0xffff;
	_ =	sdelay $0x4  }
0x77: {  	[tilespmem:v2+s11+$0x0] =	vst.idx.add.f32.msk $0xffff, v1  }
0x78: {  	v1 =	vld [tilespmem:s14+$0x70];
	_ =	sdelay $0x4  }
0x79: {  	v2 =	vld [tilespmem:s14+$0x2870];
	v1 =	vshll.u32 v1, $0x2;
	_ =	sdelay $0x4  }
0x7a: {  	v2 =	vshll.u32 v2, $0x2;
	v3 =	vld.idx.msk [tilespmem:v1+s10+$0x0], $0xffff  }
0x7b: {  	v60 =	vor.u32 $0x1, v1;
	_ =	sdelay $0x3  }
0x7c: {  	[tilespmem:v2+s11+$0x0] =	vst.idx.add.f32.msk $0xffff, v3  }
0x7d: {  	v61 =	vor.u32 $0x1, v2;
	v3 =	vld.idx.msk [tilespmem:v60+s10+$0x0], $0xffff  }
0x7e: {  	v62 =	vor.u32 $0x2, v1;
	_ =	sdelay $0x3  }
0x7f: {  	[tilespmem:v61+s11+$0x0] =	vst.idx.add.f32.msk $0xffff, v3  }
0x80: {  	v63 =	vor.u32 $0x2, v2;
	v3 =	vld.idx.msk [tilespmem:v62+s10+$0x0], $0xffff  }
0x81: {  	v1 =	vor.u32 $0x3, v1;
	_ =	sdelay $0x3  }
0x82: {  	[tilespmem:v63+s11+$0x0] =	vst.idx.add.f32.msk $0xffff, v3  }
0x83: {  	p0 =	sne.s32 s13, $0x9E00;
	v2 =	vor.u32 $0x3, v2;
	v1 =	vld.idx.msk [tilespmem:v1+s10+$0x0], $0xffff  }
.Ltmp1:
0x84: {  	_ = 	snop;
	(pc) =	sbr.rel @p0 .LBB2_4-.Ltmp1, $2  }
0x85: {  	_ =	sdelay $0x2  }
0x86: {  	s13 =	sadd.s32 $0x200, s13;
	[tilespmem:v2+s11+$0x0] =	vst.idx.add.f32.msk $0xffff, v1  }
0x87: {  	s12 =	sadd.s32 $0x1, s12  }
0x88: {  	p0 =	sne.s32 s12, s7  }
.Ltmp2:
0x89: {  	_ = 	snop;
	(pc) =	sbr.rel @p0 .LBB2_1-.Ltmp2, $4  }
0x8a: {  	[hbm4b:s6+s2] =	stream.linear.scatter [tilespmem:s11], [sflag:$0x1], $0x9E00, $0x38;
	[tilespmem:$0x18C00] =	vst v63  }
0x8b: {  	_ =	swait.ge [sflag:s8], $0x9E00  }
0x8c: {  	[sflag:s8] =	ssyncset.done $0x0  }
0x8d: {  	[sflag:s8] =	ssyncadd.s32 $0xFFFF6200  }
0x8e: {  	_ =	sfence.sel $0x180000  }
0x8f: {  	[bflag:$0x0] =	sbarrier.arrive $0xFFFF  }
0x90: {  	p0 =	sne.s32 s0, $0x0;
	_ =	strace $0x90000050  }
0x91: {  	s0 =	sadd.s32 @!p0 $0x100000, s1;
	[bflag:$0x2] =	sbarrier.arrive $0xFFFF  }
0x92: {  	[sflag:s0] =	ssyncadd.tile.s32 @!p0 $0x1;
	_ =	shalt  }
.Lfunc_end2:
_tile_overlayer_lowered:
.L_overlay_start_2:
0x93: {  	(tag) =	ssettag $0x2  }
0x94: {  	s0 =	rddreg [dreg:$0x0];
	s2 =	stileid.u32  }
0x95: {  	s1 =	rddreg [dreg:$0x1];
	p0 =	sne.s32 s2, $0x0  }
0x96: {  	s3 =	rddreg [dreg:$0x2];
	[bflag:$0x3] =	sbarrier.arrive $0xFFFF;
	s2 =	simm.s32 @!p0 $0x1C01  }
0x97: {  	[timem:s3], [sflag:s2] =	dma.local @!p0 [hbm:s0], s1  }
0x98: {  	s0 =	simm.s32 @!p0 $0x1  }
0x99: {  	_ =	swait.ge @!p0 [sflag:s0], s1  }
0x9a: {  	s1 =	ssub.s32 @!p0 $0x0, s1;
	[sflag:s0] =	ssyncset.done @!p0 $0x0  }
0x9b: {  	[sflag:s0] =	ssyncadd.s32 @!p0 s1  }
0x9c: {  	[bflag:$0x3] =	sbarrier.arrive $0xFFFF  }
0x9d: {  	_ =	shalt  }

</sc_bundles>
